<compile_context>
chip_gen: v7x
topology: tpu7x:2x2x1
jax: 0.10.2.dev20260603
libtpu: 0.0.44.dev20260713+nightly
codegen_flags: <defaults>
</compile_context>

<pallas_src>
import functools
import math

import jax
import jax.numpy as jnp
from jax import lax
from jax.experimental import pallas as pl
from jax.experimental.pallas import tpu as pltpu
from jax.experimental.pallas import tpu_sc as plsc

_N_NODES = 50_000
_N_EDGES = 3_200_000
_NW = 32
_NCHUNK = 1
_ECH = _N_EDGES // _NCHUNK
_EPW = _ECH // _NW
_BLK = 1024
_NFULL = _EPW // _BLK
_TAIL = _EPW - _NFULL * _BLK
_CHUNK = 128

_S3 = math.sqrt(3.0)
_S5 = math.sqrt(5.0)


def _rsqrt(n):
    i = plsc.bitcast(n, jnp.int32)
    i = jnp.int32(0x5F3759DF) - (i >> 1)
    y = plsc.bitcast(i, jnp.float32)
    for _ in range(2):
        y = y * (jnp.float32(1.5) - jnp.float32(0.5) * n * y * y)
    return y


def _compute_block(xtab, ytab, idx_s, idx_d, z_s, z_d, hbx, hby, hbz,
                   bvx, bvy, bvz, bl, bsh, nb):
    def grp(g, carry):
        o = pl.ds(g * 16, 16)
        ns = idx_s[o]
        nd = idx_d[o]
        sx = plsc.load_gather(xtab, [ns])
        sy = plsc.load_gather(ytab, [ns])
        sz = z_s[o]
        dxr = plsc.load_gather(xtab, [nd])
        dyr = plsc.load_gather(ytab, [nd])
        dzr = z_d[o]
        vx = dxr - sx + hbx[o]
        vy = dyr - sy + hby[o]
        vz = dzr - sz + hbz[o]
        n = vx * vx + vy * vy + vz * vz
        r = _rsqrt(n)
        r = jnp.where(n > 0.0, r, jnp.float32(0.0))
        ux = vx * r
        uy = vy * r
        uz = vz * r
        bvx[o] = vx
        bvy[o] = vy
        bvz[o] = vz
        bl[o] = n * r
        s3 = jnp.float32(_S3)
        s5 = jnp.float32(_S5)
        bsh[0][o] = s3 * ux
        bsh[1][o] = s3 * uy
        bsh[2][o] = s3 * uz
        bsh[3][o] = s5 * s3 * ux * uz
        bsh[4][o] = s5 * s3 * ux * uy
        bsh[5][o] = s5 * (uy * uy - jnp.float32(0.5) * (ux * ux + uz * uz))
        bsh[6][o] = s5 * s3 * uy * uz
        bsh[7][o] = s5 * jnp.float32(0.5 * _S3) * (uz * uz - ux * ux)
        return carry

    lax.fori_loop(0, nb // 16, grp, 0)


def _do_block(ins, outs, z_sp, xtab, ytab, inbufs, obufs, sems,
              base, obase, nb, drain_nb):
    srcs, dsts, shx, shy, shz = ins
    idx_s, idx_d, z_s, z_d, hbx, hby, hbz = inbufs
    bvx, bvy, bvz, bl, *bsh = obufs
    sem, isem, lsem, osem = sems
    icps = [
        pltpu.async_copy(
            srcs.at[pl.ds(base, nb)], idx_s.at[pl.ds(0, nb)], isem),
        pltpu.async_copy(
            dsts.at[pl.ds(base, nb)], idx_d.at[pl.ds(0, nb)], isem),
    ]
    lcps = []
    for hbm_ref, loc_ref in zip((shx, shy, shz), (hbx, hby, hbz)):
        lcps.append(pltpu.async_copy(
            hbm_ref.at[pl.ds(base, nb)], loc_ref.at[pl.ds(0, nb)], lsem))
    for c in icps:
        c.wait()
    cps = []
    nfull, rem = divmod(nb, _CHUNK)
    for j in range(nfull + (1 if rem else 0)):
        o = j * _CHUNK
        c = rem if (rem and j == nfull) else _CHUNK
        cps.append(pltpu.async_copy(
            z_sp.at[idx_s.at[pl.ds(o, c)]], z_s.at[pl.ds(o, c)], sem))
        cps.append(pltpu.async_copy(
            z_sp.at[idx_d.at[pl.ds(o, c)]], z_d.at[pl.ds(o, c)], sem))
    for c in lcps:
        c.wait()
    for c in cps:
        c.wait()
    _compute_block(xtab, ytab, idx_s, idx_d, z_s, z_d, hbx, hby, hbz,
                   bvx, bvy, bvz, bl, bsh, nb)
    ocps = [
        pltpu.async_copy(
            loc_ref.at[pl.ds(0, nb)], hbm_ref.at[pl.ds(obase, nb)], osem)
        for hbm_ref, loc_ref in zip(outs, obufs)
    ]
    for c in ocps:
        c.wait()


def _sc_body(chunk, xs, ys, zs, srcs, dsts, shx, shy, shz, *out_and_scratch):
    outs = out_and_scratch[:12]
    rest = out_and_scratch[12:]
    xtab, ytab, z_sp = rest[:3]
    inbufs = rest[3:10]
    obufs0 = rest[10:22]
    sems = rest[22:]
    sid = lax.axis_index("s")
    cid = lax.axis_index("c")
    wid = sid * 2 + cid

    @pl.when(sid == 0)
    def _():
        pltpu.sync_copy(zs, z_sp)

    pltpu.sync_copy(xs, xtab)
    pltpu.sync_copy(ys, ytab)
    plsc.subcore_barrier()

    start = chunk * _ECH + wid * _EPW
    ostart = wid * _EPW
    ins = (srcs, dsts, shx, shy, shz)

    def blk(b, carry):
        _do_block(ins, outs, z_sp, xtab, ytab, inbufs, obufs0, sems,
                  start + b * _BLK, ostart + b * _BLK, _BLK, 0)
        return carry

    lax.fori_loop(0, _NFULL, blk, 0)
    _do_block(ins, outs, z_sp, xtab, ytab, inbufs, obufs0, sems,
              start + _NFULL * _BLK, ostart + _NFULL * _BLK, _TAIL, 0)


@jax.jit
def _run(xs, ys, zs, srcs, dsts, shx, shy, shz):
    mesh = plsc.VectorSubcoreMesh(core_axis_name="c", subcore_axis_name="s")
    plane = jax.ShapeDtypeStruct((_ECH,), jnp.float32)
    res = []
    for chunk in range(_NCHUNK):
        f = pl.kernel(
            functools.partial(_sc_body, chunk),
            out_type=[plane] * 12,
            mesh=mesh,
            compiler_params=pltpu.CompilerParams(needs_layout_passes=False),
            scratch_types=[
                pltpu.VMEM((_N_NODES,), jnp.float32),
                pltpu.VMEM((_N_NODES,), jnp.float32),
                pltpu.VMEM_SHARED((_N_NODES,), jnp.float32),
                pltpu.VMEM((_BLK,), jnp.int32),
                pltpu.VMEM((_BLK,), jnp.int32),
            ] + [pltpu.VMEM((_BLK,), jnp.float32)] * 17 + [
                pltpu.SemaphoreType.DMA,
                pltpu.SemaphoreType.DMA,
                pltpu.SemaphoreType.DMA,
                pltpu.SemaphoreType.DMA,
            ],
        )
        res.append(f(xs, ys, zs, srcs, dsts, shx, shy, shz))
    return res


def kernel(pos, edge_index, shift):
    xs = pos[:, 0]
    ys = pos[:, 1]
    zs = pos[:, 2]
    srcs = edge_index[0].astype(jnp.int32)
    dsts = edge_index[1].astype(jnp.int32)
    shx = shift[:, 0]
    shy = shift[:, 1]
    shz = shift[:, 2]
    res = _run(xs, ys, zs, srcs, dsts, shx, shy, shz)
    ev = jnp.stack(
        [jnp.concatenate([r[i] for r in res]) for i in range(3)], axis=1)
    el = jnp.concatenate([r[3] for r in res])
    esh = jnp.stack(
        [jnp.ones_like(el)]
        + [jnp.concatenate([r[i] for r in res]) for i in range(4, 12)],
        axis=1)
    return (ev, el, esh)

# --- scband reference (transcript-rebuilt; emitter-appended) ---
"""Pipeline reference for scband-spherical-harmonic-edge-attrs-58033598103892 (READ-ONLY COPY).

The authoritative reference and input builder live on the scoring server;
editing this copy changes nothing except your own understanding.
"""

import jax, jax.numpy as jnp
import numpy as np
import math

N_NODES = 50000
N_EDGES = 3200000


def _spherical_harmonics_lmax2(vec):
    # e3nn o3.SphericalHarmonics(lmax=2, normalize=True, normalization='component')
    n = jnp.linalg.norm(vec, axis=-1, keepdims=True)
    u = vec / jnp.where(n > 0, n, 1.0)
    x = u[..., 0]
    y = u[..., 1]
    z = u[..., 2]
    s3 = math.sqrt(3.0)
    sh0 = jnp.ones_like(x)[..., None]
    sh1 = jnp.stack([x, y, z], axis=-1)
    sh2 = jnp.stack([
        s3 * x * z,
        s3 * x * y,
        y * y - 0.5 * (x * x + z * z),
        s3 * y * z,
        (s3 / 2.0) * (z * z - x * x),
    ], axis=-1)
    # component normalization: block l scaled by sqrt(2l+1)
    sh = jnp.concatenate([
        sh0 * 1.0,
        sh1 * math.sqrt(3.0),
        sh2 * math.sqrt(5.0),
    ], axis=-1)
    return sh


def setup_inputs(seed: int = 0) -> dict:
    key = jax.random.key(seed)
    k1, k2 = jax.random.split(key, 2)
    pos = jax.random.normal(k1, (N_NODES, 3), dtype=jnp.float32)
    edge_index = jax.random.randint(k2, (2, N_EDGES), 0, N_NODES, dtype=jnp.int64)
    shift = jnp.zeros((N_EDGES, 3), dtype=jnp.float32)
    return {"pos": pos, "edge_index": edge_index, "shift": shift}


def reference(pos, edge_index, shift):
    edge_vec = pos[edge_index[1]] - pos[edge_index[0]]
    edge_vec = edge_vec + shift
    edge_lengths = jnp.linalg.norm(edge_vec, axis=1)
    edge_sh = _spherical_harmonics_lmax2(edge_vec)
    return (edge_vec, edge_lengths, edge_sh)

if __name__ == "__main__":
    import jax
    _d = setup_inputs()
    print(jax.jit(kernel)(*tuple(_d.values())))

</pallas_src>

<mosaic_0001>
#map = affine_map<(d0, d1) -> (0)>
module attributes {stable_mosaic.version = 14 : i64} {
  func.func @_sc_body(%arg0: i32, %arg1: i32, %arg2: memref<50000xf32, #tpu.memory_space<hbm>>, %arg3: memref<50000xf32, #tpu.memory_space<hbm>>, %arg4: memref<50000xf32, #tpu.memory_space<hbm>>, %arg5: memref<3200000xi32, #tpu.memory_space<hbm>>, %arg6: memref<3200000xi32, #tpu.memory_space<hbm>>, %arg7: memref<3200000xf32, #tpu.memory_space<hbm>>, %arg8: memref<3200000xf32, #tpu.memory_space<hbm>>, %arg9: memref<3200000xf32, #tpu.memory_space<hbm>>, %arg10: memref<3200000xf32, #tpu.memory_space<hbm>>, %arg11: memref<3200000xf32, #tpu.memory_space<hbm>>, %arg12: memref<3200000xf32, #tpu.memory_space<hbm>>, %arg13: memref<3200000xf32, #tpu.memory_space<hbm>>, %arg14: memref<3200000xf32, #tpu.memory_space<hbm>>, %arg15: memref<3200000xf32, #tpu.memory_space<hbm>>, %arg16: memref<3200000xf32, #tpu.memory_space<hbm>>, %arg17: memref<3200000xf32, #tpu.memory_space<hbm>>, %arg18: memref<3200000xf32, #tpu.memory_space<hbm>>, %arg19: memref<3200000xf32, #tpu.memory_space<hbm>>, %arg20: memref<3200000xf32, #tpu.memory_space<hbm>>, %arg21: memref<3200000xf32, #tpu.memory_space<hbm>>, %arg22: memref<50000xf32, #tpu.memory_space<vmem>>, %arg23: memref<50000xf32, #tpu.memory_space<vmem>>, %arg24: memref<50000xf32, #tpu.memory_space<vmem_shared>>, %arg25: memref<1024xi32, #tpu.memory_space<vmem>>, %arg26: memref<1024xi32, #tpu.memory_space<vmem>>, %arg27: memref<1024xf32, #tpu.memory_space<vmem>>, %arg28: memref<1024xf32, #tpu.memory_space<vmem>>, %arg29: memref<1024xf32, #tpu.memory_space<vmem>>, %arg30: memref<1024xf32, #tpu.memory_space<vmem>>, %arg31: memref<1024xf32, #tpu.memory_space<vmem>>, %arg32: memref<1024xf32, #tpu.memory_space<vmem>>, %arg33: memref<1024xf32, #tpu.memory_space<vmem>>, %arg34: memref<1024xf32, #tpu.memory_space<vmem>>, %arg35: memref<1024xf32, #tpu.memory_space<vmem>>, %arg36: memref<1024xf32, #tpu.memory_space<vmem>>, %arg37: memref<1024xf32, #tpu.memory_space<vmem>>, %arg38: memref<1024xf32, #tpu.memory_space<vmem>>, %arg39: memref<1024xf32, #tpu.memory_space<vmem>>, %arg40: memref<1024xf32, #tpu.memory_space<vmem>>, %arg41: memref<1024xf32, #tpu.memory_space<vmem>>, %arg42: memref<1024xf32, #tpu.memory_space<vmem>>, %arg43: memref<1024xf32, #tpu.memory_space<vmem>>, %arg44: memref<!tpu.dma_semaphore, #tpu.memory_space<semaphore_mem>>, %arg45: memref<!tpu.dma_semaphore, #tpu.memory_space<semaphore_mem>>, %arg46: memref<!tpu.dma_semaphore, #tpu.memory_space<semaphore_mem>>, %arg47: memref<!tpu.dma_semaphore, #tpu.memory_space<semaphore_mem>>) attributes {dimension_semantics = [#tpu.dimension_semantics<core_parallel>, #tpu.dimension_semantics<subcore_parallel>], iteration_bounds = array<i64: 2, 16>, scalar_prefetch = 0 : i64, scratch_operands = 26 : i64, tpu.core_type = #tpu.core_type<sc_vector_subcore>, window_params = [{transform_indices = #map}, {transform_indices = #map}, {transform_indices = #map}, {transform_indices = #map}, {transform_indices = #map}, {transform_indices = #map}, {transform_indices = #map}, {transform_indices = #map}, {transform_indices = #map}, {transform_indices = #map}, {transform_indices = #map}, {transform_indices = #map}, {transform_indices = #map}, {transform_indices = #map}, {transform_indices = #map}, {transform_indices = #map}, {transform_indices = #map}, {transform_indices = #map}, {transform_indices = #map}, {transform_indices = #map}]} {
    %mul3A = arith.constant 2 : i32
    %mul3A_0 = arith.muli %arg1, %mul3A : i32
    %add3A = arith.addi %mul3A_0, %arg0 : i32
    %eq3A = arith.constant 0 : i32
    %eq3A_1 = arith.cmpi eq, %arg1, %eq3A : i32
    %convert_element_type3A = arith.extui %eq3A_1 : i1 to i32
    %cond3A = arith.constant 0 : i32
    %cond3A_2 = arith.cmpi ne, %convert_element_type3A, %cond3A : i32
    scf.if %cond3A_2 {
      "tpu.region"() ({
        %run_scoped3A = tpu.sem_alloc : memref<!tpu.dma_semaphore, #tpu.memory_space<semaphore_mem>>
        tpu.enqueue_dma source(%arg4 : memref<50000xf32, #tpu.memory_space<hbm>>) target(%arg24 : memref<50000xf32, #tpu.memory_space<vmem_shared>>) target_semaphore(%run_scoped3A : memref<!tpu.dma_semaphore, #tpu.memory_space<semaphore_mem>>)
        tpu.wait_dma2 semaphore(%run_scoped3A : memref<!tpu.dma_semaphore, #tpu.memory_space<semaphore_mem>>) src(%arg4 : memref<50000xf32, #tpu.memory_space<hbm>>) dst(%arg24 : memref<50000xf32, #tpu.memory_space<vmem_shared>>)
        tpu.yield
      }) : () -> ()
    } else {
    }
    "tpu.region"() ({
      %run_scoped3A = tpu.sem_alloc : memref<!tpu.dma_semaphore, #tpu.memory_space<semaphore_mem>>
      tpu.enqueue_dma source(%arg2 : memref<50000xf32, #tpu.memory_space<hbm>>) target(%arg22 : memref<50000xf32, #tpu.memory_space<vmem>>) target_semaphore(%run_scoped3A : memref<!tpu.dma_semaphore, #tpu.memory_space<semaphore_mem>>)
      tpu.wait_dma2 semaphore(%run_scoped3A : memref<!tpu.dma_semaphore, #tpu.memory_space<semaphore_mem>>) src(%arg2 : memref<50000xf32, #tpu.memory_space<hbm>>) dst(%arg22 : memref<50000xf32, #tpu.memory_space<vmem>>)
      tpu.yield
    }) : () -> ()
    "tpu.region"() ({
      %run_scoped3A = tpu.sem_alloc : memref<!tpu.dma_semaphore, #tpu.memory_space<semaphore_mem>>
      tpu.enqueue_dma source(%arg3 : memref<50000xf32, #tpu.memory_space<hbm>>) target(%arg23 : memref<50000xf32, #tpu.memory_space<vmem>>) target_semaphore(%run_scoped3A : memref<!tpu.dma_semaphore, #tpu.memory_space<semaphore_mem>>)
      tpu.wait_dma2 semaphore(%run_scoped3A : memref<!tpu.dma_semaphore, #tpu.memory_space<semaphore_mem>>) src(%arg3 : memref<50000xf32, #tpu.memory_space<hbm>>) dst(%arg23 : memref<50000xf32, #tpu.memory_space<vmem>>)
      tpu.yield
    }) : () -> ()
    %barrier3A = arith.constant 0 : index
    tpu.barrier barrier_id(%barrier3A)
    %mul3A_3 = arith.constant 100000 : i32
    %mul3A_4 = arith.muli %add3A, %mul3A_3 : i32
    %add3A_5 = arith.constant 0 : i32
    %add3A_6 = arith.addi %add3A_5, %mul3A_4 : i32
    %mul3A_7 = arith.constant 100000 : i32
    %mul3A_8 = arith.muli %add3A, %mul3A_7 : i32
    %scan3A = arith.constant 0 : i32
    %scan3A_9 = arith.constant 0 : i32
    %scan3A_10 = arith.constant 97 : i32
    %scan3A_11 = arith.addi %scan3A_9, %scan3A_10 : i32
    %scan3A_12 = arith.constant 1 : i32
    scf.for %scan3A_370 = %scan3A_9 to %scan3A_11 step %scan3A_12  : i32 {
      %mul3A_371 = arith.constant 1024 : i32
      %mul3A_372 = arith.muli %scan3A_370, %mul3A_371 : i32
      %add3A_373 = arith.addi %add3A_6, %mul3A_372 : i32
      %mul3A_374 = arith.constant 1024 : i32
      %mul3A_375 = arith.muli %scan3A_370, %mul3A_374 : i32
      %add3A_376 = arith.addi %mul3A_8, %mul3A_375 : i32
      %dma_start3A_377 = arith.constant 0 : i32
      %dma_start3A_378 = tpu.memref_slice %arg25[%dma_start3A_377] : memref<1024xi32, #tpu.memory_space<vmem>> -> memref<1024xi32, #tpu.memory_space<vmem>>
      %dma_start3A_379 = tpu.memref_slice %arg5[%add3A_373] : memref<3200000xi32, #tpu.memory_space<hbm>> -> memref<1024xi32, #tpu.memory_space<hbm>>
      %dma_start3A_380 = arith.constant 0 : i32
      %dma_start3A_381 = tpu.memref_slice %arg25[%dma_start3A_380] : memref<1024xi32, #tpu.memory_space<vmem>> -> memref<1024xi32, #tpu.memory_space<vmem>>
      %dma_start3A_382 = tpu.memref_slice %arg5[%add3A_373] : memref<3200000xi32, #tpu.memory_space<hbm>> -> memref<1024xi32, #tpu.memory_space<hbm>>
      tpu.enqueue_dma source(%dma_start3A_382 : memref<1024xi32, #tpu.memory_space<hbm>>) target(%dma_start3A_381 : memref<1024xi32, #tpu.memory_space<vmem>>) target_semaphore(%arg45 : memref<!tpu.dma_semaphore, #tpu.memory_space<semaphore_mem>>)
      %dma_start3A_383 = arith.constant 0 : i32
      %dma_start3A_384 = tpu.memref_slice %arg26[%dma_start3A_383] : memref<1024xi32, #tpu.memory_space<vmem>> -> memref<1024xi32, #tpu.memory_space<vmem>>
      %dma_start3A_385 = tpu.memref_slice %arg6[%add3A_373] : memref<3200000xi32, #tpu.memory_space<hbm>> -> memref<1024xi32, #tpu.memory_space<hbm>>
      %dma_start3A_386 = arith.constant 0 : i32
      %dma_start3A_387 = tpu.memref_slice %arg26[%dma_start3A_386] : memref<1024xi32, #tpu.memory_space<vmem>> -> memref<1024xi32, #tpu.memory_space<vmem>>
      %dma_start3A_388 = tpu.memref_slice %arg6[%add3A_373] : memref<3200000xi32, #tpu.memory_space<hbm>> -> memref<1024xi32, #tpu.memory_space<hbm>>
      tpu.enqueue_dma source(%dma_start3A_388 : memref<1024xi32, #tpu.memory_space<hbm>>) target(%dma_start3A_387 : memref<1024xi32, #tpu.memory_space<vmem>>) target_semaphore(%arg45 : memref<!tpu.dma_semaphore, #tpu.memory_space<semaphore_mem>>)
      %dma_start3A_389 = arith.constant 0 : i32
      %dma_start3A_390 = tpu.memref_slice %arg29[%dma_start3A_389] : memref<1024xf32, #tpu.memory_space<vmem>> -> memref<1024xf32, #tpu.memory_space<vmem>>
      %dma_start3A_391 = tpu.memref_slice %arg7[%add3A_373] : memref<3200000xf32, #tpu.memory_space<hbm>> -> memref<1024xf32, #tpu.memory_space<hbm>>
      %dma_start3A_392 = arith.constant 0 : i32
      %dma_start3A_393 = tpu.memref_slice %arg29[%dma_start3A_392] : memref<1024xf32, #tpu.memory_space<vmem>> -> memref<1024xf32, #tpu.memory_space<vmem>>
      %dma_start3A_394 = tpu.memref_slice %arg7[%add3A_373] : memref<3200000xf32, #tpu.memory_space<hbm>> -> memref<1024xf32, #tpu.memory_space<hbm>>
      tpu.enqueue_dma source(%dma_start3A_394 : memref<1024xf32, #tpu.memory_space<hbm>>) target(%dma_start3A_393 : memref<1024xf32, #tpu.memory_space<vmem>>) target_semaphore(%arg46 : memref<!tpu.dma_semaphore, #tpu.memory_space<semaphore_mem>>)
      %dma_start3A_395 = arith.constant 0 : i32
      %dma_start3A_396 = tpu.memref_slice %arg30[%dma_start3A_395] : memref<1024xf32, #tpu.memory_space<vmem>> -> memref<1024xf32, #tpu.memory_space<vmem>>
      %dma_start3A_397 = tpu.memref_slice %arg8[%add3A_373] : memref<3200000xf32, #tpu.memory_space<hbm>> -> memref<1024xf32, #tpu.memory_space<hbm>>
      %dma_start3A_398 = arith.constant 0 : i32
      %dma_start3A_399 = tpu.memref_slice %arg30[%dma_start3A_398] : memref<1024xf32, #tpu.memory_space<vmem>> -> memref<1024xf32, #tpu.memory_space<vmem>>
      %dma_start3A_400 = tpu.memref_slice %arg8[%add3A_373] : memref<3200000xf32, #tpu.memory_space<hbm>> -> memref<1024xf32, #tpu.memory_space<hbm>>
      tpu.enqueue_dma source(%dma_start3A_400 : memref<1024xf32, #tpu.memory_space<hbm>>) target(%dma_start3A_399 : memref<1024xf32, #tpu.memory_space<vmem>>) target_semaphore(%arg46 : memref<!tpu.dma_semaphore, #tpu.memory_space<semaphore_mem>>)
      %dma_start3A_401 = arith.constant 0 : i32
      %dma_start3A_402 = tpu.memref_slice %arg31[%dma_start3A_401] : memref<1024xf32, #tpu.memory_space<vmem>> -> memref<1024xf32, #tpu.memory_space<vmem>>
      %dma_start3A_403 = tpu.memref_slice %arg9[%add3A_373] : memref<3200000xf32, #tpu.memory_space<hbm>> -> memref<1024xf32, #tpu.memory_space<hbm>>
      %dma_start3A_404 = arith.constant 0 : i32
      %dma_start3A_405 = tpu.memref_slice %arg31[%dma_start3A_404] : memref<1024xf32, #tpu.memory_space<vmem>> -> memref<1024xf32, #tpu.memory_space<vmem>>
      %dma_start3A_406 = tpu.memref_slice %arg9[%add3A_373] : memref<3200000xf32, #tpu.memory_space<hbm>> -> memref<1024xf32, #tpu.memory_space<hbm>>
      tpu.enqueue_dma source(%dma_start3A_406 : memref<1024xf32, #tpu.memory_space<hbm>>) target(%dma_start3A_405 : memref<1024xf32, #tpu.memory_space<vmem>>) target_semaphore(%arg46 : memref<!tpu.dma_semaphore, #tpu.memory_space<semaphore_mem>>)
      %dma_wait3A_407 = arith.constant 0 : i32
      %dma_wait3A_408 = tpu.memref_slice %arg25[%dma_wait3A_407] : memref<1024xi32, #tpu.memory_space<vmem>> -> memref<1024xi32, #tpu.memory_space<vmem>>
      %dma_wait3A_409 = tpu.memref_slice %arg5[%add3A_373] : memref<3200000xi32, #tpu.memory_space<hbm>> -> memref<1024xi32, #tpu.memory_space<hbm>>
      %dma_wait3A_410 = arith.constant 0 : i32
      %dma_wait3A_411 = tpu.memref_slice %arg25[%dma_wait3A_410] : memref<1024xi32, #tpu.memory_space<vmem>> -> memref<1024xi32, #tpu.memory_space<vmem>>
      %dma_wait3A_412 = tpu.memref_slice %arg5[%add3A_373] : memref<3200000xi32, #tpu.memory_space<hbm>> -> memref<1024xi32, #tpu.memory_space<hbm>>
      tpu.wait_dma2 semaphore(%arg45 : memref<!tpu.dma_semaphore, #tpu.memory_space<semaphore_mem>>) src(%dma_wait3A_412 : memref<1024xi32, #tpu.memory_space<hbm>>) dst(%dma_wait3A_411 : memref<1024xi32, #tpu.memory_space<vmem>>)
      %dma_wait3A_413 = arith.constant 0 : i32
      %dma_wait3A_414 = tpu.memref_slice %arg26[%dma_wait3A_413] : memref<1024xi32, #tpu.memory_space<vmem>> -> memref<1024xi32, #tpu.memory_space<vmem>>
      %dma_wait3A_415 = tpu.memref_slice %arg6[%add3A_373] : memref<3200000xi32, #tpu.memory_space<hbm>> -> memref<1024xi32, #tpu.memory_space<hbm>>
      %dma_wait3A_416 = arith.constant 0 : i32
      %dma_wait3A_417 = tpu.memref_slice %arg26[%dma_wait3A_416] : memref<1024xi32, #tpu.memory_space<vmem>> -> memref<1024xi32, #tpu.memory_space<vmem>>
      %dma_wait3A_418 = tpu.memref_slice %arg6[%add3A_373] : memref<3200000xi32, #tpu.memory_space<hbm>> -> memref<1024xi32, #tpu.memory_space<hbm>>
      tpu.wait_dma2 semaphore(%arg45 : memref<!tpu.dma_semaphore, #tpu.memory_space<semaphore_mem>>) src(%dma_wait3A_418 : memref<1024xi32, #tpu.memory_space<hbm>>) dst(%dma_wait3A_417 : memref<1024xi32, #tpu.memory_space<vmem>>)
      %dma_start3A_419 = arith.constant 0 : i32
      %dma_start3A_420 = tpu.memref_slice %arg27[%dma_start3A_419] : memref<1024xf32, #tpu.memory_space<vmem>> -> memref<128xf32, #tpu.memory_space<vmem>>
      %dma_start3A_421 = arith.constant 0 : i32
      %dma_start3A_422 = tpu.memref_slice %arg25[%dma_start3A_421] : memref<1024xi32, #tpu.memory_space<vmem>> -> memref<128xi32, #tpu.memory_space<vmem>>
      %dma_start3A_423 = arith.constant 0 : i32
      %dma_start3A_424 = tpu.memref_slice %arg24[%dma_start3A_423] : memref<50000xf32, #tpu.memory_space<vmem_shared>> -> memref<50000xf32, #tpu.memory_space<vmem_shared>>
      tpu.enqueue_indirect_dma source(%dma_start3A_424 : memref<50000xf32, #tpu.memory_space<vmem_shared>>) target(%dma_start3A_420 : memref<128xf32, #tpu.memory_space<vmem>>) offsets(%dma_start3A_422 : memref<128xi32, #tpu.memory_space<vmem>>) semaphore(%arg44 : memref<!tpu.dma_semaphore, #tpu.memory_space<semaphore_mem>>)
      %dma_start3A_425 = arith.constant 0 : i32
      %dma_start3A_426 = tpu.memref_slice %arg28[%dma_start3A_425] : memref<1024xf32, #tpu.memory_space<vmem>> -> memref<128xf32, #tpu.memory_space<vmem>>
      %dma_start3A_427 = arith.constant 0 : i32
      %dma_start3A_428 = tpu.memref_slice %arg26[%dma_start3A_427] : memref<1024xi32, #tpu.memory_space<vmem>> -> memref<128xi32, #tpu.memory_space<vmem>>
      %dma_start3A_429 = arith.constant 0 : i32
      %dma_start3A_430 = tpu.memref_slice %arg24[%dma_start3A_429] : memref<50000xf32, #tpu.memory_space<vmem_shared>> -> memref<50000xf32, #tpu.memory_space<vmem_shared>>
      tpu.enqueue_indirect_dma source(%dma_start3A_430 : memref<50000xf32, #tpu.memory_space<vmem_shared>>) target(%dma_start3A_426 : memref<128xf32, #tpu.memory_space<vmem>>) offsets(%dma_start3A_428 : memref<128xi32, #tpu.memory_space<vmem>>) semaphore(%arg44 : memref<!tpu.dma_semaphore, #tpu.memory_space<semaphore_mem>>)
      %dma_start3A_431 = arith.constant 128 : i32
      %dma_start3A_432 = tpu.memref_slice %arg27[%dma_start3A_431] : memref<1024xf32, #tpu.memory_space<vmem>> -> memref<128xf32, #tpu.memory_space<vmem>>
      %dma_start3A_433 = arith.constant 128 : i32
      %dma_start3A_434 = tpu.memref_slice %arg25[%dma_start3A_433] : memref<1024xi32, #tpu.memory_space<vmem>> -> memref<128xi32, #tpu.memory_space<vmem>>
      %dma_start3A_435 = arith.constant 0 : i32
      %dma_start3A_436 = tpu.memref_slice %arg24[%dma_start3A_435] : memref<50000xf32, #tpu.memory_space<vmem_shared>> -> memref<50000xf32, #tpu.memory_space<vmem_shared>>
      tpu.enqueue_indirect_dma source(%dma_start3A_436 : memref<50000xf32, #tpu.memory_space<vmem_shared>>) target(%dma_start3A_432 : memref<128xf32, #tpu.memory_space<vmem>>) offsets(%dma_start3A_434 : memref<128xi32, #tpu.memory_space<vmem>>) semaphore(%arg44 : memref<!tpu.dma_semaphore, #tpu.memory_space<semaphore_mem>>)
      %dma_start3A_437 = arith.constant 128 : i32
      %dma_start3A_438 = tpu.memref_slice %arg28[%dma_start3A_437] : memref<1024xf32, #tpu.memory_space<vmem>> -> memref<128xf32, #tpu.memory_space<vmem>>
      %dma_start3A_439 = arith.constant 128 : i32
      %dma_start3A_440 = tpu.memref_slice %arg26[%dma_start3A_439] : memref<1024xi32, #tpu.memory_space<vmem>> -> memref<128xi32, #tpu.memory_space<vmem>>
      %dma_start3A_441 = arith.constant 0 : i32
      %dma_start3A_442 = tpu.memref_slice %arg24[%dma_start3A_441] : memref<50000xf32, #tpu.memory_space<vmem_shared>> -> memref<50000xf32, #tpu.memory_space<vmem_shared>>
      tpu.enqueue_indirect_dma source(%dma_start3A_442 : memref<50000xf32, #tpu.memory_space<vmem_shared>>) target(%dma_start3A_438 : memref<128xf32, #tpu.memory_space<vmem>>) offsets(%dma_start3A_440 : memref<128xi32, #tpu.memory_space<vmem>>) semaphore(%arg44 : memref<!tpu.dma_semaphore, #tpu.memory_space<semaphore_mem>>)
      %dma_start3A_443 = arith.constant 256 : i32
      %dma_start3A_444 = tpu.memref_slice %arg27[%dma_start3A_443] : memref<1024xf32, #tpu.memory_space<vmem>> -> memref<128xf32, #tpu.memory_space<vmem>>
      %dma_start3A_445 = arith.constant 256 : i32
      %dma_start3A_446 = tpu.memref_slice %arg25[%dma_start3A_445] : memref<1024xi32, #tpu.memory_space<vmem>> -> memref<128xi32, #tpu.memory_space<vmem>>
      %dma_start3A_447 = arith.constant 0 : i32
      %dma_start3A_448 = tpu.memref_slice %arg24[%dma_start3A_447] : memref<50000xf32, #tpu.memory_space<vmem_shared>> -> memref<50000xf32, #tpu.memory_space<vmem_shared>>
      tpu.enqueue_indirect_dma source(%dma_start3A_448 : memref<50000xf32, #tpu.memory_space<vmem_shared>>) target(%dma_start3A_444 : memref<128xf32, #tpu.memory_space<vmem>>) offsets(%dma_start3A_446 : memref<128xi32, #tpu.memory_space<vmem>>) semaphore(%arg44 : memref<!tpu.dma_semaphore, #tpu.memory_space<semaphore_mem>>)
      %dma_start3A_449 = arith.constant 256 : i32
      %dma_start3A_450 = tpu.memref_slice %arg28[%dma_start3A_449] : memref<1024xf32, #tpu.memory_space<vmem>> -> memref<128xf32, #tpu.memory_space<vmem>>
      %dma_start3A_451 = arith.constant 256 : i32
      %dma_start3A_452 = tpu.memref_slice %arg26[%dma_start3A_451] : memref<1024xi32, #tpu.memory_space<vmem>> -> memref<128xi32, #tpu.memory_space<vmem>>
      %dma_start3A_453 = arith.constant 0 : i32
      %dma_start3A_454 = tpu.memref_slice %arg24[%dma_start3A_453] : memref<50000xf32, #tpu.memory_space<vmem_shared>> -> memref<50000xf32, #tpu.memory_space<vmem_shared>>
      tpu.enqueue_indirect_dma source(%dma_start3A_454 : memref<50000xf32, #tpu.memory_space<vmem_shared>>) target(%dma_start3A_450 : memref<128xf32, #tpu.memory_space<vmem>>) offsets(%dma_start3A_452 : memref<128xi32, #tpu.memory_space<vmem>>) semaphore(%arg44 : memref<!tpu.dma_semaphore, #tpu.memory_space<semaphore_mem>>)
      %dma_start3A_455 = arith.constant 384 : i32
      %dma_start3A_456 = tpu.memref_slice %arg27[%dma_start3A_455] : memref<1024xf32, #tpu.memory_space<vmem>> -> memref<128xf32, #tpu.memory_space<vmem>>
      %dma_start3A_457 = arith.constant 384 : i32
      %dma_start3A_458 = tpu.memref_slice %arg25[%dma_start3A_457] : memref<1024xi32, #tpu.memory_space<vmem>> -> memref<128xi32, #tpu.memory_space<vmem>>
      %dma_start3A_459 = arith.constant 0 : i32
      %dma_start3A_460 = tpu.memref_slice %arg24[%dma_start3A_459] : memref<50000xf32, #tpu.memory_space<vmem_shared>> -> memref<50000xf32, #tpu.memory_space<vmem_shared>>
      tpu.enqueue_indirect_dma source(%dma_start3A_460 : memref<50000xf32, #tpu.memory_space<vmem_shared>>) target(%dma_start3A_456 : memref<128xf32, #tpu.memory_space<vmem>>) offsets(%dma_start3A_458 : memref<128xi32, #tpu.memory_space<vmem>>) semaphore(%arg44 : memref<!tpu.dma_semaphore, #tpu.memory_space<semaphore_mem>>)
      %dma_start3A_461 = arith.constant 384 : i32
      %dma_start3A_462 = tpu.memref_slice %arg28[%dma_start3A_461] : memref<1024xf32, #tpu.memory_space<vmem>> -> memref<128xf32, #tpu.memory_space<vmem>>
      %dma_start3A_463 = arith.constant 384 : i32
      %dma_start3A_464 = tpu.memref_slice %arg26[%dma_start3A_463] : memref<1024xi32, #tpu.memory_space<vmem>> -> memref<128xi32, #tpu.memory_space<vmem>>
      %dma_start3A_465 = arith.constant 0 : i32
      %dma_start3A_466 = tpu.memref_slice %arg24[%dma_start3A_465] : memref<50000xf32, #tpu.memory_space<vmem_shared>> -> memref<50000xf32, #tpu.memory_space<vmem_shared>>
      tpu.enqueue_indirect_dma source(%dma_start3A_466 : memref<50000xf32, #tpu.memory_space<vmem_shared>>) target(%dma_start3A_462 : memref<128xf32, #tpu.memory_space<vmem>>) offsets(%dma_start3A_464 : memref<128xi32, #tpu.memory_space<vmem>>) semaphore(%arg44 : memref<!tpu.dma_semaphore, #tpu.memory_space<semaphore_mem>>)
      %dma_start3A_467 = arith.constant 512 : i32
      %dma_start3A_468 = tpu.memref_slice %arg27[%dma_start3A_467] : memref<1024xf32, #tpu.memory_space<vmem>> -> memref<128xf32, #tpu.memory_space<vmem>>
      %dma_start3A_469 = arith.constant 512 : i32
      %dma_start3A_470 = tpu.memref_slice %arg25[%dma_start3A_469] : memref<1024xi32, #tpu.memory_space<vmem>> -> memref<128xi32, #tpu.memory_space<vmem>>
      %dma_start3A_471 = arith.constant 0 : i32
      %dma_start3A_472 = tpu.memref_slice %arg24[%dma_start3A_471] : memref<50000xf32, #tpu.memory_space<vmem_shared>> -> memref<50000xf32, #tpu.memory_space<vmem_shared>>
      tpu.enqueue_indirect_dma source(%dma_start3A_472 : memref<50000xf32, #tpu.memory_space<vmem_shared>>) target(%dma_start3A_468 : memref<128xf32, #tpu.memory_space<vmem>>) offsets(%dma_start3A_470 : memref<128xi32, #tpu.memory_space<vmem>>) semaphore(%arg44 : memref<!tpu.dma_semaphore, #tpu.memory_space<semaphore_mem>>)
      %dma_start3A_473 = arith.constant 512 : i32
      %dma_start3A_474 = tpu.memref_slice %arg28[%dma_start3A_473] : memref<1024xf32, #tpu.memory_space<vmem>> -> memref<128xf32, #tpu.memory_space<vmem>>
      %dma_start3A_475 = arith.constant 512 : i32
      %dma_start3A_476 = tpu.memref_slice %arg26[%dma_start3A_475] : memref<1024xi32, #tpu.memory_space<vmem>> -> memref<128xi32, #tpu.memory_space<vmem>>
      %dma_start3A_477 = arith.constant 0 : i32
      %dma_start3A_478 = tpu.memref_slice %arg24[%dma_start3A_477] : memref<50000xf32, #tpu.memory_space<vmem_shared>> -> memref<50000xf32, #tpu.memory_space<vmem_shared>>
      tpu.enqueue_indirect_dma source(%dma_start3A_478 : memref<50000xf32, #tpu.memory_space<vmem_shared>>) target(%dma_start3A_474 : memref<128xf32, #tpu.memory_space<vmem>>) offsets(%dma_start3A_476 : memref<128xi32, #tpu.memory_space<vmem>>) semaphore(%arg44 : memref<!tpu.dma_semaphore, #tpu.memory_space<semaphore_mem>>)
      %dma_start3A_479 = arith.constant 640 : i32
      %dma_start3A_480 = tpu.memref_slice %arg27[%dma_start3A_479] : memref<1024xf32, #tpu.memory_space<vmem>> -> memref<128xf32, #tpu.memory_space<vmem>>
      %dma_start3A_481 = arith.constant 640 : i32
      %dma_start3A_482 = tpu.memref_slice %arg25[%dma_start3A_481] : memref<1024xi32, #tpu.memory_space<vmem>> -> memref<128xi32, #tpu.memory_space<vmem>>
      %dma_start3A_483 = arith.constant 0 : i32
      %dma_start3A_484 = tpu.memref_slice %arg24[%dma_start3A_483] : memref<50000xf32, #tpu.memory_space<vmem_shared>> -> memref<50000xf32, #tpu.memory_space<vmem_shared>>
      tpu.enqueue_indirect_dma source(%dma_start3A_484 : memref<50000xf32, #tpu.memory_space<vmem_shared>>) target(%dma_start3A_480 : memref<128xf32, #tpu.memory_space<vmem>>) offsets(%dma_start3A_482 : memref<128xi32, #tpu.memory_space<vmem>>) semaphore(%arg44 : memref<!tpu.dma_semaphore, #tpu.memory_space<semaphore_mem>>)
      %dma_start3A_485 = arith.constant 640 : i32
      %dma_start3A_486 = tpu.memref_slice %arg28[%dma_start3A_485] : memref<1024xf32, #tpu.memory_space<vmem>> -> memref<128xf32, #tpu.memory_space<vmem>>
      %dma_start3A_487 = arith.constant 640 : i32
      %dma_start3A_488 = tpu.memref_slice %arg26[%dma_start3A_487] : memref<1024xi32, #tpu.memory_space<vmem>> -> memref<128xi32, #tpu.memory_space<vmem>>
      %dma_start3A_489 = arith.constant 0 : i32
      %dma_start3A_490 = tpu.memref_slice %arg24[%dma_start3A_489] : memref<50000xf32, #tpu.memory_space<vmem_shared>> -> memref<50000xf32, #tpu.memory_space<vmem_shared>>
      tpu.enqueue_indirect_dma source(%dma_start3A_490 : memref<50000xf32, #tpu.memory_space<vmem_shared>>) target(%dma_start3A_486 : memref<128xf32, #tpu.memory_space<vmem>>) offsets(%dma_start3A_488 : memref<128xi32, #tpu.memory_space<vmem>>) semaphore(%arg44 : memref<!tpu.dma_semaphore, #tpu.memory_space<semaphore_mem>>)
      %dma_start3A_491 = arith.constant 768 : i32
      %dma_start3A_492 = tpu.memref_slice %arg27[%dma_start3A_491] : memref<1024xf32, #tpu.memory_space<vmem>> -> memref<128xf32, #tpu.memory_space<vmem>>
      %dma_start3A_493 = arith.constant 768 : i32
      %dma_start3A_494 = tpu.memref_slice %arg25[%dma_start3A_493] : memref<1024xi32, #tpu.memory_space<vmem>> -> memref<128xi32, #tpu.memory_space<vmem>>
      %dma_start3A_495 = arith.constant 0 : i32
      %dma_start3A_496 = tpu.memref_slice %arg24[%dma_start3A_495] : memref<50000xf32, #tpu.memory_space<vmem_shared>> -> memref<50000xf32, #tpu.memory_space<vmem_shared>>
      tpu.enqueue_indirect_dma source(%dma_start3A_496 : memref<50000xf32, #tpu.memory_space<vmem_shared>>) target(%dma_start3A_492 : memref<128xf32, #tpu.memory_space<vmem>>) offsets(%dma_start3A_494 : memref<128xi32, #tpu.memory_space<vmem>>) semaphore(%arg44 : memref<!tpu.dma_semaphore, #tpu.memory_space<semaphore_mem>>)
      %dma_start3A_497 = arith.constant 768 : i32
      %dma_start3A_498 = tpu.memref_slice %arg28[%dma_start3A_497] : memref<1024xf32, #tpu.memory_space<vmem>> -> memref<128xf32, #tpu.memory_space<vmem>>
      %dma_start3A_499 = arith.constant 768 : i32
      %dma_start3A_500 = tpu.memref_slice %arg26[%dma_start3A_499] : memref<1024xi32, #tpu.memory_space<vmem>> -> memref<128xi32, #tpu.memory_space<vmem>>
      %dma_start3A_501 = arith.constant 0 : i32
      %dma_start3A_502 = tpu.memref_slice %arg24[%dma_start3A_501] : memref<50000xf32, #tpu.memory_space<vmem_shared>> -> memref<50000xf32, #tpu.memory_space<vmem_shared>>
      tpu.enqueue_indirect_dma source(%dma_start3A_502 : memref<50000xf32, #tpu.memory_space<vmem_shared>>) target(%dma_start3A_498 : memref<128xf32, #tpu.memory_space<vmem>>) offsets(%dma_start3A_500 : memref<128xi32, #tpu.memory_space<vmem>>) semaphore(%arg44 : memref<!tpu.dma_semaphore, #tpu.memory_space<semaphore_mem>>)
      %dma_start3A_503 = arith.constant 896 : i32
      %dma_start3A_504 = tpu.memref_slice %arg27[%dma_start3A_503] : memref<1024xf32, #tpu.memory_space<vmem>> -> memref<128xf32, #tpu.memory_space<vmem>>
      %dma_start3A_505 = arith.constant 896 : i32
      %dma_start3A_506 = tpu.memref_slice %arg25[%dma_start3A_505] : memref<1024xi32, #tpu.memory_space<vmem>> -> memref<128xi32, #tpu.memory_space<vmem>>
      %dma_start3A_507 = arith.constant 0 : i32
      %dma_start3A_508 = tpu.memref_slice %arg24[%dma_start3A_507] : memref<50000xf32, #tpu.memory_space<vmem_shared>> -> memref<50000xf32, #tpu.memory_space<vmem_shared>>
      tpu.enqueue_indirect_dma source(%dma_start3A_508 : memref<50000xf32, #tpu.memory_space<vmem_shared>>) target(%dma_start3A_504 : memref<128xf32, #tpu.memory_space<vmem>>) offsets(%dma_start3A_506 : memref<128xi32, #tpu.memory_space<vmem>>) semaphore(%arg44 : memref<!tpu.dma_semaphore, #tpu.memory_space<semaphore_mem>>)
      %dma_start3A_509 = arith.constant 896 : i32
      %dma_start3A_510 = tpu.memref_slice %arg28[%dma_start3A_509] : memref<1024xf32, #tpu.memory_space<vmem>> -> memref<128xf32, #tpu.memory_space<vmem>>
      %dma_start3A_511 = arith.constant 896 : i32
      %dma_start3A_512 = tpu.memref_slice %arg26[%dma_start3A_511] : memref<1024xi32, #tpu.memory_space<vmem>> -> memref<128xi32, #tpu.memory_space<vmem>>
      %dma_start3A_513 = arith.constant 0 : i32
      %dma_start3A_514 = tpu.memref_slice %arg24[%dma_start3A_513] : memref<50000xf32, #tpu.memory_space<vmem_shared>> -> memref<50000xf32, #tpu.memory_space<vmem_shared>>
      tpu.enqueue_indirect_dma source(%dma_start3A_514 : memref<50000xf32, #tpu.memory_space<vmem_shared>>) target(%dma_start3A_510 : memref<128xf32, #tpu.memory_space<vmem>>) offsets(%dma_start3A_512 : memref<128xi32, #tpu.memory_space<vmem>>) semaphore(%arg44 : memref<!tpu.dma_semaphore, #tpu.memory_space<semaphore_mem>>)
      %dma_wait3A_515 = arith.constant 0 : i32
      %dma_wait3A_516 = tpu.memref_slice %arg29[%dma_wait3A_515] : memref<1024xf32, #tpu.memory_space<vmem>> -> memref<1024xf32, #tpu.memory_space<vmem>>
      %dma_wait3A_517 = tpu.memref_slice %arg7[%add3A_373] : memref<3200000xf32, #tpu.memory_space<hbm>> -> memref<1024xf32, #tpu.memory_space<hbm>>
      %dma_wait3A_518 = arith.constant 0 : i32
      %dma_wait3A_519 = tpu.memref_slice %arg29[%dma_wait3A_518] : memref<1024xf32, #tpu.memory_space<vmem>> -> memref<1024xf32, #tpu.memory_space<vmem>>
      %dma_wait3A_520 = tpu.memref_slice %arg7[%add3A_373] : memref<3200000xf32, #tpu.memory_space<hbm>> -> memref<1024xf32, #tpu.memory_space<hbm>>
      tpu.wait_dma2 semaphore(%arg46 : memref<!tpu.dma_semaphore, #tpu.memory_space<semaphore_mem>>) src(%dma_wait3A_520 : memref<1024xf32, #tpu.memory_space<hbm>>) dst(%dma_wait3A_519 : memref<1024xf32, #tpu.memory_space<vmem>>)
      %dma_wait3A_521 = arith.constant 0 : i32
      %dma_wait3A_522 = tpu.memref_slice %arg30[%dma_wait3A_521] : memref<1024xf32, #tpu.memory_space<vmem>> -> memref<1024xf32, #tpu.memory_space<vmem>>
      %dma_wait3A_523 = tpu.memref_slice %arg8[%add3A_373] : memref<3200000xf32, #tpu.memory_space<hbm>> -> memref<1024xf32, #tpu.memory_space<hbm>>
      %dma_wait3A_524 = arith.constant 0 : i32
      %dma_wait3A_525 = tpu.memref_slice %arg30[%dma_wait3A_524] : memref<1024xf32, #tpu.memory_space<vmem>> -> memref<1024xf32, #tpu.memory_space<vmem>>
      %dma_wait3A_526 = tpu.memref_slice %arg8[%add3A_373] : memref<3200000xf32, #tpu.memory_space<hbm>> -> memref<1024xf32, #tpu.memory_space<hbm>>
      tpu.wait_dma2 semaphore(%arg46 : memref<!tpu.dma_semaphore, #tpu.memory_space<semaphore_mem>>) src(%dma_wait3A_526 : memref<1024xf32, #tpu.memory_space<hbm>>) dst(%dma_wait3A_525 : memref<1024xf32, #tpu.memory_space<vmem>>)
      %dma_wait3A_527 = arith.constant 0 : i32
      %dma_wait3A_528 = tpu.memref_slice %arg31[%dma_wait3A_527] : memref<1024xf32, #tpu.memory_space<vmem>> -> memref<1024xf32, #tpu.memory_space<vmem>>
      %dma_wait3A_529 = tpu.memref_slice %arg9[%add3A_373] : memref<3200000xf32, #tpu.memory_space<hbm>> -> memref<1024xf32, #tpu.memory_space<hbm>>
      %dma_wait3A_530 = arith.constant 0 : i32
      %dma_wait3A_531 = tpu.memref_slice %arg31[%dma_wait3A_530] : memref<1024xf32, #tpu.memory_space<vmem>> -> memref<1024xf32, #tpu.memory_space<vmem>>
      %dma_wait3A_532 = tpu.memref_slice %arg9[%add3A_373] : memref<3200000xf32, #tpu.memory_space<hbm>> -> memref<1024xf32, #tpu.memory_space<hbm>>
      tpu.wait_dma2 semaphore(%arg46 : memref<!tpu.dma_semaphore, #tpu.memory_space<semaphore_mem>>) src(%dma_wait3A_532 : memref<1024xf32, #tpu.memory_space<hbm>>) dst(%dma_wait3A_531 : memref<1024xf32, #tpu.memory_space<vmem>>)
      %dma_wait3A_533 = arith.constant 0 : i32
      %dma_wait3A_534 = tpu.memref_slice %arg27[%dma_wait3A_533] : memref<1024xf32, #tpu.memory_space<vmem>> -> memref<128xf32, #tpu.memory_space<vmem>>
      %dma_wait3A_535 = arith.constant 0 : i32
      %dma_wait3A_536 = tpu.memref_slice %arg25[%dma_wait3A_535] : memref<1024xi32, #tpu.memory_space<vmem>> -> memref<128xi32, #tpu.memory_space<vmem>>
      %dma_wait3A_537 = arith.constant 0 : i32
      %dma_wait3A_538 = tpu.memref_slice %arg24[%dma_wait3A_537] : memref<50000xf32, #tpu.memory_space<vmem_shared>> -> memref<50000xf32, #tpu.memory_space<vmem_shared>>
      tpu.wait_indirect_dma semaphore(%arg44 : memref<!tpu.dma_semaphore, #tpu.memory_space<semaphore_mem>>) src(%dma_wait3A_538 : memref<50000xf32, #tpu.memory_space<vmem_shared>>) dst(%dma_wait3A_534 : memref<128xf32, #tpu.memory_space<vmem>>)
      %dma_wait3A_539 = arith.constant 0 : i32
      %dma_wait3A_540 = tpu.memref_slice %arg28[%dma_wait3A_539] : memref<1024xf32, #tpu.memory_space<vmem>> -> memref<128xf32, #tpu.memory_space<vmem>>
      %dma_wait3A_541 = arith.constant 0 : i32
      %dma_wait3A_542 = tpu.memref_slice %arg26[%dma_wait3A_541] : memref<1024xi32, #tpu.memory_space<vmem>> -> memref<128xi32, #tpu.memory_space<vmem>>
      %dma_wait3A_543 = arith.constant 0 : i32
      %dma_wait3A_544 = tpu.memref_slice %arg24[%dma_wait3A_543] : memref<50000xf32, #tpu.memory_space<vmem_shared>> -> memref<50000xf32, #tpu.memory_space<vmem_shared>>
      tpu.wait_indirect_dma semaphore(%arg44 : memref<!tpu.dma_semaphore, #tpu.memory_space<semaphore_mem>>) src(%dma_wait3A_544 : memref<50000xf32, #tpu.memory_space<vmem_shared>>) dst(%dma_wait3A_540 : memref<128xf32, #tpu.memory_space<vmem>>)
      %dma_wait3A_545 = arith.constant 128 : i32
      %dma_wait3A_546 = tpu.memref_slice %arg27[%dma_wait3A_545] : memref<1024xf32, #tpu.memory_space<vmem>> -> memref<128xf32, #tpu.memory_space<vmem>>
      %dma_wait3A_547 = arith.constant 128 : i32
      %dma_wait3A_548 = tpu.memref_slice %arg25[%dma_wait3A_547] : memref<1024xi32, #tpu.memory_space<vmem>> -> memref<128xi32, #tpu.memory_space<vmem>>
      %dma_wait3A_549 = arith.constant 0 : i32
      %dma_wait3A_550 = tpu.memref_slice %arg24[%dma_wait3A_549] : memref<50000xf32, #tpu.memory_space<vmem_shared>> -> memref<50000xf32, #tpu.memory_space<vmem_shared>>
      tpu.wait_indirect_dma semaphore(%arg44 : memref<!tpu.dma_semaphore, #tpu.memory_space<semaphore_mem>>) src(%dma_wait3A_550 : memref<50000xf32, #tpu.memory_space<vmem_shared>>) dst(%dma_wait3A_546 : memref<128xf32, #tpu.memory_space<vmem>>)
      %dma_wait3A_551 = arith.constant 128 : i32
      %dma_wait3A_552 = tpu.memref_slice %arg28[%dma_wait3A_551] : memref<1024xf32, #tpu.memory_space<vmem>> -> memref<128xf32, #tpu.memory_space<vmem>>
      %dma_wait3A_553 = arith.constant 128 : i32
      %dma_wait3A_554 = tpu.memref_slice %arg26[%dma_wait3A_553] : memref<1024xi32, #tpu.memory_space<vmem>> -> memref<128xi32, #tpu.memory_space<vmem>>
      %dma_wait3A_555 = arith.constant 0 : i32
      %dma_wait3A_556 = tpu.memref_slice %arg24[%dma_wait3A_555] : memref<50000xf32, #tpu.memory_space<vmem_shared>> -> memref<50000xf32, #tpu.memory_space<vmem_shared>>
      tpu.wait_indirect_dma semaphore(%arg44 : memref<!tpu.dma_semaphore, #tpu.memory_space<semaphore_mem>>) src(%dma_wait3A_556 : memref<50000xf32, #tpu.memory_space<vmem_shared>>) dst(%dma_wait3A_552 : memref<128xf32, #tpu.memory_space<vmem>>)
      %dma_wait3A_557 = arith.constant 256 : i32
      %dma_wait3A_558 = tpu.memref_slice %arg27[%dma_wait3A_557] : memref<1024xf32, #tpu.memory_space<vmem>> -> memref<128xf32, #tpu.memory_space<vmem>>
      %dma_wait3A_559 = arith.constant 256 : i32
      %dma_wait3A_560 = tpu.memref_slice %arg25[%dma_wait3A_559] : memref<1024xi32, #tpu.memory_space<vmem>> -> memref<128xi32, #tpu.memory_space<vmem>>
      %dma_wait3A_561 = arith.constant 0 : i32
      %dma_wait3A_562 = tpu.memref_slice %arg24[%dma_wait3A_561] : memref<50000xf32, #tpu.memory_space<vmem_shared>> -> memref<50000xf32, #tpu.memory_space<vmem_shared>>
      tpu.wait_indirect_dma semaphore(%arg44 : memref<!tpu.dma_semaphore, #tpu.memory_space<semaphore_mem>>) src(%dma_wait3A_562 : memref<50000xf32, #tpu.memory_space<vmem_shared>>) dst(%dma_wait3A_558 : memref<128xf32, #tpu.memory_space<vmem>>)
      %dma_wait3A_563 = arith.constant 256 : i32
      %dma_wait3A_564 = tpu.memref_slice %arg28[%dma_wait3A_563] : memref<1024xf32, #tpu.memory_space<vmem>> -> memref<128xf32, #tpu.memory_space<vmem>>
      %dma_wait3A_565 = arith.constant 256 : i32
      %dma_wait3A_566 = tpu.memref_slice %arg26[%dma_wait3A_565] : memref<1024xi32, #tpu.memory_space<vmem>> -> memref<128xi32, #tpu.memory_space<vmem>>
      %dma_wait3A_567 = arith.constant 0 : i32
      %dma_wait3A_568 = tpu.memref_slice %arg24[%dma_wait3A_567] : memref<50000xf32, #tpu.memory_space<vmem_shared>> -> memref<50000xf32, #tpu.memory_space<vmem_shared>>
      tpu.wait_indirect_dma semaphore(%arg44 : memref<!tpu.dma_semaphore, #tpu.memory_space<semaphore_mem>>) src(%dma_wait3A_568 : memref<50000xf32, #tpu.memory_space<vmem_shared>>) dst(%dma_wait3A_564 : memref<128xf32, #tpu.memory_space<vmem>>)
      %dma_wait3A_569 = arith.constant 384 : i32
      %dma_wait3A_570 = tpu.memref_slice %arg27[%dma_wait3A_569] : memref<1024xf32, #tpu.memory_space<vmem>> -> memref<128xf32, #tpu.memory_space<vmem>>
      %dma_wait3A_571 = arith.constant 384 : i32
      %dma_wait3A_572 = tpu.memref_slice %arg25[%dma_wait3A_571] : memref<1024xi32, #tpu.memory_space<vmem>> -> memref<128xi32, #tpu.memory_space<vmem>>
      %dma_wait3A_573 = arith.constant 0 : i32
      %dma_wait3A_574 = tpu.memref_slice %arg24[%dma_wait3A_573] : memref<50000xf32, #tpu.memory_space<vmem_shared>> -> memref<50000xf32, #tpu.memory_space<vmem_shared>>
      tpu.wait_indirect_dma semaphore(%arg44 : memref<!tpu.dma_semaphore, #tpu.memory_space<semaphore_mem>>) src(%dma_wait3A_574 : memref<50000xf32, #tpu.memory_space<vmem_shared>>) dst(%dma_wait3A_570 : memref<128xf32, #tpu.memory_space<vmem>>)
      %dma_wait3A_575 = arith.constant 384 : i32
      %dma_wait3A_576 = tpu.memref_slice %arg28[%dma_wait3A_575] : memref<1024xf32, #tpu.memory_space<vmem>> -> memref<128xf32, #tpu.memory_space<vmem>>
      %dma_wait3A_577 = arith.constant 384 : i32
      %dma_wait3A_578 = tpu.memref_slice %arg26[%dma_wait3A_577] : memref<1024xi32, #tpu.memory_space<vmem>> -> memref<128xi32, #tpu.memory_space<vmem>>
      %dma_wait3A_579 = arith.constant 0 : i32
      %dma_wait3A_580 = tpu.memref_slice %arg24[%dma_wait3A_579] : memref<50000xf32, #tpu.memory_space<vmem_shared>> -> memref<50000xf32, #tpu.memory_space<vmem_shared>>
      tpu.wait_indirect_dma semaphore(%arg44 : memref<!tpu.dma_semaphore, #tpu.memory_space<semaphore_mem>>) src(%dma_wait3A_580 : memref<50000xf32, #tpu.memory_space<vmem_shared>>) dst(%dma_wait3A_576 : memref<128xf32, #tpu.memory_space<vmem>>)
      %dma_wait3A_581 = arith.constant 512 : i32
      %dma_wait3A_582 = tpu.memref_slice %arg27[%dma_wait3A_581] : memref<1024xf32, #tpu.memory_space<vmem>> -> memref<128xf32, #tpu.memory_space<vmem>>
      %dma_wait3A_583 = arith.constant 512 : i32
      %dma_wait3A_584 = tpu.memref_slice %arg25[%dma_wait3A_583] : memref<1024xi32, #tpu.memory_space<vmem>> -> memref<128xi32, #tpu.memory_space<vmem>>
      %dma_wait3A_585 = arith.constant 0 : i32
      %dma_wait3A_586 = tpu.memref_slice %arg24[%dma_wait3A_585] : memref<50000xf32, #tpu.memory_space<vmem_shared>> -> memref<50000xf32, #tpu.memory_space<vmem_shared>>
      tpu.wait_indirect_dma semaphore(%arg44 : memref<!tpu.dma_semaphore, #tpu.memory_space<semaphore_mem>>) src(%dma_wait3A_586 : memref<50000xf32, #tpu.memory_space<vmem_shared>>) dst(%dma_wait3A_582 : memref<128xf32, #tpu.memory_space<vmem>>)
      %dma_wait3A_587 = arith.constant 512 : i32
      %dma_wait3A_588 = tpu.memref_slice %arg28[%dma_wait3A_587] : memref<1024xf32, #tpu.memory_space<vmem>> -> memref<128xf32, #tpu.memory_space<vmem>>
      %dma_wait3A_589 = arith.constant 512 : i32
      %dma_wait3A_590 = tpu.memref_slice %arg26[%dma_wait3A_589] : memref<1024xi32, #tpu.memory_space<vmem>> -> memref<128xi32, #tpu.memory_space<vmem>>
      %dma_wait3A_591 = arith.constant 0 : i32
      %dma_wait3A_592 = tpu.memref_slice %arg24[%dma_wait3A_591] : memref<50000xf32, #tpu.memory_space<vmem_shared>> -> memref<50000xf32, #tpu.memory_space<vmem_shared>>
      tpu.wait_indirect_dma semaphore(%arg44 : memref<!tpu.dma_semaphore, #tpu.memory_space<semaphore_mem>>) src(%dma_wait3A_592 : memref<50000xf32, #tpu.memory_space<vmem_shared>>) dst(%dma_wait3A_588 : memref<128xf32, #tpu.memory_space<vmem>>)
      %dma_wait3A_593 = arith.constant 640 : i32
      %dma_wait3A_594 = tpu.memref_slice %arg27[%dma_wait3A_593] : memref<1024xf32, #tpu.memory_space<vmem>> -> memref<128xf32, #tpu.memory_space<vmem>>
      %dma_wait3A_595 = arith.constant 640 : i32
      %dma_wait3A_596 = tpu.memref_slice %arg25[%dma_wait3A_595] : memref<1024xi32, #tpu.memory_space<vmem>> -> memref<128xi32, #tpu.memory_space<vmem>>
      %dma_wait3A_597 = arith.constant 0 : i32
      %dma_wait3A_598 = tpu.memref_slice %arg24[%dma_wait3A_597] : memref<50000xf32, #tpu.memory_space<vmem_shared>> -> memref<50000xf32, #tpu.memory_space<vmem_shared>>
      tpu.wait_indirect_dma semaphore(%arg44 : memref<!tpu.dma_semaphore, #tpu.memory_space<semaphore_mem>>) src(%dma_wait3A_598 : memref<50000xf32, #tpu.memory_space<vmem_shared>>) dst(%dma_wait3A_594 : memref<128xf32, #tpu.memory_space<vmem>>)
      %dma_wait3A_599 = arith.constant 640 : i32
      %dma_wait3A_600 = tpu.memref_slice %arg28[%dma_wait3A_599] : memref<1024xf32, #tpu.memory_space<vmem>> -> memref<128xf32, #tpu.memory_space<vmem>>
      %dma_wait3A_601 = arith.constant 640 : i32
      %dma_wait3A_602 = tpu.memref_slice %arg26[%dma_wait3A_601] : memref<1024xi32, #tpu.memory_space<vmem>> -> memref<128xi32, #tpu.memory_space<vmem>>
      %dma_wait3A_603 = arith.constant 0 : i32
      %dma_wait3A_604 = tpu.memref_slice %arg24[%dma_wait3A_603] : memref<50000xf32, #tpu.memory_space<vmem_shared>> -> memref<50000xf32, #tpu.memory_space<vmem_shared>>
      tpu.wait_indirect_dma semaphore(%arg44 : memref<!tpu.dma_semaphore, #tpu.memory_space<semaphore_mem>>) src(%dma_wait3A_604 : memref<50000xf32, #tpu.memory_space<vmem_shared>>) dst(%dma_wait3A_600 : memref<128xf32, #tpu.memory_space<vmem>>)
      %dma_wait3A_605 = arith.constant 768 : i32
      %dma_wait3A_606 = tpu.memref_slice %arg27[%dma_wait3A_605] : memref<1024xf32, #tpu.memory_space<vmem>> -> memref<128xf32, #tpu.memory_space<vmem>>
      %dma_wait3A_607 = arith.constant 768 : i32
      %dma_wait3A_608 = tpu.memref_slice %arg25[%dma_wait3A_607] : memref<1024xi32, #tpu.memory_space<vmem>> -> memref<128xi32, #tpu.memory_space<vmem>>
      %dma_wait3A_609 = arith.constant 0 : i32
      %dma_wait3A_610 = tpu.memref_slice %arg24[%dma_wait3A_609] : memref<50000xf32, #tpu.memory_space<vmem_shared>> -> memref<50000xf32, #tpu.memory_space<vmem_shared>>
      tpu.wait_indirect_dma semaphore(%arg44 : memref<!tpu.dma_semaphore, #tpu.memory_space<semaphore_mem>>) src(%dma_wait3A_610 : memref<50000xf32, #tpu.memory_space<vmem_shared>>) dst(%dma_wait3A_606 : memref<128xf32, #tpu.memory_space<vmem>>)
      %dma_wait3A_611 = arith.constant 768 : i32
      %dma_wait3A_612 = tpu.memref_slice %arg28[%dma_wait3A_611] : memref<1024xf32, #tpu.memory_space<vmem>> -> memref<128xf32, #tpu.memory_space<vmem>>
      %dma_wait3A_613 = arith.constant 768 : i32
      %dma_wait3A_614 = tpu.memref_slice %arg26[%dma_wait3A_613] : memref<1024xi32, #tpu.memory_space<vmem>> -> memref<128xi32, #tpu.memory_space<vmem>>
      %dma_wait3A_615 = arith.constant 0 : i32
      %dma_wait3A_616 = tpu.memref_slice %arg24[%dma_wait3A_615] : memref<50000xf32, #tpu.memory_space<vmem_shared>> -> memref<50000xf32, #tpu.memory_space<vmem_shared>>
      tpu.wait_indirect_dma semaphore(%arg44 : memref<!tpu.dma_semaphore, #tpu.memory_space<semaphore_mem>>) src(%dma_wait3A_616 : memref<50000xf32, #tpu.memory_space<vmem_shared>>) dst(%dma_wait3A_612 : memref<128xf32, #tpu.memory_space<vmem>>)
      %dma_wait3A_617 = arith.constant 896 : i32
      %dma_wait3A_618 = tpu.memref_slice %arg27[%dma_wait3A_617] : memref<1024xf32, #tpu.memory_space<vmem>> -> memref<128xf32, #tpu.memory_space<vmem>>
      %dma_wait3A_619 = arith.constant 896 : i32
      %dma_wait3A_620 = tpu.memref_slice %arg25[%dma_wait3A_619] : memref<1024xi32, #tpu.memory_space<vmem>> -> memref<128xi32, #tpu.memory_space<vmem>>
      %dma_wait3A_621 = arith.constant 0 : i32
      %dma_wait3A_622 = tpu.memref_slice %arg24[%dma_wait3A_621] : memref<50000xf32, #tpu.memory_space<vmem_shared>> -> memref<50000xf32, #tpu.memory_space<vmem_shared>>
      tpu.wait_indirect_dma semaphore(%arg44 : memref<!tpu.dma_semaphore, #tpu.memory_space<semaphore_mem>>) src(%dma_wait3A_622 : memref<50000xf32, #tpu.memory_space<vmem_shared>>) dst(%dma_wait3A_618 : memref<128xf32, #tpu.memory_space<vmem>>)
      %dma_wait3A_623 = arith.constant 896 : i32
      %dma_wait3A_624 = tpu.memref_slice %arg28[%dma_wait3A_623] : memref<1024xf32, #tpu.memory_space<vmem>> -> memref<128xf32, #tpu.memory_space<vmem>>
      %dma_wait3A_625 = arith.constant 896 : i32
      %dma_wait3A_626 = tpu.memref_slice %arg26[%dma_wait3A_625] : memref<1024xi32, #tpu.memory_space<vmem>> -> memref<128xi32, #tpu.memory_space<vmem>>
      %dma_wait3A_627 = arith.constant 0 : i32
      %dma_wait3A_628 = tpu.memref_slice %arg24[%dma_wait3A_627] : memref<50000xf32, #tpu.memory_space<vmem_shared>> -> memref<50000xf32, #tpu.memory_space<vmem_shared>>
      tpu.wait_indirect_dma semaphore(%arg44 : memref<!tpu.dma_semaphore, #tpu.memory_space<semaphore_mem>>) src(%dma_wait3A_628 : memref<50000xf32, #tpu.memory_space<vmem_shared>>) dst(%dma_wait3A_624 : memref<128xf32, #tpu.memory_space<vmem>>)
      %scan3A_629 = arith.constant 0 : i32
      %scan3A_630 = arith.constant 0 : i32
      %scan3A_631 = arith.constant 64 : i32
      %scan3A_632 = arith.addi %scan3A_630, %scan3A_631 : i32
      %scan3A_633 = arith.constant 1 : i32
      scf.for %scan3A_779 = %scan3A_630 to %scan3A_632 step %scan3A_633  : i32 {
        %mul3A_780 = arith.constant 16 : i32
        %mul3A_781 = arith.muli %scan3A_779, %mul3A_780 : i32
        %get3A = arith.index_cast %mul3A_781 : i32 to index
        %get3A_782 = tpu.vector_load %arg25[%get3A] {strides = array<i32>} : memref<1024xi32, #tpu.memory_space<vmem>>, vector<16xi32>,
        %get3A_783 = arith.index_cast %mul3A_781 : i32 to index
        %get3A_784 = tpu.vector_load %arg26[%get3A_783] {strides = array<i32>} : memref<1024xi32, #tpu.memory_space<vmem>>, vector<16xi32>,
        %gather3A = tpu.vector_load_idx %arg22[%get3A_782] : memref<50000xf32, #tpu.memory_space<vmem>>[vector<16xi32>], vector<16xf32>,
        %gather3A_785 = tpu.vector_load_idx %arg23[%get3A_782] : memref<50000xf32, #tpu.memory_space<vmem>>[vector<16xi32>], vector<16xf32>,
        %get3A_786 = arith.index_cast %mul3A_781 : i32 to index
        %get3A_787 = tpu.vector_load %arg27[%get3A_786] {strides = array<i32>} : memref<1024xf32, #tpu.memory_space<vmem>>, vector<16xf32>,
        %gather3A_788 = tpu.vector_load_idx %arg22[%get3A_784] : memref<50000xf32, #tpu.memory_space<vmem>>[vector<16xi32>], vector<16xf32>,
        %gather3A_789 = tpu.vector_load_idx %arg23[%get3A_784] : memref<50000xf32, #tpu.memory_space<vmem>>[vector<16xi32>], vector<16xf32>,
        %get3A_790 = arith.index_cast %mul3A_781 : i32 to index
        %get3A_791 = tpu.vector_load %arg28[%get3A_790] {strides = array<i32>} : memref<1024xf32, #tpu.memory_space<vmem>>, vector<16xf32>,
        %sub3A = arith.subf %gather3A_788, %gather3A : vector<16xf32>
        %get3A_792 = arith.index_cast %mul3A_781 : i32 to index
        %get3A_793 = tpu.vector_load %arg29[%get3A_792] {strides = array<i32>} : memref<1024xf32, #tpu.memory_space<vmem>>, vector<16xf32>,
        %add3A_794 = arith.addf %sub3A, %get3A_793 : vector<16xf32>
        %sub3A_795 = arith.subf %gather3A_789, %gather3A_785 : vector<16xf32>
        %get3A_796 = arith.index_cast %mul3A_781 : i32 to index
        %get3A_797 = tpu.vector_load %arg30[%get3A_796] {strides = array<i32>} : memref<1024xf32, #tpu.memory_space<vmem>>, vector<16xf32>,
        %add3A_798 = arith.addf %sub3A_795, %get3A_797 : vector<16xf32>
        %sub3A_799 = arith.subf %get3A_791, %get3A_787 : vector<16xf32>
        %get3A_800 = arith.index_cast %mul3A_781 : i32 to index
        %get3A_801 = tpu.vector_load %arg31[%get3A_800] {strides = array<i32>} : memref<1024xf32, #tpu.memory_space<vmem>>, vector<16xf32>,
        %add3A_802 = arith.addf %sub3A_799, %get3A_801 : vector<16xf32>
        %mul3A_803 = arith.mulf %add3A_794, %add3A_794 : vector<16xf32>
        %mul3A_804 = arith.mulf %add3A_798, %add3A_798 : vector<16xf32>
        %add3A_805 = arith.addf %mul3A_803, %mul3A_804 : vector<16xf32>
        %mul3A_806 = arith.mulf %add3A_802, %add3A_802 : vector<16xf32>
        %add3A_807 = arith.addf %add3A_805, %mul3A_806 : vector<16xf32>
        %bitcast3A = vector.bitcast %add3A_807 : vector<16xf32> to vector<16xi32>
        %shift_right_arithmetic3A = arith.constant 1 : i32
        %shift_right_arithmetic3A_808 = vector.broadcast %shift_right_arithmetic3A : i32 to vector<16xi32>
        %shift_right_arithmetic3A_809 = arith.shrsi %bitcast3A, %shift_right_arithmetic3A_808 : vector<16xi32>
        %sub3A_810 = arith.constant 1597463007 : i32
        %sub3A_811 = vector.broadcast %sub3A_810 : i32 to vector<16xi32>
        %sub3A_812 = arith.subi %sub3A_811, %shift_right_arithmetic3A_809 : vector<16xi32>
        %bitcast3A_813 = vector.bitcast %sub3A_812 : vector<16xi32> to vector<16xf32>
        %mul3A_814 = arith.constant 5.000000e-01 : f32
        %mul3A_815 = vector.broadcast %mul3A_814 : f32 to vector<16xf32>
        %mul3A_816 = arith.mulf %mul3A_815, %add3A_807 : vector<16xf32>
        %mul3A_817 = arith.mulf %mul3A_816, %bitcast3A_813 : vector<16xf32>
        %mul3A_818 = arith.mulf %mul3A_817, %bitcast3A_813 : vector<16xf32>
        %sub3A_819 = arith.constant 1.500000e+00 : f32
        %sub3A_820 = vector.broadcast %sub3A_819 : f32 to vector<16xf32>
        %sub3A_821 = arith.subf %sub3A_820, %mul3A_818 : vector<16xf32>
        %mul3A_822 = arith.mulf %bitcast3A_813, %sub3A_821 : vector<16xf32>
        %mul3A_823 = arith.constant 5.000000e-01 : f32
        %mul3A_824 = vector.broadcast %mul3A_823 : f32 to vector<16xf32>
        %mul3A_825 = arith.mulf %mul3A_824, %add3A_807 : vector<16xf32>
        %mul3A_826 = arith.mulf %mul3A_825, %mul3A_822 : vector<16xf32>
        %mul3A_827 = arith.mulf %mul3A_826, %mul3A_822 : vector<16xf32>
        %sub3A_828 = arith.constant 1.500000e+00 : f32
        %sub3A_829 = vector.broadcast %sub3A_828 : f32 to vector<16xf32>
        %sub3A_830 = arith.subf %sub3A_829, %mul3A_827 : vector<16xf32>
        %mul3A_831 = arith.mulf %mul3A_822, %sub3A_830 : vector<16xf32>
        %gt3A = arith.constant 0.000000e+00 : f32
        %gt3A_832 = vector.broadcast %gt3A : f32 to vector<16xf32>
        %gt3A_833 = arith.cmpf ogt, %add3A_807, %gt3A_832 : vector<16xf32>
        %jit3A = arith.constant 0.000000e+00 : f32
        %broadcast_in_dim3A = vector.broadcast %jit3A : f32 to vector<16xf32>
        %select_n3A = arith.select %gt3A_833, %mul3A_831, %broadcast_in_dim3A : vector<16xi1>, vector<16xf32>
        %mul3A_834 = arith.mulf %add3A_794, %select_n3A : vector<16xf32>
        %mul3A_835 = arith.mulf %add3A_798, %select_n3A : vector<16xf32>
        %mul3A_836 = arith.mulf %add3A_802, %select_n3A : vector<16xf32>
        %swap3A = arith.index_cast %mul3A_781 : i32 to index
        %swap3A_837 = tpu.vector_load %arg32[%swap3A] {strides = array<i32>} : memref<1024xf32, #tpu.memory_space<vmem>>, vector<16xf32>,
        tpu.vector_store %arg32[%swap3A], %add3A_794 {strides = array<i32>} : memref<1024xf32, #tpu.memory_space<vmem>>, vector<16xf32>,
        %swap3A_838 = arith.index_cast %mul3A_781 : i32 to index
        %swap3A_839 = tpu.vector_load %arg33[%swap3A_838] {strides = array<i32>} : memref<1024xf32, #tpu.memory_space<vmem>>, vector<16xf32>,
        tpu.vector_store %arg33[%swap3A_838], %add3A_798 {strides = array<i32>} : memref<1024xf32, #tpu.memory_space<vmem>>, vector<16xf32>,
        %swap3A_840 = arith.index_cast %mul3A_781 : i32 to index
        %swap3A_841 = tpu.vector_load %arg34[%swap3A_840] {strides = array<i32>} : memref<1024xf32, #tpu.memory_space<vmem>>, vector<16xf32>,
        tpu.vector_store %arg34[%swap3A_840], %add3A_802 {strides = array<i32>} : memref<1024xf32, #tpu.memory_space<vmem>>, vector<16xf32>,
        %mul3A_842 = arith.mulf %add3A_807, %select_n3A : vector<16xf32>
        %swap3A_843 = arith.index_cast %mul3A_781 : i32 to index
        %swap3A_844 = tpu.vector_load %arg35[%swap3A_843] {strides = array<i32>} : memref<1024xf32, #tpu.memory_space<vmem>>, vector<16xf32>,
        tpu.vector_store %arg35[%swap3A_843], %mul3A_842 {strides = array<i32>} : memref<1024xf32, #tpu.memory_space<vmem>>, vector<16xf32>,
        %mul3A_845 = arith.constant 1.73205078 : f32
        %mul3A_846 = vector.broadcast %mul3A_845 : f32 to vector<16xf32>
        %mul3A_847 = arith.mulf %mul3A_846, %mul3A_834 : vector<16xf32>
        %swap3A_848 = arith.index_cast %mul3A_781 : i32 to index
        %swap3A_849 = tpu.vector_load %arg36[%swap3A_848] {strides = array<i32>} : memref<1024xf32, #tpu.memory_space<vmem>>, vector<16xf32>,
        tpu.vector_store %arg36[%swap3A_848], %mul3A_847 {strides = array<i32>} : memref<1024xf32, #tpu.memory_space<vmem>>, vector<16xf32>,
        %mul3A_850 = arith.constant 1.73205078 : f32
        %mul3A_851 = vector.broadcast %mul3A_850 : f32 to vector<16xf32>
        %mul3A_852 = arith.mulf %mul3A_851, %mul3A_835 : vector<16xf32>
        %swap3A_853 = arith.index_cast %mul3A_781 : i32 to index
        %swap3A_854 = tpu.vector_load %arg37[%swap3A_853] {strides = array<i32>} : memref<1024xf32, #tpu.memory_space<vmem>>, vector<16xf32>,
        tpu.vector_store %arg37[%swap3A_853], %mul3A_852 {strides = array<i32>} : memref<1024xf32, #tpu.memory_space<vmem>>, vector<16xf32>,
        %mul3A_855 = arith.constant 1.73205078 : f32
        %mul3A_856 = vector.broadcast %mul3A_855 : f32 to vector<16xf32>
        %mul3A_857 = arith.mulf %mul3A_856, %mul3A_836 : vector<16xf32>
        %swap3A_858 = arith.index_cast %mul3A_781 : i32 to index
        %swap3A_859 = tpu.vector_load %arg38[%swap3A_858] {strides = array<i32>} : memref<1024xf32, #tpu.memory_space<vmem>>, vector<16xf32>,
        tpu.vector_store %arg38[%swap3A_858], %mul3A_857 {strides = array<i32>} : memref<1024xf32, #tpu.memory_space<vmem>>, vector<16xf32>,
        %mul3A_860 = arith.constant 2.23606801 : f32
        %mul3A_861 = arith.constant 1.73205078 : f32
        %mul3A_862 = arith.mulf %mul3A_860, %mul3A_861 : f32
        %mul3A_863 = vector.broadcast %mul3A_862 : f32 to vector<16xf32>
        %mul3A_864 = arith.mulf %mul3A_863, %mul3A_834 : vector<16xf32>
        %mul3A_865 = arith.mulf %mul3A_864, %mul3A_836 : vector<16xf32>
        %swap3A_866 = arith.index_cast %mul3A_781 : i32 to index
        %swap3A_867 = tpu.vector_load %arg39[%swap3A_866] {strides = array<i32>} : memref<1024xf32, #tpu.memory_space<vmem>>, vector<16xf32>,
        tpu.vector_store %arg39[%swap3A_866], %mul3A_865 {strides = array<i32>} : memref<1024xf32, #tpu.memory_space<vmem>>, vector<16xf32>,
        %mul3A_868 = arith.constant 2.23606801 : f32
        %mul3A_869 = arith.constant 1.73205078 : f32
        %mul3A_870 = arith.mulf %mul3A_868, %mul3A_869 : f32
        %mul3A_871 = vector.broadcast %mul3A_870 : f32 to vector<16xf32>
        %mul3A_872 = arith.mulf %mul3A_871, %mul3A_834 : vector<16xf32>
        %mul3A_873 = arith.mulf %mul3A_872, %mul3A_835 : vector<16xf32>
        %swap3A_874 = arith.index_cast %mul3A_781 : i32 to index
        %swap3A_875 = tpu.vector_load %arg40[%swap3A_874] {strides = array<i32>} : memref<1024xf32, #tpu.memory_space<vmem>>, vector<16xf32>,
        tpu.vector_store %arg40[%swap3A_874], %mul3A_873 {strides = array<i32>} : memref<1024xf32, #tpu.memory_space<vmem>>, vector<16xf32>,
        %mul3A_876 = arith.mulf %mul3A_835, %mul3A_835 : vector<16xf32>
        %mul3A_877 = arith.mulf %mul3A_834, %mul3A_834 : vector<16xf32>
        %mul3A_878 = arith.mulf %mul3A_836, %mul3A_836 : vector<16xf32>
        %add3A_879 = arith.addf %mul3A_877, %mul3A_878 : vector<16xf32>
        %mul3A_880 = arith.constant 5.000000e-01 : f32
        %mul3A_881 = vector.broadcast %mul3A_880 : f32 to vector<16xf32>
        %mul3A_882 = arith.mulf %mul3A_881, %add3A_879 : vector<16xf32>
        %sub3A_883 = arith.subf %mul3A_876, %mul3A_882 : vector<16xf32>
        %mul3A_884 = arith.constant 2.23606801 : f32
        %mul3A_885 = vector.broadcast %mul3A_884 : f32 to vector<16xf32>
        %mul3A_886 = arith.mulf %mul3A_885, %sub3A_883 : vector<16xf32>
        %swap3A_887 = arith.index_cast %mul3A_781 : i32 to index
        %swap3A_888 = tpu.vector_load %arg41[%swap3A_887] {strides = array<i32>} : memref<1024xf32, #tpu.memory_space<vmem>>, vector<16xf32>,
        tpu.vector_store %arg41[%swap3A_887], %mul3A_886 {strides = array<i32>} : memref<1024xf32, #tpu.memory_space<vmem>>, vector<16xf32>,
        %mul3A_889 = arith.constant 2.23606801 : f32
        %mul3A_890 = arith.constant 1.73205078 : f32
        %mul3A_891 = arith.mulf %mul3A_889, %mul3A_890 : f32
        %mul3A_892 = vector.broadcast %mul3A_891 : f32 to vector<16xf32>
        %mul3A_893 = arith.mulf %mul3A_892, %mul3A_835 : vector<16xf32>
        %mul3A_894 = arith.mulf %mul3A_893, %mul3A_836 : vector<16xf32>
        %swap3A_895 = arith.index_cast %mul3A_781 : i32 to index
        %swap3A_896 = tpu.vector_load %arg42[%swap3A_895] {strides = array<i32>} : memref<1024xf32, #tpu.memory_space<vmem>>, vector<16xf32>,
        tpu.vector_store %arg42[%swap3A_895], %mul3A_894 {strides = array<i32>} : memref<1024xf32, #tpu.memory_space<vmem>>, vector<16xf32>,
        %mul3A_897 = arith.constant 2.23606801 : f32
        %mul3A_898 = arith.constant 0.866025388 : f32
        %mul3A_899 = arith.mulf %mul3A_897, %mul3A_898 : f32
        %mul3A_900 = arith.mulf %mul3A_836, %mul3A_836 : vector<16xf32>
        %mul3A_901 = arith.mulf %mul3A_834, %mul3A_834 : vector<16xf32>
        %sub3A_902 = arith.subf %mul3A_900, %mul3A_901 : vector<16xf32>
        %mul3A_903 = vector.broadcast %mul3A_899 : f32 to vector<16xf32>
        %mul3A_904 = arith.mulf %mul3A_903, %sub3A_902 : vector<16xf32>
        %swap3A_905 = arith.index_cast %mul3A_781 : i32 to index
        %swap3A_906 = tpu.vector_load %arg43[%swap3A_905] {strides = array<i32>} : memref<1024xf32, #tpu.memory_space<vmem>>, vector<16xf32>,
        tpu.vector_store %arg43[%swap3A_905], %mul3A_904 {strides = array<i32>} : memref<1024xf32, #tpu.memory_space<vmem>>, vector<16xf32>,
      }
      %scan3A_634 = arith.constant 64 : i32
      %dma_start3A_635 = arith.constant 0 : i32
      %dma_start3A_636 = tpu.memref_slice %arg32[%dma_start3A_635] : memref<1024xf32, #tpu.memory_space<vmem>> -> memref<1024xf32, #tpu.memory_space<vmem>>
      %dma_start3A_637 = tpu.memref_slice %arg10[%add3A_376] : memref<3200000xf32, #tpu.memory_space<hbm>> -> memref<1024xf32, #tpu.memory_space<hbm>>
      %dma_start3A_638 = tpu.memref_slice %arg10[%add3A_376] : memref<3200000xf32, #tpu.memory_space<hbm>> -> memref<1024xf32, #tpu.memory_space<hbm>>
      %dma_start3A_639 = arith.constant 0 : i32
      %dma_start3A_640 = tpu.memref_slice %arg32[%dma_start3A_639] : memref<1024xf32, #tpu.memory_space<vmem>> -> memref<1024xf32, #tpu.memory_space<vmem>>
      tpu.enqueue_dma source(%dma_start3A_640 : memref<1024xf32, #tpu.memory_space<vmem>>) target(%dma_start3A_638 : memref<1024xf32, #tpu.memory_space<hbm>>) target_semaphore(%arg47 : memref<!tpu.dma_semaphore, #tpu.memory_space<semaphore_mem>>)
      %dma_start3A_641 = arith.constant 0 : i32
      %dma_start3A_642 = tpu.memref_slice %arg33[%dma_start3A_641] : memref<1024xf32, #tpu.memory_space<vmem>> -> memref<1024xf32, #tpu.memory_space<vmem>>
      %dma_start3A_643 = tpu.memref_slice %arg11[%add3A_376] : memref<3200000xf32, #tpu.memory_space<hbm>> -> memref<1024xf32, #tpu.memory_space<hbm>>
      %dma_start3A_644 = tpu.memref_slice %arg11[%add3A_376] : memref<3200000xf32, #tpu.memory_space<hbm>> -> memref<1024xf32, #tpu.memory_space<hbm>>
      %dma_start3A_645 = arith.constant 0 : i32
      %dma_start3A_646 = tpu.memref_slice %arg33[%dma_start3A_645] : memref<1024xf32, #tpu.memory_space<vmem>> -> memref<1024xf32, #tpu.memory_space<vmem>>
      tpu.enqueue_dma source(%dma_start3A_646 : memref<1024xf32, #tpu.memory_space<vmem>>) target(%dma_start3A_644 : memref<1024xf32, #tpu.memory_space<hbm>>) target_semaphore(%arg47 : memref<!tpu.dma_semaphore, #tpu.memory_space<semaphore_mem>>)
      %dma_start3A_647 = arith.constant 0 : i32
      %dma_start3A_648 = tpu.memref_slice %arg34[%dma_start3A_647] : memref<1024xf32, #tpu.memory_space<vmem>> -> memref<1024xf32, #tpu.memory_space<vmem>>
      %dma_start3A_649 = tpu.memref_slice %arg12[%add3A_376] : memref<3200000xf32, #tpu.memory_space<hbm>> -> memref<1024xf32, #tpu.memory_space<hbm>>
      %dma_start3A_650 = tpu.memref_slice %arg12[%add3A_376] : memref<3200000xf32, #tpu.memory_space<hbm>> -> memref<1024xf32, #tpu.memory_space<hbm>>
      %dma_start3A_651 = arith.constant 0 : i32
      %dma_start3A_652 = tpu.memref_slice %arg34[%dma_start3A_651] : memref<1024xf32, #tpu.memory_space<vmem>> -> memref<1024xf32, #tpu.memory_space<vmem>>
      tpu.enqueue_dma source(%dma_start3A_652 : memref<1024xf32, #tpu.memory_space<vmem>>) target(%dma_start3A_650 : memref<1024xf32, #tpu.memory_space<hbm>>) target_semaphore(%arg47 : memref<!tpu.dma_semaphore, #tpu.memory_space<semaphore_mem>>)
      %dma_start3A_653 = arith.constant 0 : i32
      %dma_start3A_654 = tpu.memref_slice %arg35[%dma_start3A_653] : memref<1024xf32, #tpu.memory_space<vmem>> -> memref<1024xf32, #tpu.memory_space<vmem>>
      %dma_start3A_655 = tpu.memref_slice %arg13[%add3A_376] : memref<3200000xf32, #tpu.memory_space<hbm>> -> memref<1024xf32, #tpu.memory_space<hbm>>
      %dma_start3A_656 = tpu.memref_slice %arg13[%add3A_376] : memref<3200000xf32, #tpu.memory_space<hbm>> -> memref<1024xf32, #tpu.memory_space<hbm>>
      %dma_start3A_657 = arith.constant 0 : i32
      %dma_start3A_658 = tpu.memref_slice %arg35[%dma_start3A_657] : memref<1024xf32, #tpu.memory_space<vmem>> -> memref<1024xf32, #tpu.memory_space<vmem>>
      tpu.enqueue_dma source(%dma_start3A_658 : memref<1024xf32, #tpu.memory_space<vmem>>) target(%dma_start3A_656 : memref<1024xf32, #tpu.memory_space<hbm>>) target_semaphore(%arg47 : memref<!tpu.dma_semaphore, #tpu.memory_space<semaphore_mem>>)
      %dma_start3A_659 = arith.constant 0 : i32
      %dma_start3A_660 = tpu.memref_slice %arg36[%dma_start3A_659] : memref<1024xf32, #tpu.memory_space<vmem>> -> memref<1024xf32, #tpu.memory_space<vmem>>
      %dma_start3A_661 = tpu.memref_slice %arg14[%add3A_376] : memref<3200000xf32, #tpu.memory_space<hbm>> -> memref<1024xf32, #tpu.memory_space<hbm>>
      %dma_start3A_662 = tpu.memref_slice %arg14[%add3A_376] : memref<3200000xf32, #tpu.memory_space<hbm>> -> memref<1024xf32, #tpu.memory_space<hbm>>
      %dma_start3A_663 = arith.constant 0 : i32
      %dma_start3A_664 = tpu.memref_slice %arg36[%dma_start3A_663] : memref<1024xf32, #tpu.memory_space<vmem>> -> memref<1024xf32, #tpu.memory_space<vmem>>
      tpu.enqueue_dma source(%dma_start3A_664 : memref<1024xf32, #tpu.memory_space<vmem>>) target(%dma_start3A_662 : memref<1024xf32, #tpu.memory_space<hbm>>) target_semaphore(%arg47 : memref<!tpu.dma_semaphore, #tpu.memory_space<semaphore_mem>>)
      %dma_start3A_665 = arith.constant 0 : i32
      %dma_start3A_666 = tpu.memref_slice %arg37[%dma_start3A_665] : memref<1024xf32, #tpu.memory_space<vmem>> -> memref<1024xf32, #tpu.memory_space<vmem>>
      %dma_start3A_667 = tpu.memref_slice %arg15[%add3A_376] : memref<3200000xf32, #tpu.memory_space<hbm>> -> memref<1024xf32, #tpu.memory_space<hbm>>
      %dma_start3A_668 = tpu.memref_slice %arg15[%add3A_376] : memref<3200000xf32, #tpu.memory_space<hbm>> -> memref<1024xf32, #tpu.memory_space<hbm>>
      %dma_start3A_669 = arith.constant 0 : i32
      %dma_start3A_670 = tpu.memref_slice %arg37[%dma_start3A_669] : memref<1024xf32, #tpu.memory_space<vmem>> -> memref<1024xf32, #tpu.memory_space<vmem>>
      tpu.enqueue_dma source(%dma_start3A_670 : memref<1024xf32, #tpu.memory_space<vmem>>) target(%dma_start3A_668 : memref<1024xf32, #tpu.memory_space<hbm>>) target_semaphore(%arg47 : memref<!tpu.dma_semaphore, #tpu.memory_space<semaphore_mem>>)
      %dma_start3A_671 = arith.constant 0 : i32
      %dma_start3A_672 = tpu.memref_slice %arg38[%dma_start3A_671] : memref<1024xf32, #tpu.memory_space<vmem>> -> memref<1024xf32, #tpu.memory_space<vmem>>
      %dma_start3A_673 = tpu.memref_slice %arg16[%add3A_376] : memref<3200000xf32, #tpu.memory_space<hbm>> -> memref<1024xf32, #tpu.memory_space<hbm>>
      %dma_start3A_674 = tpu.memref_slice %arg16[%add3A_376] : memref<3200000xf32, #tpu.memory_space<hbm>> -> memref<1024xf32, #tpu.memory_space<hbm>>
      %dma_start3A_675 = arith.constant 0 : i32
      %dma_start3A_676 = tpu.memref_slice %arg38[%dma_start3A_675] : memref<1024xf32, #tpu.memory_space<vmem>> -> memref<1024xf32, #tpu.memory_space<vmem>>
      tpu.enqueue_dma source(%dma_start3A_676 : memref<1024xf32, #tpu.memory_space<vmem>>) target(%dma_start3A_674 : memref<1024xf32, #tpu.memory_space<hbm>>) target_semaphore(%arg47 : memref<!tpu.dma_semaphore, #tpu.memory_space<semaphore_mem>>)
      %dma_start3A_677 = arith.constant 0 : i32
      %dma_start3A_678 = tpu.memref_slice %arg39[%dma_start3A_677] : memref<1024xf32, #tpu.memory_space<vmem>> -> memref<1024xf32, #tpu.memory_space<vmem>>
      %dma_start3A_679 = tpu.memref_slice %arg17[%add3A_376] : memref<3200000xf32, #tpu.memory_space<hbm>> -> memref<1024xf32, #tpu.memory_space<hbm>>
      %dma_start3A_680 = tpu.memref_slice %arg17[%add3A_376] : memref<3200000xf32, #tpu.memory_space<hbm>> -> memref<1024xf32, #tpu.memory_space<hbm>>
      %dma_start3A_681 = arith.constant 0 : i32
      %dma_start3A_682 = tpu.memref_slice %arg39[%dma_start3A_681] : memref<1024xf32, #tpu.memory_space<vmem>> -> memref<1024xf32, #tpu.memory_space<vmem>>
      tpu.enqueue_dma source(%dma_start3A_682 : memref<1024xf32, #tpu.memory_space<vmem>>) target(%dma_start3A_680 : memref<1024xf32, #tpu.memory_space<hbm>>) target_semaphore(%arg47 : memref<!tpu.dma_semaphore, #tpu.memory_space<semaphore_mem>>)
      %dma_start3A_683 = arith.constant 0 : i32
      %dma_start3A_684 = tpu.memref_slice %arg40[%dma_start3A_683] : memref<1024xf32, #tpu.memory_space<vmem>> -> memref<1024xf32, #tpu.memory_space<vmem>>
      %dma_start3A_685 = tpu.memref_slice %arg18[%add3A_376] : memref<3200000xf32, #tpu.memory_space<hbm>> -> memref<1024xf32, #tpu.memory_space<hbm>>
      %dma_start3A_686 = tpu.memref_slice %arg18[%add3A_376] : memref<3200000xf32, #tpu.memory_space<hbm>> -> memref<1024xf32, #tpu.memory_space<hbm>>
      %dma_start3A_687 = arith.constant 0 : i32
      %dma_start3A_688 = tpu.memref_slice %arg40[%dma_start3A_687] : memref<1024xf32, #tpu.memory_space<vmem>> -> memref<1024xf32, #tpu.memory_space<vmem>>
      tpu.enqueue_dma source(%dma_start3A_688 : memref<1024xf32, #tpu.memory_space<vmem>>) target(%dma_start3A_686 : memref<1024xf32, #tpu.memory_space<hbm>>) target_semaphore(%arg47 : memref<!tpu.dma_semaphore, #tpu.memory_space<semaphore_mem>>)
      %dma_start3A_689 = arith.constant 0 : i32
      %dma_start3A_690 = tpu.memref_slice %arg41[%dma_start3A_689] : memref<1024xf32, #tpu.memory_space<vmem>> -> memref<1024xf32, #tpu.memory_space<vmem>>
      %dma_start3A_691 = tpu.memref_slice %arg19[%add3A_376] : memref<3200000xf32, #tpu.memory_space<hbm>> -> memref<1024xf32, #tpu.memory_space<hbm>>
      %dma_start3A_692 = tpu.memref_slice %arg19[%add3A_376] : memref<3200000xf32, #tpu.memory_space<hbm>> -> memref<1024xf32, #tpu.memory_space<hbm>>
      %dma_start3A_693 = arith.constant 0 : i32
      %dma_start3A_694 = tpu.memref_slice %arg41[%dma_start3A_693] : memref<1024xf32, #tpu.memory_space<vmem>> -> memref<1024xf32, #tpu.memory_space<vmem>>
      tpu.enqueue_dma source(%dma_start3A_694 : memref<1024xf32, #tpu.memory_space<vmem>>) target(%dma_start3A_692 : memref<1024xf32, #tpu.memory_space<hbm>>) target_semaphore(%arg47 : memref<!tpu.dma_semaphore, #tpu.memory_space<semaphore_mem>>)
      %dma_start3A_695 = arith.constant 0 : i32
      %dma_start3A_696 = tpu.memref_slice %arg42[%dma_start3A_695] : memref<1024xf32, #tpu.memory_space<vmem>> -> memref<1024xf32, #tpu.memory_space<vmem>>
      %dma_start3A_697 = tpu.memref_slice %arg20[%add3A_376] : memref<3200000xf32, #tpu.memory_space<hbm>> -> memref<1024xf32, #tpu.memory_space<hbm>>
      %dma_start3A_698 = tpu.memref_slice %arg20[%add3A_376] : memref<3200000xf32, #tpu.memory_space<hbm>> -> memref<1024xf32, #tpu.memory_space<hbm>>
      %dma_start3A_699 = arith.constant 0 : i32
      %dma_start3A_700 = tpu.memref_slice %arg42[%dma_start3A_699] : memref<1024xf32, #tpu.memory_space<vmem>> -> memref<1024xf32, #tpu.memory_space<vmem>>
      tpu.enqueue_dma source(%dma_start3A_700 : memref<1024xf32, #tpu.memory_space<vmem>>) target(%dma_start3A_698 : memref<1024xf32, #tpu.memory_space<hbm>>) target_semaphore(%arg47 : memref<!tpu.dma_semaphore, #tpu.memory_space<semaphore_mem>>)
      %dma_start3A_701 = arith.constant 0 : i32
      %dma_start3A_702 = tpu.memref_slice %arg43[%dma_start3A_701] : memref<1024xf32, #tpu.memory_space<vmem>> -> memref<1024xf32, #tpu.memory_space<vmem>>
      %dma_start3A_703 = tpu.memref_slice %arg21[%add3A_376] : memref<3200000xf32, #tpu.memory_space<hbm>> -> memref<1024xf32, #tpu.memory_space<hbm>>
      %dma_start3A_704 = tpu.memref_slice %arg21[%add3A_376] : memref<3200000xf32, #tpu.memory_space<hbm>> -> memref<1024xf32, #tpu.memory_space<hbm>>
      %dma_start3A_705 = arith.constant 0 : i32
      %dma_start3A_706 = tpu.memref_slice %arg43[%dma_start3A_705] : memref<1024xf32, #tpu.memory_space<vmem>> -> memref<1024xf32, #tpu.memory_space<vmem>>
      tpu.enqueue_dma source(%dma_start3A_706 : memref<1024xf32, #tpu.memory_space<vmem>>) target(%dma_start3A_704 : memref<1024xf32, #tpu.memory_space<hbm>>) target_semaphore(%arg47 : memref<!tpu.dma_semaphore, #tpu.memory_space<semaphore_mem>>)
      %dma_wait3A_707 = arith.constant 0 : i32
      %dma_wait3A_708 = tpu.memref_slice %arg32[%dma_wait3A_707] : memref<1024xf32, #tpu.memory_space<vmem>> -> memref<1024xf32, #tpu.memory_space<vmem>>
      %dma_wait3A_709 = tpu.memref_slice %arg10[%add3A_376] : memref<3200000xf32, #tpu.memory_space<hbm>> -> memref<1024xf32, #tpu.memory_space<hbm>>
      %dma_wait3A_710 = tpu.memref_slice %arg10[%add3A_376] : memref<3200000xf32, #tpu.memory_space<hbm>> -> memref<1024xf32, #tpu.memory_space<hbm>>
      %dma_wait3A_711 = arith.constant 0 : i32
      %dma_wait3A_712 = tpu.memref_slice %arg32[%dma_wait3A_711] : memref<1024xf32, #tpu.memory_space<vmem>> -> memref<1024xf32, #tpu.memory_space<vmem>>
      tpu.wait_dma2 semaphore(%arg47 : memref<!tpu.dma_semaphore, #tpu.memory_space<semaphore_mem>>) src(%dma_wait3A_712 : memref<1024xf32, #tpu.memory_space<vmem>>) dst(%dma_wait3A_710 : memref<1024xf32, #tpu.memory_space<hbm>>)
      %dma_wait3A_713 = arith.constant 0 : i32
      %dma_wait3A_714 = tpu.memref_slice %arg33[%dma_wait3A_713] : memref<1024xf32, #tpu.memory_space<vmem>> -> memref<1024xf32, #tpu.memory_space<vmem>>
      %dma_wait3A_715 = tpu.memref_slice %arg11[%add3A_376] : memref<3200000xf32, #tpu.memory_space<hbm>> -> memref<1024xf32, #tpu.memory_space<hbm>>
      %dma_wait3A_716 = tpu.memref_slice %arg11[%add3A_376] : memref<3200000xf32, #tpu.memory_space<hbm>> -> memref<1024xf32, #tpu.memory_space<hbm>>
      %dma_wait3A_717 = arith.constant 0 : i32
      %dma_wait3A_718 = tpu.memref_slice %arg33[%dma_wait3A_717] : memref<1024xf32, #tpu.memory_space<vmem>> -> memref<1024xf32, #tpu.memory_space<vmem>>
      tpu.wait_dma2 semaphore(%arg47 : memref<!tpu.dma_semaphore, #tpu.memory_space<semaphore_mem>>) src(%dma_wait3A_718 : memref<1024xf32, #tpu.memory_space<vmem>>) dst(%dma_wait3A_716 : memref<1024xf32, #tpu.memory_space<hbm>>)
      %dma_wait3A_719 = arith.constant 0 : i32
      %dma_wait3A_720 = tpu.memref_slice %arg34[%dma_wait3A_719] : memref<1024xf32, #tpu.memory_space<vmem>> -> memref<1024xf32, #tpu.memory_space<vmem>>
      %dma_wait3A_721 = tpu.memref_slice %arg12[%add3A_376] : memref<3200000xf32, #tpu.memory_space<hbm>> -> memref<1024xf32, #tpu.memory_space<hbm>>
      %dma_wait3A_722 = tpu.memref_slice %arg12[%add3A_376] : memref<3200000xf32, #tpu.memory_space<hbm>> -> memref<1024xf32, #tpu.memory_space<hbm>>
      %dma_wait3A_723 = arith.constant 0 : i32
      %dma_wait3A_724 = tpu.memref_slice %arg34[%dma_wait3A_723] : memref<1024xf32, #tpu.memory_space<vmem>> -> memref<1024xf32, #tpu.memory_space<vmem>>
      tpu.wait_dma2 semaphore(%arg47 : memref<!tpu.dma_semaphore, #tpu.memory_space<semaphore_mem>>) src(%dma_wait3A_724 : memref<1024xf32, #tpu.memory_space<vmem>>) dst(%dma_wait3A_722 : memref<1024xf32, #tpu.memory_space<hbm>>)
      %dma_wait3A_725 = arith.constant 0 : i32
      %dma_wait3A_726 = tpu.memref_slice %arg35[%dma_wait3A_725] : memref<1024xf32, #tpu.memory_space<vmem>> -> memref<1024xf32, #tpu.memory_space<vmem>>
      %dma_wait3A_727 = tpu.memref_slice %arg13[%add3A_376] : memref<3200000xf32, #tpu.memory_space<hbm>> -> memref<1024xf32, #tpu.memory_space<hbm>>
      %dma_wait3A_728 = tpu.memref_slice %arg13[%add3A_376] : memref<3200000xf32, #tpu.memory_space<hbm>> -> memref<1024xf32, #tpu.memory_space<hbm>>
      %dma_wait3A_729 = arith.constant 0 : i32
      %dma_wait3A_730 = tpu.memref_slice %arg35[%dma_wait3A_729] : memref<1024xf32, #tpu.memory_space<vmem>> -> memref<1024xf32, #tpu.memory_space<vmem>>
      tpu.wait_dma2 semaphore(%arg47 : memref<!tpu.dma_semaphore, #tpu.memory_space<semaphore_mem>>) src(%dma_wait3A_730 : memref<1024xf32, #tpu.memory_space<vmem>>) dst(%dma_wait3A_728 : memref<1024xf32, #tpu.memory_space<hbm>>)
      %dma_wait3A_731 = arith.constant 0 : i32
      %dma_wait3A_732 = tpu.memref_slice %arg36[%dma_wait3A_731] : memref<1024xf32, #tpu.memory_space<vmem>> -> memref<1024xf32, #tpu.memory_space<vmem>>
      %dma_wait3A_733 = tpu.memref_slice %arg14[%add3A_376] : memref<3200000xf32, #tpu.memory_space<hbm>> -> memref<1024xf32, #tpu.memory_space<hbm>>
      %dma_wait3A_734 = tpu.memref_slice %arg14[%add3A_376] : memref<3200000xf32, #tpu.memory_space<hbm>> -> memref<1024xf32, #tpu.memory_space<hbm>>
      %dma_wait3A_735 = arith.constant 0 : i32
      %dma_wait3A_736 = tpu.memref_slice %arg36[%dma_wait3A_735] : memref<1024xf32, #tpu.memory_space<vmem>> -> memref<1024xf32, #tpu.memory_space<vmem>>
      tpu.wait_dma2 semaphore(%arg47 : memref<!tpu.dma_semaphore, #tpu.memory_space<semaphore_mem>>) src(%dma_wait3A_736 : memref<1024xf32, #tpu.memory_space<vmem>>) dst(%dma_wait3A_734 : memref<1024xf32, #tpu.memory_space<hbm>>)
      %dma_wait3A_737 = arith.constant 0 : i32
      %dma_wait3A_738 = tpu.memref_slice %arg37[%dma_wait3A_737] : memref<1024xf32, #tpu.memory_space<vmem>> -> memref<1024xf32, #tpu.memory_space<vmem>>
      %dma_wait3A_739 = tpu.memref_slice %arg15[%add3A_376] : memref<3200000xf32, #tpu.memory_space<hbm>> -> memref<1024xf32, #tpu.memory_space<hbm>>
      %dma_wait3A_740 = tpu.memref_slice %arg15[%add3A_376] : memref<3200000xf32, #tpu.memory_space<hbm>> -> memref<1024xf32, #tpu.memory_space<hbm>>
      %dma_wait3A_741 = arith.constant 0 : i32
      %dma_wait3A_742 = tpu.memref_slice %arg37[%dma_wait3A_741] : memref<1024xf32, #tpu.memory_space<vmem>> -> memref<1024xf32, #tpu.memory_space<vmem>>
      tpu.wait_dma2 semaphore(%arg47 : memref<!tpu.dma_semaphore, #tpu.memory_space<semaphore_mem>>) src(%dma_wait3A_742 : memref<1024xf32, #tpu.memory_space<vmem>>) dst(%dma_wait3A_740 : memref<1024xf32, #tpu.memory_space<hbm>>)
      %dma_wait3A_743 = arith.constant 0 : i32
      %dma_wait3A_744 = tpu.memref_slice %arg38[%dma_wait3A_743] : memref<1024xf32, #tpu.memory_space<vmem>> -> memref<1024xf32, #tpu.memory_space<vmem>>
      %dma_wait3A_745 = tpu.memref_slice %arg16[%add3A_376] : memref<3200000xf32, #tpu.memory_space<hbm>> -> memref<1024xf32, #tpu.memory_space<hbm>>
      %dma_wait3A_746 = tpu.memref_slice %arg16[%add3A_376] : memref<3200000xf32, #tpu.memory_space<hbm>> -> memref<1024xf32, #tpu.memory_space<hbm>>
      %dma_wait3A_747 = arith.constant 0 : i32
      %dma_wait3A_748 = tpu.memref_slice %arg38[%dma_wait3A_747] : memref<1024xf32, #tpu.memory_space<vmem>> -> memref<1024xf32, #tpu.memory_space<vmem>>
      tpu.wait_dma2 semaphore(%arg47 : memref<!tpu.dma_semaphore, #tpu.memory_space<semaphore_mem>>) src(%dma_wait3A_748 : memref<1024xf32, #tpu.memory_space<vmem>>) dst(%dma_wait3A_746 : memref<1024xf32, #tpu.memory_space<hbm>>)
      %dma_wait3A_749 = arith.constant 0 : i32
      %dma_wait3A_750 = tpu.memref_slice %arg39[%dma_wait3A_749] : memref<1024xf32, #tpu.memory_space<vmem>> -> memref<1024xf32, #tpu.memory_space<vmem>>
      %dma_wait3A_751 = tpu.memref_slice %arg17[%add3A_376] : memref<3200000xf32, #tpu.memory_space<hbm>> -> memref<1024xf32, #tpu.memory_space<hbm>>
      %dma_wait3A_752 = tpu.memref_slice %arg17[%add3A_376] : memref<3200000xf32, #tpu.memory_space<hbm>> -> memref<1024xf32, #tpu.memory_space<hbm>>
      %dma_wait3A_753 = arith.constant 0 : i32
      %dma_wait3A_754 = tpu.memref_slice %arg39[%dma_wait3A_753] : memref<1024xf32, #tpu.memory_space<vmem>> -> memref<1024xf32, #tpu.memory_space<vmem>>
      tpu.wait_dma2 semaphore(%arg47 : memref<!tpu.dma_semaphore, #tpu.memory_space<semaphore_mem>>) src(%dma_wait3A_754 : memref<1024xf32, #tpu.memory_space<vmem>>) dst(%dma_wait3A_752 : memref<1024xf32, #tpu.memory_space<hbm>>)
      %dma_wait3A_755 = arith.constant 0 : i32
      %dma_wait3A_756 = tpu.memref_slice %arg40[%dma_wait3A_755] : memref<1024xf32, #tpu.memory_space<vmem>> -> memref<1024xf32, #tpu.memory_space<vmem>>
      %dma_wait3A_757 = tpu.memref_slice %arg18[%add3A_376] : memref<3200000xf32, #tpu.memory_space<hbm>> -> memref<1024xf32, #tpu.memory_space<hbm>>
      %dma_wait3A_758 = tpu.memref_slice %arg18[%add3A_376] : memref<3200000xf32, #tpu.memory_space<hbm>> -> memref<1024xf32, #tpu.memory_space<hbm>>
      %dma_wait3A_759 = arith.constant 0 : i32
      %dma_wait3A_760 = tpu.memref_slice %arg40[%dma_wait3A_759] : memref<1024xf32, #tpu.memory_space<vmem>> -> memref<1024xf32, #tpu.memory_space<vmem>>
      tpu.wait_dma2 semaphore(%arg47 : memref<!tpu.dma_semaphore, #tpu.memory_space<semaphore_mem>>) src(%dma_wait3A_760 : memref<1024xf32, #tpu.memory_space<vmem>>) dst(%dma_wait3A_758 : memref<1024xf32, #tpu.memory_space<hbm>>)
      %dma_wait3A_761 = arith.constant 0 : i32
      %dma_wait3A_762 = tpu.memref_slice %arg41[%dma_wait3A_761] : memref<1024xf32, #tpu.memory_space<vmem>> -> memref<1024xf32, #tpu.memory_space<vmem>>
      %dma_wait3A_763 = tpu.memref_slice %arg19[%add3A_376] : memref<3200000xf32, #tpu.memory_space<hbm>> -> memref<1024xf32, #tpu.memory_space<hbm>>
      %dma_wait3A_764 = tpu.memref_slice %arg19[%add3A_376] : memref<3200000xf32, #tpu.memory_space<hbm>> -> memref<1024xf32, #tpu.memory_space<hbm>>
      %dma_wait3A_765 = arith.constant 0 : i32
      %dma_wait3A_766 = tpu.memref_slice %arg41[%dma_wait3A_765] : memref<1024xf32, #tpu.memory_space<vmem>> -> memref<1024xf32, #tpu.memory_space<vmem>>
      tpu.wait_dma2 semaphore(%arg47 : memref<!tpu.dma_semaphore, #tpu.memory_space<semaphore_mem>>) src(%dma_wait3A_766 : memref<1024xf32, #tpu.memory_space<vmem>>) dst(%dma_wait3A_764 : memref<1024xf32, #tpu.memory_space<hbm>>)
      %dma_wait3A_767 = arith.constant 0 : i32
      %dma_wait3A_768 = tpu.memref_slice %arg42[%dma_wait3A_767] : memref<1024xf32, #tpu.memory_space<vmem>> -> memref<1024xf32, #tpu.memory_space<vmem>>
      %dma_wait3A_769 = tpu.memref_slice %arg20[%add3A_376] : memref<3200000xf32, #tpu.memory_space<hbm>> -> memref<1024xf32, #tpu.memory_space<hbm>>
      %dma_wait3A_770 = tpu.memref_slice %arg20[%add3A_376] : memref<3200000xf32, #tpu.memory_space<hbm>> -> memref<1024xf32, #tpu.memory_space<hbm>>
      %dma_wait3A_771 = arith.constant 0 : i32
      %dma_wait3A_772 = tpu.memref_slice %arg42[%dma_wait3A_771] : memref<1024xf32, #tpu.memory_space<vmem>> -> memref<1024xf32, #tpu.memory_space<vmem>>
      tpu.wait_dma2 semaphore(%arg47 : memref<!tpu.dma_semaphore, #tpu.memory_space<semaphore_mem>>) src(%dma_wait3A_772 : memref<1024xf32, #tpu.memory_space<vmem>>) dst(%dma_wait3A_770 : memref<1024xf32, #tpu.memory_space<hbm>>)
      %dma_wait3A_773 = arith.constant 0 : i32
      %dma_wait3A_774 = tpu.memref_slice %arg43[%dma_wait3A_773] : memref<1024xf32, #tpu.memory_space<vmem>> -> memref<1024xf32, #tpu.memory_space<vmem>>
      %dma_wait3A_775 = tpu.memref_slice %arg21[%add3A_376] : memref<3200000xf32, #tpu.memory_space<hbm>> -> memref<1024xf32, #tpu.memory_space<hbm>>
      %dma_wait3A_776 = tpu.memref_slice %arg21[%add3A_376] : memref<3200000xf32, #tpu.memory_space<hbm>> -> memref<1024xf32, #tpu.memory_space<hbm>>
      %dma_wait3A_777 = arith.constant 0 : i32
      %dma_wait3A_778 = tpu.memref_slice %arg43[%dma_wait3A_777] : memref<1024xf32, #tpu.memory_space<vmem>> -> memref<1024xf32, #tpu.memory_space<vmem>>
      tpu.wait_dma2 semaphore(%arg47 : memref<!tpu.dma_semaphore, #tpu.memory_space<semaphore_mem>>) src(%dma_wait3A_778 : memref<1024xf32, #tpu.memory_space<vmem>>) dst(%dma_wait3A_776 : memref<1024xf32, #tpu.memory_space<hbm>>)
    }
    %scan3A_13 = arith.constant 97 : i32
    %add3A_14 = arith.constant 99328 : i32
    %add3A_15 = arith.addi %add3A_6, %add3A_14 : i32
    %add3A_16 = arith.constant 99328 : i32
    %add3A_17 = arith.addi %mul3A_8, %add3A_16 : i32
    %dma_start3A = arith.constant 0 : i32
    %dma_start3A_18 = tpu.memref_slice %arg25[%dma_start3A] : memref<1024xi32, #tpu.memory_space<vmem>> -> memref<672xi32, #tpu.memory_space<vmem>>
    %dma_start3A_19 = tpu.memref_slice %arg5[%add3A_15] : memref<3200000xi32, #tpu.memory_space<hbm>> -> memref<672xi32, #tpu.memory_space<hbm>>
    %dma_start3A_20 = arith.constant 0 : i32
    %dma_start3A_21 = tpu.memref_slice %arg25[%dma_start3A_20] : memref<1024xi32, #tpu.memory_space<vmem>> -> memref<672xi32, #tpu.memory_space<vmem>>
    %dma_start3A_22 = tpu.memref_slice %arg5[%add3A_15] : memref<3200000xi32, #tpu.memory_space<hbm>> -> memref<672xi32, #tpu.memory_space<hbm>>
    tpu.enqueue_dma source(%dma_start3A_22 : memref<672xi32, #tpu.memory_space<hbm>>) target(%dma_start3A_21 : memref<672xi32, #tpu.memory_space<vmem>>) target_semaphore(%arg45 : memref<!tpu.dma_semaphore, #tpu.memory_space<semaphore_mem>>)
    %dma_start3A_23 = arith.constant 0 : i32
    %dma_start3A_24 = tpu.memref_slice %arg26[%dma_start3A_23] : memref<1024xi32, #tpu.memory_space<vmem>> -> memref<672xi32, #tpu.memory_space<vmem>>
    %dma_start3A_25 = tpu.memref_slice %arg6[%add3A_15] : memref<3200000xi32, #tpu.memory_space<hbm>> -> memref<672xi32, #tpu.memory_space<hbm>>
    %dma_start3A_26 = arith.constant 0 : i32
    %dma_start3A_27 = tpu.memref_slice %arg26[%dma_start3A_26] : memref<1024xi32, #tpu.memory_space<vmem>> -> memref<672xi32, #tpu.memory_space<vmem>>
    %dma_start3A_28 = tpu.memref_slice %arg6[%add3A_15] : memref<3200000xi32, #tpu.memory_space<hbm>> -> memref<672xi32, #tpu.memory_space<hbm>>
    tpu.enqueue_dma source(%dma_start3A_28 : memref<672xi32, #tpu.memory_space<hbm>>) target(%dma_start3A_27 : memref<672xi32, #tpu.memory_space<vmem>>) target_semaphore(%arg45 : memref<!tpu.dma_semaphore, #tpu.memory_space<semaphore_mem>>)
    %dma_start3A_29 = arith.constant 0 : i32
    %dma_start3A_30 = tpu.memref_slice %arg29[%dma_start3A_29] : memref<1024xf32, #tpu.memory_space<vmem>> -> memref<672xf32, #tpu.memory_space<vmem>>
    %dma_start3A_31 = tpu.memref_slice %arg7[%add3A_15] : memref<3200000xf32, #tpu.memory_space<hbm>> -> memref<672xf32, #tpu.memory_space<hbm>>
    %dma_start3A_32 = arith.constant 0 : i32
    %dma_start3A_33 = tpu.memref_slice %arg29[%dma_start3A_32] : memref<1024xf32, #tpu.memory_space<vmem>> -> memref<672xf32, #tpu.memory_space<vmem>>
    %dma_start3A_34 = tpu.memref_slice %arg7[%add3A_15] : memref<3200000xf32, #tpu.memory_space<hbm>> -> memref<672xf32, #tpu.memory_space<hbm>>
    tpu.enqueue_dma source(%dma_start3A_34 : memref<672xf32, #tpu.memory_space<hbm>>) target(%dma_start3A_33 : memref<672xf32, #tpu.memory_space<vmem>>) target_semaphore(%arg46 : memref<!tpu.dma_semaphore, #tpu.memory_space<semaphore_mem>>)
    %dma_start3A_35 = arith.constant 0 : i32
    %dma_start3A_36 = tpu.memref_slice %arg30[%dma_start3A_35] : memref<1024xf32, #tpu.memory_space<vmem>> -> memref<672xf32, #tpu.memory_space<vmem>>
    %dma_start3A_37 = tpu.memref_slice %arg8[%add3A_15] : memref<3200000xf32, #tpu.memory_space<hbm>> -> memref<672xf32, #tpu.memory_space<hbm>>
    %dma_start3A_38 = arith.constant 0 : i32
    %dma_start3A_39 = tpu.memref_slice %arg30[%dma_start3A_38] : memref<1024xf32, #tpu.memory_space<vmem>> -> memref<672xf32, #tpu.memory_space<vmem>>
    %dma_start3A_40 = tpu.memref_slice %arg8[%add3A_15] : memref<3200000xf32, #tpu.memory_space<hbm>> -> memref<672xf32, #tpu.memory_space<hbm>>
    tpu.enqueue_dma source(%dma_start3A_40 : memref<672xf32, #tpu.memory_space<hbm>>) target(%dma_start3A_39 : memref<672xf32, #tpu.memory_space<vmem>>) target_semaphore(%arg46 : memref<!tpu.dma_semaphore, #tpu.memory_space<semaphore_mem>>)
    %dma_start3A_41 = arith.constant 0 : i32
    %dma_start3A_42 = tpu.memref_slice %arg31[%dma_start3A_41] : memref<1024xf32, #tpu.memory_space<vmem>> -> memref<672xf32, #tpu.memory_space<vmem>>
    %dma_start3A_43 = tpu.memref_slice %arg9[%add3A_15] : memref<3200000xf32, #tpu.memory_space<hbm>> -> memref<672xf32, #tpu.memory_space<hbm>>
    %dma_start3A_44 = arith.constant 0 : i32
    %dma_start3A_45 = tpu.memref_slice %arg31[%dma_start3A_44] : memref<1024xf32, #tpu.memory_space<vmem>> -> memref<672xf32, #tpu.memory_space<vmem>>
    %dma_start3A_46 = tpu.memref_slice %arg9[%add3A_15] : memref<3200000xf32, #tpu.memory_space<hbm>> -> memref<672xf32, #tpu.memory_space<hbm>>
    tpu.enqueue_dma source(%dma_start3A_46 : memref<672xf32, #tpu.memory_space<hbm>>) target(%dma_start3A_45 : memref<672xf32, #tpu.memory_space<vmem>>) target_semaphore(%arg46 : memref<!tpu.dma_semaphore, #tpu.memory_space<semaphore_mem>>)
    %dma_wait3A = arith.constant 0 : i32
    %dma_wait3A_47 = tpu.memref_slice %arg25[%dma_wait3A] : memref<1024xi32, #tpu.memory_space<vmem>> -> memref<672xi32, #tpu.memory_space<vmem>>
    %dma_wait3A_48 = tpu.memref_slice %arg5[%add3A_15] : memref<3200000xi32, #tpu.memory_space<hbm>> -> memref<672xi32, #tpu.memory_space<hbm>>
    %dma_wait3A_49 = arith.constant 0 : i32
    %dma_wait3A_50 = tpu.memref_slice %arg25[%dma_wait3A_49] : memref<1024xi32, #tpu.memory_space<vmem>> -> memref<672xi32, #tpu.memory_space<vmem>>
    %dma_wait3A_51 = tpu.memref_slice %arg5[%add3A_15] : memref<3200000xi32, #tpu.memory_space<hbm>> -> memref<672xi32, #tpu.memory_space<hbm>>
    tpu.wait_dma2 semaphore(%arg45 : memref<!tpu.dma_semaphore, #tpu.memory_space<semaphore_mem>>) src(%dma_wait3A_51 : memref<672xi32, #tpu.memory_space<hbm>>) dst(%dma_wait3A_50 : memref<672xi32, #tpu.memory_space<vmem>>)
    %dma_wait3A_52 = arith.constant 0 : i32
    %dma_wait3A_53 = tpu.memref_slice %arg26[%dma_wait3A_52] : memref<1024xi32, #tpu.memory_space<vmem>> -> memref<672xi32, #tpu.memory_space<vmem>>
    %dma_wait3A_54 = tpu.memref_slice %arg6[%add3A_15] : memref<3200000xi32, #tpu.memory_space<hbm>> -> memref<672xi32, #tpu.memory_space<hbm>>
    %dma_wait3A_55 = arith.constant 0 : i32
    %dma_wait3A_56 = tpu.memref_slice %arg26[%dma_wait3A_55] : memref<1024xi32, #tpu.memory_space<vmem>> -> memref<672xi32, #tpu.memory_space<vmem>>
    %dma_wait3A_57 = tpu.memref_slice %arg6[%add3A_15] : memref<3200000xi32, #tpu.memory_space<hbm>> -> memref<672xi32, #tpu.memory_space<hbm>>
    tpu.wait_dma2 semaphore(%arg45 : memref<!tpu.dma_semaphore, #tpu.memory_space<semaphore_mem>>) src(%dma_wait3A_57 : memref<672xi32, #tpu.memory_space<hbm>>) dst(%dma_wait3A_56 : memref<672xi32, #tpu.memory_space<vmem>>)
    %dma_start3A_58 = arith.constant 0 : i32
    %dma_start3A_59 = tpu.memref_slice %arg27[%dma_start3A_58] : memref<1024xf32, #tpu.memory_space<vmem>> -> memref<128xf32, #tpu.memory_space<vmem>>
    %dma_start3A_60 = arith.constant 0 : i32
    %dma_start3A_61 = tpu.memref_slice %arg25[%dma_start3A_60] : memref<1024xi32, #tpu.memory_space<vmem>> -> memref<128xi32, #tpu.memory_space<vmem>>
    %dma_start3A_62 = arith.constant 0 : i32
    %dma_start3A_63 = tpu.memref_slice %arg24[%dma_start3A_62] : memref<50000xf32, #tpu.memory_space<vmem_shared>> -> memref<50000xf32, #tpu.memory_space<vmem_shared>>
    tpu.enqueue_indirect_dma source(%dma_start3A_63 : memref<50000xf32, #tpu.memory_space<vmem_shared>>) target(%dma_start3A_59 : memref<128xf32, #tpu.memory_space<vmem>>) offsets(%dma_start3A_61 : memref<128xi32, #tpu.memory_space<vmem>>) semaphore(%arg44 : memref<!tpu.dma_semaphore, #tpu.memory_space<semaphore_mem>>)
    %dma_start3A_64 = arith.constant 0 : i32
    %dma_start3A_65 = tpu.memref_slice %arg28[%dma_start3A_64] : memref<1024xf32, #tpu.memory_space<vmem>> -> memref<128xf32, #tpu.memory_space<vmem>>
    %dma_start3A_66 = arith.constant 0 : i32
    %dma_start3A_67 = tpu.memref_slice %arg26[%dma_start3A_66] : memref<1024xi32, #tpu.memory_space<vmem>> -> memref<128xi32, #tpu.memory_space<vmem>>
    %dma_start3A_68 = arith.constant 0 : i32
    %dma_start3A_69 = tpu.memref_slice %arg24[%dma_start3A_68] : memref<50000xf32, #tpu.memory_space<vmem_shared>> -> memref<50000xf32, #tpu.memory_space<vmem_shared>>
    tpu.enqueue_indirect_dma source(%dma_start3A_69 : memref<50000xf32, #tpu.memory_space<vmem_shared>>) target(%dma_start3A_65 : memref<128xf32, #tpu.memory_space<vmem>>) offsets(%dma_start3A_67 : memref<128xi32, #tpu.memory_space<vmem>>) semaphore(%arg44 : memref<!tpu.dma_semaphore, #tpu.memory_space<semaphore_mem>>)
    %dma_start3A_70 = arith.constant 128 : i32
    %dma_start3A_71 = tpu.memref_slice %arg27[%dma_start3A_70] : memref<1024xf32, #tpu.memory_space<vmem>> -> memref<128xf32, #tpu.memory_space<vmem>>
    %dma_start3A_72 = arith.constant 128 : i32
    %dma_start3A_73 = tpu.memref_slice %arg25[%dma_start3A_72] : memref<1024xi32, #tpu.memory_space<vmem>> -> memref<128xi32, #tpu.memory_space<vmem>>
    %dma_start3A_74 = arith.constant 0 : i32
    %dma_start3A_75 = tpu.memref_slice %arg24[%dma_start3A_74] : memref<50000xf32, #tpu.memory_space<vmem_shared>> -> memref<50000xf32, #tpu.memory_space<vmem_shared>>
    tpu.enqueue_indirect_dma source(%dma_start3A_75 : memref<50000xf32, #tpu.memory_space<vmem_shared>>) target(%dma_start3A_71 : memref<128xf32, #tpu.memory_space<vmem>>) offsets(%dma_start3A_73 : memref<128xi32, #tpu.memory_space<vmem>>) semaphore(%arg44 : memref<!tpu.dma_semaphore, #tpu.memory_space<semaphore_mem>>)
    %dma_start3A_76 = arith.constant 128 : i32
    %dma_start3A_77 = tpu.memref_slice %arg28[%dma_start3A_76] : memref<1024xf32, #tpu.memory_space<vmem>> -> memref<128xf32, #tpu.memory_space<vmem>>
    %dma_start3A_78 = arith.constant 128 : i32
    %dma_start3A_79 = tpu.memref_slice %arg26[%dma_start3A_78] : memref<1024xi32, #tpu.memory_space<vmem>> -> memref<128xi32, #tpu.memory_space<vmem>>
    %dma_start3A_80 = arith.constant 0 : i32
    %dma_start3A_81 = tpu.memref_slice %arg24[%dma_start3A_80] : memref<50000xf32, #tpu.memory_space<vmem_shared>> -> memref<50000xf32, #tpu.memory_space<vmem_shared>>
    tpu.enqueue_indirect_dma source(%dma_start3A_81 : memref<50000xf32, #tpu.memory_space<vmem_shared>>) target(%dma_start3A_77 : memref<128xf32, #tpu.memory_space<vmem>>) offsets(%dma_start3A_79 : memref<128xi32, #tpu.memory_space<vmem>>) semaphore(%arg44 : memref<!tpu.dma_semaphore, #tpu.memory_space<semaphore_mem>>)
    %dma_start3A_82 = arith.constant 256 : i32
    %dma_start3A_83 = tpu.memref_slice %arg27[%dma_start3A_82] : memref<1024xf32, #tpu.memory_space<vmem>> -> memref<128xf32, #tpu.memory_space<vmem>>
    %dma_start3A_84 = arith.constant 256 : i32
    %dma_start3A_85 = tpu.memref_slice %arg25[%dma_start3A_84] : memref<1024xi32, #tpu.memory_space<vmem>> -> memref<128xi32, #tpu.memory_space<vmem>>
    %dma_start3A_86 = arith.constant 0 : i32
    %dma_start3A_87 = tpu.memref_slice %arg24[%dma_start3A_86] : memref<50000xf32, #tpu.memory_space<vmem_shared>> -> memref<50000xf32, #tpu.memory_space<vmem_shared>>
    tpu.enqueue_indirect_dma source(%dma_start3A_87 : memref<50000xf32, #tpu.memory_space<vmem_shared>>) target(%dma_start3A_83 : memref<128xf32, #tpu.memory_space<vmem>>) offsets(%dma_start3A_85 : memref<128xi32, #tpu.memory_space<vmem>>) semaphore(%arg44 : memref<!tpu.dma_semaphore, #tpu.memory_space<semaphore_mem>>)
    %dma_start3A_88 = arith.constant 256 : i32
    %dma_start3A_89 = tpu.memref_slice %arg28[%dma_start3A_88] : memref<1024xf32, #tpu.memory_space<vmem>> -> memref<128xf32, #tpu.memory_space<vmem>>
    %dma_start3A_90 = arith.constant 256 : i32
    %dma_start3A_91 = tpu.memref_slice %arg26[%dma_start3A_90] : memref<1024xi32, #tpu.memory_space<vmem>> -> memref<128xi32, #tpu.memory_space<vmem>>
    %dma_start3A_92 = arith.constant 0 : i32
    %dma_start3A_93 = tpu.memref_slice %arg24[%dma_start3A_92] : memref<50000xf32, #tpu.memory_space<vmem_shared>> -> memref<50000xf32, #tpu.memory_space<vmem_shared>>
    tpu.enqueue_indirect_dma source(%dma_start3A_93 : memref<50000xf32, #tpu.memory_space<vmem_shared>>) target(%dma_start3A_89 : memref<128xf32, #tpu.memory_space<vmem>>) offsets(%dma_start3A_91 : memref<128xi32, #tpu.memory_space<vmem>>) semaphore(%arg44 : memref<!tpu.dma_semaphore, #tpu.memory_space<semaphore_mem>>)
    %dma_start3A_94 = arith.constant 384 : i32
    %dma_start3A_95 = tpu.memref_slice %arg27[%dma_start3A_94] : memref<1024xf32, #tpu.memory_space<vmem>> -> memref<128xf32, #tpu.memory_space<vmem>>
    %dma_start3A_96 = arith.constant 384 : i32
    %dma_start3A_97 = tpu.memref_slice %arg25[%dma_start3A_96] : memref<1024xi32, #tpu.memory_space<vmem>> -> memref<128xi32, #tpu.memory_space<vmem>>
    %dma_start3A_98 = arith.constant 0 : i32
    %dma_start3A_99 = tpu.memref_slice %arg24[%dma_start3A_98] : memref<50000xf32, #tpu.memory_space<vmem_shared>> -> memref<50000xf32, #tpu.memory_space<vmem_shared>>
    tpu.enqueue_indirect_dma source(%dma_start3A_99 : memref<50000xf32, #tpu.memory_space<vmem_shared>>) target(%dma_start3A_95 : memref<128xf32, #tpu.memory_space<vmem>>) offsets(%dma_start3A_97 : memref<128xi32, #tpu.memory_space<vmem>>) semaphore(%arg44 : memref<!tpu.dma_semaphore, #tpu.memory_space<semaphore_mem>>)
    %dma_start3A_100 = arith.constant 384 : i32
    %dma_start3A_101 = tpu.memref_slice %arg28[%dma_start3A_100] : memref<1024xf32, #tpu.memory_space<vmem>> -> memref<128xf32, #tpu.memory_space<vmem>>
    %dma_start3A_102 = arith.constant 384 : i32
    %dma_start3A_103 = tpu.memref_slice %arg26[%dma_start3A_102] : memref<1024xi32, #tpu.memory_space<vmem>> -> memref<128xi32, #tpu.memory_space<vmem>>
    %dma_start3A_104 = arith.constant 0 : i32
    %dma_start3A_105 = tpu.memref_slice %arg24[%dma_start3A_104] : memref<50000xf32, #tpu.memory_space<vmem_shared>> -> memref<50000xf32, #tpu.memory_space<vmem_shared>>
    tpu.enqueue_indirect_dma source(%dma_start3A_105 : memref<50000xf32, #tpu.memory_space<vmem_shared>>) target(%dma_start3A_101 : memref<128xf32, #tpu.memory_space<vmem>>) offsets(%dma_start3A_103 : memref<128xi32, #tpu.memory_space<vmem>>) semaphore(%arg44 : memref<!tpu.dma_semaphore, #tpu.memory_space<semaphore_mem>>)
    %dma_start3A_106 = arith.constant 512 : i32
    %dma_start3A_107 = tpu.memref_slice %arg27[%dma_start3A_106] : memref<1024xf32, #tpu.memory_space<vmem>> -> memref<128xf32, #tpu.memory_space<vmem>>
    %dma_start3A_108 = arith.constant 512 : i32
    %dma_start3A_109 = tpu.memref_slice %arg25[%dma_start3A_108] : memref<1024xi32, #tpu.memory_space<vmem>> -> memref<128xi32, #tpu.memory_space<vmem>>
    %dma_start3A_110 = arith.constant 0 : i32
    %dma_start3A_111 = tpu.memref_slice %arg24[%dma_start3A_110] : memref<50000xf32, #tpu.memory_space<vmem_shared>> -> memref<50000xf32, #tpu.memory_space<vmem_shared>>
    tpu.enqueue_indirect_dma source(%dma_start3A_111 : memref<50000xf32, #tpu.memory_space<vmem_shared>>) target(%dma_start3A_107 : memref<128xf32, #tpu.memory_space<vmem>>) offsets(%dma_start3A_109 : memref<128xi32, #tpu.memory_space<vmem>>) semaphore(%arg44 : memref<!tpu.dma_semaphore, #tpu.memory_space<semaphore_mem>>)
    %dma_start3A_112 = arith.constant 512 : i32
    %dma_start3A_113 = tpu.memref_slice %arg28[%dma_start3A_112] : memref<1024xf32, #tpu.memory_space<vmem>> -> memref<128xf32, #tpu.memory_space<vmem>>
    %dma_start3A_114 = arith.constant 512 : i32
    %dma_start3A_115 = tpu.memref_slice %arg26[%dma_start3A_114] : memref<1024xi32, #tpu.memory_space<vmem>> -> memref<128xi32, #tpu.memory_space<vmem>>
    %dma_start3A_116 = arith.constant 0 : i32
    %dma_start3A_117 = tpu.memref_slice %arg24[%dma_start3A_116] : memref<50000xf32, #tpu.memory_space<vmem_shared>> -> memref<50000xf32, #tpu.memory_space<vmem_shared>>
    tpu.enqueue_indirect_dma source(%dma_start3A_117 : memref<50000xf32, #tpu.memory_space<vmem_shared>>) target(%dma_start3A_113 : memref<128xf32, #tpu.memory_space<vmem>>) offsets(%dma_start3A_115 : memref<128xi32, #tpu.memory_space<vmem>>) semaphore(%arg44 : memref<!tpu.dma_semaphore, #tpu.memory_space<semaphore_mem>>)
    %dma_start3A_118 = arith.constant 640 : i32
    %dma_start3A_119 = tpu.memref_slice %arg27[%dma_start3A_118] : memref<1024xf32, #tpu.memory_space<vmem>> -> memref<32xf32, #tpu.memory_space<vmem>>
    %dma_start3A_120 = arith.constant 640 : i32
    %dma_start3A_121 = tpu.memref_slice %arg25[%dma_start3A_120] : memref<1024xi32, #tpu.memory_space<vmem>> -> memref<32xi32, #tpu.memory_space<vmem>>
    %dma_start3A_122 = arith.constant 0 : i32
    %dma_start3A_123 = tpu.memref_slice %arg24[%dma_start3A_122] : memref<50000xf32, #tpu.memory_space<vmem_shared>> -> memref<50000xf32, #tpu.memory_space<vmem_shared>>
    tpu.enqueue_indirect_dma source(%dma_start3A_123 : memref<50000xf32, #tpu.memory_space<vmem_shared>>) target(%dma_start3A_119 : memref<32xf32, #tpu.memory_space<vmem>>) offsets(%dma_start3A_121 : memref<32xi32, #tpu.memory_space<vmem>>) semaphore(%arg44 : memref<!tpu.dma_semaphore, #tpu.memory_space<semaphore_mem>>)
    %dma_start3A_124 = arith.constant 640 : i32
    %dma_start3A_125 = tpu.memref_slice %arg28[%dma_start3A_124] : memref<1024xf32, #tpu.memory_space<vmem>> -> memref<32xf32, #tpu.memory_space<vmem>>
    %dma_start3A_126 = arith.constant 640 : i32
    %dma_start3A_127 = tpu.memref_slice %arg26[%dma_start3A_126] : memref<1024xi32, #tpu.memory_space<vmem>> -> memref<32xi32, #tpu.memory_space<vmem>>
    %dma_start3A_128 = arith.constant 0 : i32
    %dma_start3A_129 = tpu.memref_slice %arg24[%dma_start3A_128] : memref<50000xf32, #tpu.memory_space<vmem_shared>> -> memref<50000xf32, #tpu.memory_space<vmem_shared>>
    tpu.enqueue_indirect_dma source(%dma_start3A_129 : memref<50000xf32, #tpu.memory_space<vmem_shared>>) target(%dma_start3A_125 : memref<32xf32, #tpu.memory_space<vmem>>) offsets(%dma_start3A_127 : memref<32xi32, #tpu.memory_space<vmem>>) semaphore(%arg44 : memref<!tpu.dma_semaphore, #tpu.memory_space<semaphore_mem>>)
    %dma_wait3A_130 = arith.constant 0 : i32
    %dma_wait3A_131 = tpu.memref_slice %arg29[%dma_wait3A_130] : memref<1024xf32, #tpu.memory_space<vmem>> -> memref<672xf32, #tpu.memory_space<vmem>>
    %dma_wait3A_132 = tpu.memref_slice %arg7[%add3A_15] : memref<3200000xf32, #tpu.memory_space<hbm>> -> memref<672xf32, #tpu.memory_space<hbm>>
    %dma_wait3A_133 = arith.constant 0 : i32
    %dma_wait3A_134 = tpu.memref_slice %arg29[%dma_wait3A_133] : memref<1024xf32, #tpu.memory_space<vmem>> -> memref<672xf32, #tpu.memory_space<vmem>>
    %dma_wait3A_135 = tpu.memref_slice %arg7[%add3A_15] : memref<3200000xf32, #tpu.memory_space<hbm>> -> memref<672xf32, #tpu.memory_space<hbm>>
    tpu.wait_dma2 semaphore(%arg46 : memref<!tpu.dma_semaphore, #tpu.memory_space<semaphore_mem>>) src(%dma_wait3A_135 : memref<672xf32, #tpu.memory_space<hbm>>) dst(%dma_wait3A_134 : memref<672xf32, #tpu.memory_space<vmem>>)
    %dma_wait3A_136 = arith.constant 0 : i32
    %dma_wait3A_137 = tpu.memref_slice %arg30[%dma_wait3A_136] : memref<1024xf32, #tpu.memory_space<vmem>> -> memref<672xf32, #tpu.memory_space<vmem>>
    %dma_wait3A_138 = tpu.memref_slice %arg8[%add3A_15] : memref<3200000xf32, #tpu.memory_space<hbm>> -> memref<672xf32, #tpu.memory_space<hbm>>
    %dma_wait3A_139 = arith.constant 0 : i32
    %dma_wait3A_140 = tpu.memref_slice %arg30[%dma_wait3A_139] : memref<1024xf32, #tpu.memory_space<vmem>> -> memref<672xf32, #tpu.memory_space<vmem>>
    %dma_wait3A_141 = tpu.memref_slice %arg8[%add3A_15] : memref<3200000xf32, #tpu.memory_space<hbm>> -> memref<672xf32, #tpu.memory_space<hbm>>
    tpu.wait_dma2 semaphore(%arg46 : memref<!tpu.dma_semaphore, #tpu.memory_space<semaphore_mem>>) src(%dma_wait3A_141 : memref<672xf32, #tpu.memory_space<hbm>>) dst(%dma_wait3A_140 : memref<672xf32, #tpu.memory_space<vmem>>)
    %dma_wait3A_142 = arith.constant 0 : i32
    %dma_wait3A_143 = tpu.memref_slice %arg31[%dma_wait3A_142] : memref<1024xf32, #tpu.memory_space<vmem>> -> memref<672xf32, #tpu.memory_space<vmem>>
    %dma_wait3A_144 = tpu.memref_slice %arg9[%add3A_15] : memref<3200000xf32, #tpu.memory_space<hbm>> -> memref<672xf32, #tpu.memory_space<hbm>>
    %dma_wait3A_145 = arith.constant 0 : i32
    %dma_wait3A_146 = tpu.memref_slice %arg31[%dma_wait3A_145] : memref<1024xf32, #tpu.memory_space<vmem>> -> memref<672xf32, #tpu.memory_space<vmem>>
    %dma_wait3A_147 = tpu.memref_slice %arg9[%add3A_15] : memref<3200000xf32, #tpu.memory_space<hbm>> -> memref<672xf32, #tpu.memory_space<hbm>>
    tpu.wait_dma2 semaphore(%arg46 : memref<!tpu.dma_semaphore, #tpu.memory_space<semaphore_mem>>) src(%dma_wait3A_147 : memref<672xf32, #tpu.memory_space<hbm>>) dst(%dma_wait3A_146 : memref<672xf32, #tpu.memory_space<vmem>>)
    %dma_wait3A_148 = arith.constant 0 : i32
    %dma_wait3A_149 = tpu.memref_slice %arg27[%dma_wait3A_148] : memref<1024xf32, #tpu.memory_space<vmem>> -> memref<128xf32, #tpu.memory_space<vmem>>
    %dma_wait3A_150 = arith.constant 0 : i32
    %dma_wait3A_151 = tpu.memref_slice %arg25[%dma_wait3A_150] : memref<1024xi32, #tpu.memory_space<vmem>> -> memref<128xi32, #tpu.memory_space<vmem>>
    %dma_wait3A_152 = arith.constant 0 : i32
    %dma_wait3A_153 = tpu.memref_slice %arg24[%dma_wait3A_152] : memref<50000xf32, #tpu.memory_space<vmem_shared>> -> memref<50000xf32, #tpu.memory_space<vmem_shared>>
    tpu.wait_indirect_dma semaphore(%arg44 : memref<!tpu.dma_semaphore, #tpu.memory_space<semaphore_mem>>) src(%dma_wait3A_153 : memref<50000xf32, #tpu.memory_space<vmem_shared>>) dst(%dma_wait3A_149 : memref<128xf32, #tpu.memory_space<vmem>>)
    %dma_wait3A_154 = arith.constant 0 : i32
    %dma_wait3A_155 = tpu.memref_slice %arg28[%dma_wait3A_154] : memref<1024xf32, #tpu.memory_space<vmem>> -> memref<128xf32, #tpu.memory_space<vmem>>
    %dma_wait3A_156 = arith.constant 0 : i32
    %dma_wait3A_157 = tpu.memref_slice %arg26[%dma_wait3A_156] : memref<1024xi32, #tpu.memory_space<vmem>> -> memref<128xi32, #tpu.memory_space<vmem>>
    %dma_wait3A_158 = arith.constant 0 : i32
    %dma_wait3A_159 = tpu.memref_slice %arg24[%dma_wait3A_158] : memref<50000xf32, #tpu.memory_space<vmem_shared>> -> memref<50000xf32, #tpu.memory_space<vmem_shared>>
    tpu.wait_indirect_dma semaphore(%arg44 : memref<!tpu.dma_semaphore, #tpu.memory_space<semaphore_mem>>) src(%dma_wait3A_159 : memref<50000xf32, #tpu.memory_space<vmem_shared>>) dst(%dma_wait3A_155 : memref<128xf32, #tpu.memory_space<vmem>>)
    %dma_wait3A_160 = arith.constant 128 : i32
    %dma_wait3A_161 = tpu.memref_slice %arg27[%dma_wait3A_160] : memref<1024xf32, #tpu.memory_space<vmem>> -> memref<128xf32, #tpu.memory_space<vmem>>
    %dma_wait3A_162 = arith.constant 128 : i32
    %dma_wait3A_163 = tpu.memref_slice %arg25[%dma_wait3A_162] : memref<1024xi32, #tpu.memory_space<vmem>> -> memref<128xi32, #tpu.memory_space<vmem>>
    %dma_wait3A_164 = arith.constant 0 : i32
    %dma_wait3A_165 = tpu.memref_slice %arg24[%dma_wait3A_164] : memref<50000xf32, #tpu.memory_space<vmem_shared>> -> memref<50000xf32, #tpu.memory_space<vmem_shared>>
    tpu.wait_indirect_dma semaphore(%arg44 : memref<!tpu.dma_semaphore, #tpu.memory_space<semaphore_mem>>) src(%dma_wait3A_165 : memref<50000xf32, #tpu.memory_space<vmem_shared>>) dst(%dma_wait3A_161 : memref<128xf32, #tpu.memory_space<vmem>>)
    %dma_wait3A_166 = arith.constant 128 : i32
    %dma_wait3A_167 = tpu.memref_slice %arg28[%dma_wait3A_166] : memref<1024xf32, #tpu.memory_space<vmem>> -> memref<128xf32, #tpu.memory_space<vmem>>
    %dma_wait3A_168 = arith.constant 128 : i32
    %dma_wait3A_169 = tpu.memref_slice %arg26[%dma_wait3A_168] : memref<1024xi32, #tpu.memory_space<vmem>> -> memref<128xi32, #tpu.memory_space<vmem>>
    %dma_wait3A_170 = arith.constant 0 : i32
    %dma_wait3A_171 = tpu.memref_slice %arg24[%dma_wait3A_170] : memref<50000xf32, #tpu.memory_space<vmem_shared>> -> memref<50000xf32, #tpu.memory_space<vmem_shared>>
    tpu.wait_indirect_dma semaphore(%arg44 : memref<!tpu.dma_semaphore, #tpu.memory_space<semaphore_mem>>) src(%dma_wait3A_171 : memref<50000xf32, #tpu.memory_space<vmem_shared>>) dst(%dma_wait3A_167 : memref<128xf32, #tpu.memory_space<vmem>>)
    %dma_wait3A_172 = arith.constant 256 : i32
    %dma_wait3A_173 = tpu.memref_slice %arg27[%dma_wait3A_172] : memref<1024xf32, #tpu.memory_space<vmem>> -> memref<128xf32, #tpu.memory_space<vmem>>
    %dma_wait3A_174 = arith.constant 256 : i32
    %dma_wait3A_175 = tpu.memref_slice %arg25[%dma_wait3A_174] : memref<1024xi32, #tpu.memory_space<vmem>> -> memref<128xi32, #tpu.memory_space<vmem>>
    %dma_wait3A_176 = arith.constant 0 : i32
    %dma_wait3A_177 = tpu.memref_slice %arg24[%dma_wait3A_176] : memref<50000xf32, #tpu.memory_space<vmem_shared>> -> memref<50000xf32, #tpu.memory_space<vmem_shared>>
    tpu.wait_indirect_dma semaphore(%arg44 : memref<!tpu.dma_semaphore, #tpu.memory_space<semaphore_mem>>) src(%dma_wait3A_177 : memref<50000xf32, #tpu.memory_space<vmem_shared>>) dst(%dma_wait3A_173 : memref<128xf32, #tpu.memory_space<vmem>>)
    %dma_wait3A_178 = arith.constant 256 : i32
    %dma_wait3A_179 = tpu.memref_slice %arg28[%dma_wait3A_178] : memref<1024xf32, #tpu.memory_space<vmem>> -> memref<128xf32, #tpu.memory_space<vmem>>
    %dma_wait3A_180 = arith.constant 256 : i32
    %dma_wait3A_181 = tpu.memref_slice %arg26[%dma_wait3A_180] : memref<1024xi32, #tpu.memory_space<vmem>> -> memref<128xi32, #tpu.memory_space<vmem>>
    %dma_wait3A_182 = arith.constant 0 : i32
    %dma_wait3A_183 = tpu.memref_slice %arg24[%dma_wait3A_182] : memref<50000xf32, #tpu.memory_space<vmem_shared>> -> memref<50000xf32, #tpu.memory_space<vmem_shared>>
    tpu.wait_indirect_dma semaphore(%arg44 : memref<!tpu.dma_semaphore, #tpu.memory_space<semaphore_mem>>) src(%dma_wait3A_183 : memref<50000xf32, #tpu.memory_space<vmem_shared>>) dst(%dma_wait3A_179 : memref<128xf32, #tpu.memory_space<vmem>>)
    %dma_wait3A_184 = arith.constant 384 : i32
    %dma_wait3A_185 = tpu.memref_slice %arg27[%dma_wait3A_184] : memref<1024xf32, #tpu.memory_space<vmem>> -> memref<128xf32, #tpu.memory_space<vmem>>
    %dma_wait3A_186 = arith.constant 384 : i32
    %dma_wait3A_187 = tpu.memref_slice %arg25[%dma_wait3A_186] : memref<1024xi32, #tpu.memory_space<vmem>> -> memref<128xi32, #tpu.memory_space<vmem>>
    %dma_wait3A_188 = arith.constant 0 : i32
    %dma_wait3A_189 = tpu.memref_slice %arg24[%dma_wait3A_188] : memref<50000xf32, #tpu.memory_space<vmem_shared>> -> memref<50000xf32, #tpu.memory_space<vmem_shared>>
    tpu.wait_indirect_dma semaphore(%arg44 : memref<!tpu.dma_semaphore, #tpu.memory_space<semaphore_mem>>) src(%dma_wait3A_189 : memref<50000xf32, #tpu.memory_space<vmem_shared>>) dst(%dma_wait3A_185 : memref<128xf32, #tpu.memory_space<vmem>>)
    %dma_wait3A_190 = arith.constant 384 : i32
    %dma_wait3A_191 = tpu.memref_slice %arg28[%dma_wait3A_190] : memref<1024xf32, #tpu.memory_space<vmem>> -> memref<128xf32, #tpu.memory_space<vmem>>
    %dma_wait3A_192 = arith.constant 384 : i32
    %dma_wait3A_193 = tpu.memref_slice %arg26[%dma_wait3A_192] : memref<1024xi32, #tpu.memory_space<vmem>> -> memref<128xi32, #tpu.memory_space<vmem>>
    %dma_wait3A_194 = arith.constant 0 : i32
    %dma_wait3A_195 = tpu.memref_slice %arg24[%dma_wait3A_194] : memref<50000xf32, #tpu.memory_space<vmem_shared>> -> memref<50000xf32, #tpu.memory_space<vmem_shared>>
    tpu.wait_indirect_dma semaphore(%arg44 : memref<!tpu.dma_semaphore, #tpu.memory_space<semaphore_mem>>) src(%dma_wait3A_195 : memref<50000xf32, #tpu.memory_space<vmem_shared>>) dst(%dma_wait3A_191 : memref<128xf32, #tpu.memory_space<vmem>>)
    %dma_wait3A_196 = arith.constant 512 : i32
    %dma_wait3A_197 = tpu.memref_slice %arg27[%dma_wait3A_196] : memref<1024xf32, #tpu.memory_space<vmem>> -> memref<128xf32, #tpu.memory_space<vmem>>
    %dma_wait3A_198 = arith.constant 512 : i32
    %dma_wait3A_199 = tpu.memref_slice %arg25[%dma_wait3A_198] : memref<1024xi32, #tpu.memory_space<vmem>> -> memref<128xi32, #tpu.memory_space<vmem>>
    %dma_wait3A_200 = arith.constant 0 : i32
    %dma_wait3A_201 = tpu.memref_slice %arg24[%dma_wait3A_200] : memref<50000xf32, #tpu.memory_space<vmem_shared>> -> memref<50000xf32, #tpu.memory_space<vmem_shared>>
    tpu.wait_indirect_dma semaphore(%arg44 : memref<!tpu.dma_semaphore, #tpu.memory_space<semaphore_mem>>) src(%dma_wait3A_201 : memref<50000xf32, #tpu.memory_space<vmem_shared>>) dst(%dma_wait3A_197 : memref<128xf32, #tpu.memory_space<vmem>>)
    %dma_wait3A_202 = arith.constant 512 : i32
    %dma_wait3A_203 = tpu.memref_slice %arg28[%dma_wait3A_202] : memref<1024xf32, #tpu.memory_space<vmem>> -> memref<128xf32, #tpu.memory_space<vmem>>
    %dma_wait3A_204 = arith.constant 512 : i32
    %dma_wait3A_205 = tpu.memref_slice %arg26[%dma_wait3A_204] : memref<1024xi32, #tpu.memory_space<vmem>> -> memref<128xi32, #tpu.memory_space<vmem>>
    %dma_wait3A_206 = arith.constant 0 : i32
    %dma_wait3A_207 = tpu.memref_slice %arg24[%dma_wait3A_206] : memref<50000xf32, #tpu.memory_space<vmem_shared>> -> memref<50000xf32, #tpu.memory_space<vmem_shared>>
    tpu.wait_indirect_dma semaphore(%arg44 : memref<!tpu.dma_semaphore, #tpu.memory_space<semaphore_mem>>) src(%dma_wait3A_207 : memref<50000xf32, #tpu.memory_space<vmem_shared>>) dst(%dma_wait3A_203 : memref<128xf32, #tpu.memory_space<vmem>>)
    %dma_wait3A_208 = arith.constant 640 : i32
    %dma_wait3A_209 = tpu.memref_slice %arg27[%dma_wait3A_208] : memref<1024xf32, #tpu.memory_space<vmem>> -> memref<32xf32, #tpu.memory_space<vmem>>
    %dma_wait3A_210 = arith.constant 640 : i32
    %dma_wait3A_211 = tpu.memref_slice %arg25[%dma_wait3A_210] : memref<1024xi32, #tpu.memory_space<vmem>> -> memref<32xi32, #tpu.memory_space<vmem>>
    %dma_wait3A_212 = arith.constant 0 : i32
    %dma_wait3A_213 = tpu.memref_slice %arg24[%dma_wait3A_212] : memref<50000xf32, #tpu.memory_space<vmem_shared>> -> memref<50000xf32, #tpu.memory_space<vmem_shared>>
    tpu.wait_indirect_dma semaphore(%arg44 : memref<!tpu.dma_semaphore, #tpu.memory_space<semaphore_mem>>) src(%dma_wait3A_213 : memref<50000xf32, #tpu.memory_space<vmem_shared>>) dst(%dma_wait3A_209 : memref<32xf32, #tpu.memory_space<vmem>>)
    %dma_wait3A_214 = arith.constant 640 : i32
    %dma_wait3A_215 = tpu.memref_slice %arg28[%dma_wait3A_214] : memref<1024xf32, #tpu.memory_space<vmem>> -> memref<32xf32, #tpu.memory_space<vmem>>
    %dma_wait3A_216 = arith.constant 640 : i32
    %dma_wait3A_217 = tpu.memref_slice %arg26[%dma_wait3A_216] : memref<1024xi32, #tpu.memory_space<vmem>> -> memref<32xi32, #tpu.memory_space<vmem>>
    %dma_wait3A_218 = arith.constant 0 : i32
    %dma_wait3A_219 = tpu.memref_slice %arg24[%dma_wait3A_218] : memref<50000xf32, #tpu.memory_space<vmem_shared>> -> memref<50000xf32, #tpu.memory_space<vmem_shared>>
    tpu.wait_indirect_dma semaphore(%arg44 : memref<!tpu.dma_semaphore, #tpu.memory_space<semaphore_mem>>) src(%dma_wait3A_219 : memref<50000xf32, #tpu.memory_space<vmem_shared>>) dst(%dma_wait3A_215 : memref<32xf32, #tpu.memory_space<vmem>>)
    %scan3A_220 = arith.constant 0 : i32
    %scan3A_221 = arith.constant 0 : i32
    %scan3A_222 = arith.constant 42 : i32
    %scan3A_223 = arith.addi %scan3A_221, %scan3A_222 : i32
    %scan3A_224 = arith.constant 1 : i32
    scf.for %scan3A_370 = %scan3A_221 to %scan3A_223 step %scan3A_224  : i32 {
      %mul3A_371 = arith.constant 16 : i32
      %mul3A_372 = arith.muli %scan3A_370, %mul3A_371 : i32
      %get3A = arith.index_cast %mul3A_372 : i32 to index
      %get3A_373 = tpu.vector_load %arg25[%get3A] {strides = array<i32>} : memref<1024xi32, #tpu.memory_space<vmem>>, vector<16xi32>,
      %get3A_374 = arith.index_cast %mul3A_372 : i32 to index
      %get3A_375 = tpu.vector_load %arg26[%get3A_374] {strides = array<i32>} : memref<1024xi32, #tpu.memory_space<vmem>>, vector<16xi32>,
      %gather3A = tpu.vector_load_idx %arg22[%get3A_373] : memref<50000xf32, #tpu.memory_space<vmem>>[vector<16xi32>], vector<16xf32>,
      %gather3A_376 = tpu.vector_load_idx %arg23[%get3A_373] : memref<50000xf32, #tpu.memory_space<vmem>>[vector<16xi32>], vector<16xf32>,
      %get3A_377 = arith.index_cast %mul3A_372 : i32 to index
      %get3A_378 = tpu.vector_load %arg27[%get3A_377] {strides = array<i32>} : memref<1024xf32, #tpu.memory_space<vmem>>, vector<16xf32>,
      %gather3A_379 = tpu.vector_load_idx %arg22[%get3A_375] : memref<50000xf32, #tpu.memory_space<vmem>>[vector<16xi32>], vector<16xf32>,
      %gather3A_380 = tpu.vector_load_idx %arg23[%get3A_375] : memref<50000xf32, #tpu.memory_space<vmem>>[vector<16xi32>], vector<16xf32>,
      %get3A_381 = arith.index_cast %mul3A_372 : i32 to index
      %get3A_382 = tpu.vector_load %arg28[%get3A_381] {strides = array<i32>} : memref<1024xf32, #tpu.memory_space<vmem>>, vector<16xf32>,
      %sub3A = arith.subf %gather3A_379, %gather3A : vector<16xf32>
      %get3A_383 = arith.index_cast %mul3A_372 : i32 to index
      %get3A_384 = tpu.vector_load %arg29[%get3A_383] {strides = array<i32>} : memref<1024xf32, #tpu.memory_space<vmem>>, vector<16xf32>,
      %add3A_385 = arith.addf %sub3A, %get3A_384 : vector<16xf32>
      %sub3A_386 = arith.subf %gather3A_380, %gather3A_376 : vector<16xf32>
      %get3A_387 = arith.index_cast %mul3A_372 : i32 to index
      %get3A_388 = tpu.vector_load %arg30[%get3A_387] {strides = array<i32>} : memref<1024xf32, #tpu.memory_space<vmem>>, vector<16xf32>,
      %add3A_389 = arith.addf %sub3A_386, %get3A_388 : vector<16xf32>
      %sub3A_390 = arith.subf %get3A_382, %get3A_378 : vector<16xf32>
      %get3A_391 = arith.index_cast %mul3A_372 : i32 to index
      %get3A_392 = tpu.vector_load %arg31[%get3A_391] {strides = array<i32>} : memref<1024xf32, #tpu.memory_space<vmem>>, vector<16xf32>,
      %add3A_393 = arith.addf %sub3A_390, %get3A_392 : vector<16xf32>
      %mul3A_394 = arith.mulf %add3A_385, %add3A_385 : vector<16xf32>
      %mul3A_395 = arith.mulf %add3A_389, %add3A_389 : vector<16xf32>
      %add3A_396 = arith.addf %mul3A_394, %mul3A_395 : vector<16xf32>
      %mul3A_397 = arith.mulf %add3A_393, %add3A_393 : vector<16xf32>
      %add3A_398 = arith.addf %add3A_396, %mul3A_397 : vector<16xf32>
      %bitcast3A = vector.bitcast %add3A_398 : vector<16xf32> to vector<16xi32>
      %shift_right_arithmetic3A = arith.constant 1 : i32
      %shift_right_arithmetic3A_399 = vector.broadcast %shift_right_arithmetic3A : i32 to vector<16xi32>
      %shift_right_arithmetic3A_400 = arith.shrsi %bitcast3A, %shift_right_arithmetic3A_399 : vector<16xi32>
      %sub3A_401 = arith.constant 1597463007 : i32
      %sub3A_402 = vector.broadcast %sub3A_401 : i32 to vector<16xi32>
      %sub3A_403 = arith.subi %sub3A_402, %shift_right_arithmetic3A_400 : vector<16xi32>
      %bitcast3A_404 = vector.bitcast %sub3A_403 : vector<16xi32> to vector<16xf32>
      %mul3A_405 = arith.constant 5.000000e-01 : f32
      %mul3A_406 = vector.broadcast %mul3A_405 : f32 to vector<16xf32>
      %mul3A_407 = arith.mulf %mul3A_406, %add3A_398 : vector<16xf32>
      %mul3A_408 = arith.mulf %mul3A_407, %bitcast3A_404 : vector<16xf32>
      %mul3A_409 = arith.mulf %mul3A_408, %bitcast3A_404 : vector<16xf32>
      %sub3A_410 = arith.constant 1.500000e+00 : f32
      %sub3A_411 = vector.broadcast %sub3A_410 : f32 to vector<16xf32>
      %sub3A_412 = arith.subf %sub3A_411, %mul3A_409 : vector<16xf32>
      %mul3A_413 = arith.mulf %bitcast3A_404, %sub3A_412 : vector<16xf32>
      %mul3A_414 = arith.constant 5.000000e-01 : f32
      %mul3A_415 = vector.broadcast %mul3A_414 : f32 to vector<16xf32>
      %mul3A_416 = arith.mulf %mul3A_415, %add3A_398 : vector<16xf32>
      %mul3A_417 = arith.mulf %mul3A_416, %mul3A_413 : vector<16xf32>
      %mul3A_418 = arith.mulf %mul3A_417, %mul3A_413 : vector<16xf32>
      %sub3A_419 = arith.constant 1.500000e+00 : f32
      %sub3A_420 = vector.broadcast %sub3A_419 : f32 to vector<16xf32>
      %sub3A_421 = arith.subf %sub3A_420, %mul3A_418 : vector<16xf32>
      %mul3A_422 = arith.mulf %mul3A_413, %sub3A_421 : vector<16xf32>
      %gt3A = arith.constant 0.000000e+00 : f32
      %gt3A_423 = vector.broadcast %gt3A : f32 to vector<16xf32>
      %gt3A_424 = arith.cmpf ogt, %add3A_398, %gt3A_423 : vector<16xf32>
      %jit3A = arith.constant 0.000000e+00 : f32
      %broadcast_in_dim3A = vector.broadcast %jit3A : f32 to vector<16xf32>
      %select_n3A = arith.select %gt3A_424, %mul3A_422, %broadcast_in_dim3A : vector<16xi1>, vector<16xf32>
      %mul3A_425 = arith.mulf %add3A_385, %select_n3A : vector<16xf32>
      %mul3A_426 = arith.mulf %add3A_389, %select_n3A : vector<16xf32>
      %mul3A_427 = arith.mulf %add3A_393, %select_n3A : vector<16xf32>
      %swap3A = arith.index_cast %mul3A_372 : i32 to index
      %swap3A_428 = tpu.vector_load %arg32[%swap3A] {strides = array<i32>} : memref<1024xf32, #tpu.memory_space<vmem>>, vector<16xf32>,
      tpu.vector_store %arg32[%swap3A], %add3A_385 {strides = array<i32>} : memref<1024xf32, #tpu.memory_space<vmem>>, vector<16xf32>,
      %swap3A_429 = arith.index_cast %mul3A_372 : i32 to index
      %swap3A_430 = tpu.vector_load %arg33[%swap3A_429] {strides = array<i32>} : memref<1024xf32, #tpu.memory_space<vmem>>, vector<16xf32>,
      tpu.vector_store %arg33[%swap3A_429], %add3A_389 {strides = array<i32>} : memref<1024xf32, #tpu.memory_space<vmem>>, vector<16xf32>,
      %swap3A_431 = arith.index_cast %mul3A_372 : i32 to index
      %swap3A_432 = tpu.vector_load %arg34[%swap3A_431] {strides = array<i32>} : memref<1024xf32, #tpu.memory_space<vmem>>, vector<16xf32>,
      tpu.vector_store %arg34[%swap3A_431], %add3A_393 {strides = array<i32>} : memref<1024xf32, #tpu.memory_space<vmem>>, vector<16xf32>,
      %mul3A_433 = arith.mulf %add3A_398, %select_n3A : vector<16xf32>
      %swap3A_434 = arith.index_cast %mul3A_372 : i32 to index
      %swap3A_435 = tpu.vector_load %arg35[%swap3A_434] {strides = array<i32>} : memref<1024xf32, #tpu.memory_space<vmem>>, vector<16xf32>,
      tpu.vector_store %arg35[%swap3A_434], %mul3A_433 {strides = array<i32>} : memref<1024xf32, #tpu.memory_space<vmem>>, vector<16xf32>,
      %mul3A_436 = arith.constant 1.73205078 : f32
      %mul3A_437 = vector.broadcast %mul3A_436 : f32 to vector<16xf32>
      %mul3A_438 = arith.mulf %mul3A_437, %mul3A_425 : vector<16xf32>
      %swap3A_439 = arith.index_cast %mul3A_372 : i32 to index
      %swap3A_440 = tpu.vector_load %arg36[%swap3A_439] {strides = array<i32>} : memref<1024xf32, #tpu.memory_space<vmem>>, vector<16xf32>,
      tpu.vector_store %arg36[%swap3A_439], %mul3A_438 {strides = array<i32>} : memref<1024xf32, #tpu.memory_space<vmem>>, vector<16xf32>,
      %mul3A_441 = arith.constant 1.73205078 : f32
      %mul3A_442 = vector.broadcast %mul3A_441 : f32 to vector<16xf32>
      %mul3A_443 = arith.mulf %mul3A_442, %mul3A_426 : vector<16xf32>
      %swap3A_444 = arith.index_cast %mul3A_372 : i32 to index
      %swap3A_445 = tpu.vector_load %arg37[%swap3A_444] {strides = array<i32>} : memref<1024xf32, #tpu.memory_space<vmem>>, vector<16xf32>,
      tpu.vector_store %arg37[%swap3A_444], %mul3A_443 {strides = array<i32>} : memref<1024xf32, #tpu.memory_space<vmem>>, vector<16xf32>,
      %mul3A_446 = arith.constant 1.73205078 : f32
      %mul3A_447 = vector.broadcast %mul3A_446 : f32 to vector<16xf32>
      %mul3A_448 = arith.mulf %mul3A_447, %mul3A_427 : vector<16xf32>
      %swap3A_449 = arith.index_cast %mul3A_372 : i32 to index
      %swap3A_450 = tpu.vector_load %arg38[%swap3A_449] {strides = array<i32>} : memref<1024xf32, #tpu.memory_space<vmem>>, vector<16xf32>,
      tpu.vector_store %arg38[%swap3A_449], %mul3A_448 {strides = array<i32>} : memref<1024xf32, #tpu.memory_space<vmem>>, vector<16xf32>,
      %mul3A_451 = arith.constant 2.23606801 : f32
      %mul3A_452 = arith.constant 1.73205078 : f32
      %mul3A_453 = arith.mulf %mul3A_451, %mul3A_452 : f32
      %mul3A_454 = vector.broadcast %mul3A_453 : f32 to vector<16xf32>
      %mul3A_455 = arith.mulf %mul3A_454, %mul3A_425 : vector<16xf32>
      %mul3A_456 = arith.mulf %mul3A_455, %mul3A_427 : vector<16xf32>
      %swap3A_457 = arith.index_cast %mul3A_372 : i32 to index
      %swap3A_458 = tpu.vector_load %arg39[%swap3A_457] {strides = array<i32>} : memref<1024xf32, #tpu.memory_space<vmem>>, vector<16xf32>,
      tpu.vector_store %arg39[%swap3A_457], %mul3A_456 {strides = array<i32>} : memref<1024xf32, #tpu.memory_space<vmem>>, vector<16xf32>,
      %mul3A_459 = arith.constant 2.23606801 : f32
      %mul3A_460 = arith.constant 1.73205078 : f32
      %mul3A_461 = arith.mulf %mul3A_459, %mul3A_460 : f32
      %mul3A_462 = vector.broadcast %mul3A_461 : f32 to vector<16xf32>
      %mul3A_463 = arith.mulf %mul3A_462, %mul3A_425 : vector<16xf32>
      %mul3A_464 = arith.mulf %mul3A_463, %mul3A_426 : vector<16xf32>
      %swap3A_465 = arith.index_cast %mul3A_372 : i32 to index
      %swap3A_466 = tpu.vector_load %arg40[%swap3A_465] {strides = array<i32>} : memref<1024xf32, #tpu.memory_space<vmem>>, vector<16xf32>,
      tpu.vector_store %arg40[%swap3A_465], %mul3A_464 {strides = array<i32>} : memref<1024xf32, #tpu.memory_space<vmem>>, vector<16xf32>,
      %mul3A_467 = arith.mulf %mul3A_426, %mul3A_426 : vector<16xf32>
      %mul3A_468 = arith.mulf %mul3A_425, %mul3A_425 : vector<16xf32>
      %mul3A_469 = arith.mulf %mul3A_427, %mul3A_427 : vector<16xf32>
      %add3A_470 = arith.addf %mul3A_468, %mul3A_469 : vector<16xf32>
      %mul3A_471 = arith.constant 5.000000e-01 : f32
      %mul3A_472 = vector.broadcast %mul3A_471 : f32 to vector<16xf32>
      %mul3A_473 = arith.mulf %mul3A_472, %add3A_470 : vector<16xf32>
      %sub3A_474 = arith.subf %mul3A_467, %mul3A_473 : vector<16xf32>
      %mul3A_475 = arith.constant 2.23606801 : f32
      %mul3A_476 = vector.broadcast %mul3A_475 : f32 to vector<16xf32>
      %mul3A_477 = arith.mulf %mul3A_476, %sub3A_474 : vector<16xf32>
      %swap3A_478 = arith.index_cast %mul3A_372 : i32 to index
      %swap3A_479 = tpu.vector_load %arg41[%swap3A_478] {strides = array<i32>} : memref<1024xf32, #tpu.memory_space<vmem>>, vector<16xf32>,
      tpu.vector_store %arg41[%swap3A_478], %mul3A_477 {strides = array<i32>} : memref<1024xf32, #tpu.memory_space<vmem>>, vector<16xf32>,
      %mul3A_480 = arith.constant 2.23606801 : f32
      %mul3A_481 = arith.constant 1.73205078 : f32
      %mul3A_482 = arith.mulf %mul3A_480, %mul3A_481 : f32
      %mul3A_483 = vector.broadcast %mul3A_482 : f32 to vector<16xf32>
      %mul3A_484 = arith.mulf %mul3A_483, %mul3A_426 : vector<16xf32>
      %mul3A_485 = arith.mulf %mul3A_484, %mul3A_427 : vector<16xf32>
      %swap3A_486 = arith.index_cast %mul3A_372 : i32 to index
      %swap3A_487 = tpu.vector_load %arg42[%swap3A_486] {strides = array<i32>} : memref<1024xf32, #tpu.memory_space<vmem>>, vector<16xf32>,
      tpu.vector_store %arg42[%swap3A_486], %mul3A_485 {strides = array<i32>} : memref<1024xf32, #tpu.memory_space<vmem>>, vector<16xf32>,
      %mul3A_488 = arith.constant 2.23606801 : f32
      %mul3A_489 = arith.constant 0.866025388 : f32
      %mul3A_490 = arith.mulf %mul3A_488, %mul3A_489 : f32
      %mul3A_491 = arith.mulf %mul3A_427, %mul3A_427 : vector<16xf32>
      %mul3A_492 = arith.mulf %mul3A_425, %mul3A_425 : vector<16xf32>
      %sub3A_493 = arith.subf %mul3A_491, %mul3A_492 : vector<16xf32>
      %mul3A_494 = vector.broadcast %mul3A_490 : f32 to vector<16xf32>
      %mul3A_495 = arith.mulf %mul3A_494, %sub3A_493 : vector<16xf32>
      %swap3A_496 = arith.index_cast %mul3A_372 : i32 to index
      %swap3A_497 = tpu.vector_load %arg43[%swap3A_496] {strides = array<i32>} : memref<1024xf32, #tpu.memory_space<vmem>>, vector<16xf32>,
      tpu.vector_store %arg43[%swap3A_496], %mul3A_495 {strides = array<i32>} : memref<1024xf32, #tpu.memory_space<vmem>>, vector<16xf32>,
    }
    %scan3A_225 = arith.constant 42 : i32
    %dma_start3A_226 = arith.constant 0 : i32
    %dma_start3A_227 = tpu.memref_slice %arg32[%dma_start3A_226] : memref<1024xf32, #tpu.memory_space<vmem>> -> memref<672xf32, #tpu.memory_space<vmem>>
    %dma_start3A_228 = tpu.memref_slice %arg10[%add3A_17] : memref<3200000xf32, #tpu.memory_space<hbm>> -> memref<672xf32, #tpu.memory_space<hbm>>
    %dma_start3A_229 = tpu.memref_slice %arg10[%add3A_17] : memref<3200000xf32, #tpu.memory_space<hbm>> -> memref<672xf32, #tpu.memory_space<hbm>>
    %dma_start3A_230 = arith.constant 0 : i32
    %dma_start3A_231 = tpu.memref_slice %arg32[%dma_start3A_230] : memref<1024xf32, #tpu.memory_space<vmem>> -> memref<672xf32, #tpu.memory_space<vmem>>
    tpu.enqueue_dma source(%dma_start3A_231 : memref<672xf32, #tpu.memory_space<vmem>>) target(%dma_start3A_229 : memref<672xf32, #tpu.memory_space<hbm>>) target_semaphore(%arg47 : memref<!tpu.dma_semaphore, #tpu.memory_space<semaphore_mem>>)
    %dma_start3A_232 = arith.constant 0 : i32
    %dma_start3A_233 = tpu.memref_slice %arg33[%dma_start3A_232] : memref<1024xf32, #tpu.memory_space<vmem>> -> memref<672xf32, #tpu.memory_space<vmem>>
    %dma_start3A_234 = tpu.memref_slice %arg11[%add3A_17] : memref<3200000xf32, #tpu.memory_space<hbm>> -> memref<672xf32, #tpu.memory_space<hbm>>
    %dma_start3A_235 = tpu.memref_slice %arg11[%add3A_17] : memref<3200000xf32, #tpu.memory_space<hbm>> -> memref<672xf32, #tpu.memory_space<hbm>>
    %dma_start3A_236 = arith.constant 0 : i32
    %dma_start3A_237 = tpu.memref_slice %arg33[%dma_start3A_236] : memref<1024xf32, #tpu.memory_space<vmem>> -> memref<672xf32, #tpu.memory_space<vmem>>
    tpu.enqueue_dma source(%dma_start3A_237 : memref<672xf32, #tpu.memory_space<vmem>>) target(%dma_start3A_235 : memref<672xf32, #tpu.memory_space<hbm>>) target_semaphore(%arg47 : memref<!tpu.dma_semaphore, #tpu.memory_space<semaphore_mem>>)
    %dma_start3A_238 = arith.constant 0 : i32
    %dma_start3A_239 = tpu.memref_slice %arg34[%dma_start3A_238] : memref<1024xf32, #tpu.memory_space<vmem>> -> memref<672xf32, #tpu.memory_space<vmem>>
    %dma_start3A_240 = tpu.memref_slice %arg12[%add3A_17] : memref<3200000xf32, #tpu.memory_space<hbm>> -> memref<672xf32, #tpu.memory_space<hbm>>
    %dma_start3A_241 = tpu.memref_slice %arg12[%add3A_17] : memref<3200000xf32, #tpu.memory_space<hbm>> -> memref<672xf32, #tpu.memory_space<hbm>>
    %dma_start3A_242 = arith.constant 0 : i32
    %dma_start3A_243 = tpu.memref_slice %arg34[%dma_start3A_242] : memref<1024xf32, #tpu.memory_space<vmem>> -> memref<672xf32, #tpu.memory_space<vmem>>
    tpu.enqueue_dma source(%dma_start3A_243 : memref<672xf32, #tpu.memory_space<vmem>>) target(%dma_start3A_241 : memref<672xf32, #tpu.memory_space<hbm>>) target_semaphore(%arg47 : memref<!tpu.dma_semaphore, #tpu.memory_space<semaphore_mem>>)
    %dma_start3A_244 = arith.constant 0 : i32
    %dma_start3A_245 = tpu.memref_slice %arg35[%dma_start3A_244] : memref<1024xf32, #tpu.memory_space<vmem>> -> memref<672xf32, #tpu.memory_space<vmem>>
    %dma_start3A_246 = tpu.memref_slice %arg13[%add3A_17] : memref<3200000xf32, #tpu.memory_space<hbm>> -> memref<672xf32, #tpu.memory_space<hbm>>
    %dma_start3A_247 = tpu.memref_slice %arg13[%add3A_17] : memref<3200000xf32, #tpu.memory_space<hbm>> -> memref<672xf32, #tpu.memory_space<hbm>>
    %dma_start3A_248 = arith.constant 0 : i32
    %dma_start3A_249 = tpu.memref_slice %arg35[%dma_start3A_248] : memref<1024xf32, #tpu.memory_space<vmem>> -> memref<672xf32, #tpu.memory_space<vmem>>
    tpu.enqueue_dma source(%dma_start3A_249 : memref<672xf32, #tpu.memory_space<vmem>>) target(%dma_start3A_247 : memref<672xf32, #tpu.memory_space<hbm>>) target_semaphore(%arg47 : memref<!tpu.dma_semaphore, #tpu.memory_space<semaphore_mem>>)
    %dma_start3A_250 = arith.constant 0 : i32
    %dma_start3A_251 = tpu.memref_slice %arg36[%dma_start3A_250] : memref<1024xf32, #tpu.memory_space<vmem>> -> memref<672xf32, #tpu.memory_space<vmem>>
    %dma_start3A_252 = tpu.memref_slice %arg14[%add3A_17] : memref<3200000xf32, #tpu.memory_space<hbm>> -> memref<672xf32, #tpu.memory_space<hbm>>
    %dma_start3A_253 = tpu.memref_slice %arg14[%add3A_17] : memref<3200000xf32, #tpu.memory_space<hbm>> -> memref<672xf32, #tpu.memory_space<hbm>>
    %dma_start3A_254 = arith.constant 0 : i32
    %dma_start3A_255 = tpu.memref_slice %arg36[%dma_start3A_254] : memref<1024xf32, #tpu.memory_space<vmem>> -> memref<672xf32, #tpu.memory_space<vmem>>
    tpu.enqueue_dma source(%dma_start3A_255 : memref<672xf32, #tpu.memory_space<vmem>>) target(%dma_start3A_253 : memref<672xf32, #tpu.memory_space<hbm>>) target_semaphore(%arg47 : memref<!tpu.dma_semaphore, #tpu.memory_space<semaphore_mem>>)
    %dma_start3A_256 = arith.constant 0 : i32
    %dma_start3A_257 = tpu.memref_slice %arg37[%dma_start3A_256] : memref<1024xf32, #tpu.memory_space<vmem>> -> memref<672xf32, #tpu.memory_space<vmem>>
    %dma_start3A_258 = tpu.memref_slice %arg15[%add3A_17] : memref<3200000xf32, #tpu.memory_space<hbm>> -> memref<672xf32, #tpu.memory_space<hbm>>
    %dma_start3A_259 = tpu.memref_slice %arg15[%add3A_17] : memref<3200000xf32, #tpu.memory_space<hbm>> -> memref<672xf32, #tpu.memory_space<hbm>>
    %dma_start3A_260 = arith.constant 0 : i32
    %dma_start3A_261 = tpu.memref_slice %arg37[%dma_start3A_260] : memref<1024xf32, #tpu.memory_space<vmem>> -> memref<672xf32, #tpu.memory_space<vmem>>
    tpu.enqueue_dma source(%dma_start3A_261 : memref<672xf32, #tpu.memory_space<vmem>>) target(%dma_start3A_259 : memref<672xf32, #tpu.memory_space<hbm>>) target_semaphore(%arg47 : memref<!tpu.dma_semaphore, #tpu.memory_space<semaphore_mem>>)
    %dma_start3A_262 = arith.constant 0 : i32
    %dma_start3A_263 = tpu.memref_slice %arg38[%dma_start3A_262] : memref<1024xf32, #tpu.memory_space<vmem>> -> memref<672xf32, #tpu.memory_space<vmem>>
    %dma_start3A_264 = tpu.memref_slice %arg16[%add3A_17] : memref<3200000xf32, #tpu.memory_space<hbm>> -> memref<672xf32, #tpu.memory_space<hbm>>
    %dma_start3A_265 = tpu.memref_slice %arg16[%add3A_17] : memref<3200000xf32, #tpu.memory_space<hbm>> -> memref<672xf32, #tpu.memory_space<hbm>>
    %dma_start3A_266 = arith.constant 0 : i32
    %dma_start3A_267 = tpu.memref_slice %arg38[%dma_start3A_266] : memref<1024xf32, #tpu.memory_space<vmem>> -> memref<672xf32, #tpu.memory_space<vmem>>
    tpu.enqueue_dma source(%dma_start3A_267 : memref<672xf32, #tpu.memory_space<vmem>>) target(%dma_start3A_265 : memref<672xf32, #tpu.memory_space<hbm>>) target_semaphore(%arg47 : memref<!tpu.dma_semaphore, #tpu.memory_space<semaphore_mem>>)
    %dma_start3A_268 = arith.constant 0 : i32
    %dma_start3A_269 = tpu.memref_slice %arg39[%dma_start3A_268] : memref<1024xf32, #tpu.memory_space<vmem>> -> memref<672xf32, #tpu.memory_space<vmem>>
    %dma_start3A_270 = tpu.memref_slice %arg17[%add3A_17] : memref<3200000xf32, #tpu.memory_space<hbm>> -> memref<672xf32, #tpu.memory_space<hbm>>
    %dma_start3A_271 = tpu.memref_slice %arg17[%add3A_17] : memref<3200000xf32, #tpu.memory_space<hbm>> -> memref<672xf32, #tpu.memory_space<hbm>>
    %dma_start3A_272 = arith.constant 0 : i32
    %dma_start3A_273 = tpu.memref_slice %arg39[%dma_start3A_272] : memref<1024xf32, #tpu.memory_space<vmem>> -> memref<672xf32, #tpu.memory_space<vmem>>
    tpu.enqueue_dma source(%dma_start3A_273 : memref<672xf32, #tpu.memory_space<vmem>>) target(%dma_start3A_271 : memref<672xf32, #tpu.memory_space<hbm>>) target_semaphore(%arg47 : memref<!tpu.dma_semaphore, #tpu.memory_space<semaphore_mem>>)
    %dma_start3A_274 = arith.constant 0 : i32
    %dma_start3A_275 = tpu.memref_slice %arg40[%dma_start3A_274] : memref<1024xf32, #tpu.memory_space<vmem>> -> memref<672xf32, #tpu.memory_space<vmem>>
    %dma_start3A_276 = tpu.memref_slice %arg18[%add3A_17] : memref<3200000xf32, #tpu.memory_space<hbm>> -> memref<672xf32, #tpu.memory_space<hbm>>
    %dma_start3A_277 = tpu.memref_slice %arg18[%add3A_17] : memref<3200000xf32, #tpu.memory_space<hbm>> -> memref<672xf32, #tpu.memory_space<hbm>>
    %dma_start3A_278 = arith.constant 0 : i32
    %dma_start3A_279 = tpu.memref_slice %arg40[%dma_start3A_278] : memref<1024xf32, #tpu.memory_space<vmem>> -> memref<672xf32, #tpu.memory_space<vmem>>
    tpu.enqueue_dma source(%dma_start3A_279 : memref<672xf32, #tpu.memory_space<vmem>>) target(%dma_start3A_277 : memref<672xf32, #tpu.memory_space<hbm>>) target_semaphore(%arg47 : memref<!tpu.dma_semaphore, #tpu.memory_space<semaphore_mem>>)
    %dma_start3A_280 = arith.constant 0 : i32
    %dma_start3A_281 = tpu.memref_slice %arg41[%dma_start3A_280] : memref<1024xf32, #tpu.memory_space<vmem>> -> memref<672xf32, #tpu.memory_space<vmem>>
    %dma_start3A_282 = tpu.memref_slice %arg19[%add3A_17] : memref<3200000xf32, #tpu.memory_space<hbm>> -> memref<672xf32, #tpu.memory_space<hbm>>
    %dma_start3A_283 = tpu.memref_slice %arg19[%add3A_17] : memref<3200000xf32, #tpu.memory_space<hbm>> -> memref<672xf32, #tpu.memory_space<hbm>>
    %dma_start3A_284 = arith.constant 0 : i32
    %dma_start3A_285 = tpu.memref_slice %arg41[%dma_start3A_284] : memref<1024xf32, #tpu.memory_space<vmem>> -> memref<672xf32, #tpu.memory_space<vmem>>
    tpu.enqueue_dma source(%dma_start3A_285 : memref<672xf32, #tpu.memory_space<vmem>>) target(%dma_start3A_283 : memref<672xf32, #tpu.memory_space<hbm>>) target_semaphore(%arg47 : memref<!tpu.dma_semaphore, #tpu.memory_space<semaphore_mem>>)
    %dma_start3A_286 = arith.constant 0 : i32
    %dma_start3A_287 = tpu.memref_slice %arg42[%dma_start3A_286] : memref<1024xf32, #tpu.memory_space<vmem>> -> memref<672xf32, #tpu.memory_space<vmem>>
    %dma_start3A_288 = tpu.memref_slice %arg20[%add3A_17] : memref<3200000xf32, #tpu.memory_space<hbm>> -> memref<672xf32, #tpu.memory_space<hbm>>
    %dma_start3A_289 = tpu.memref_slice %arg20[%add3A_17] : memref<3200000xf32, #tpu.memory_space<hbm>> -> memref<672xf32, #tpu.memory_space<hbm>>
    %dma_start3A_290 = arith.constant 0 : i32
    %dma_start3A_291 = tpu.memref_slice %arg42[%dma_start3A_290] : memref<1024xf32, #tpu.memory_space<vmem>> -> memref<672xf32, #tpu.memory_space<vmem>>
    tpu.enqueue_dma source(%dma_start3A_291 : memref<672xf32, #tpu.memory_space<vmem>>) target(%dma_start3A_289 : memref<672xf32, #tpu.memory_space<hbm>>) target_semaphore(%arg47 : memref<!tpu.dma_semaphore, #tpu.memory_space<semaphore_mem>>)
    %dma_start3A_292 = arith.constant 0 : i32
    %dma_start3A_293 = tpu.memref_slice %arg43[%dma_start3A_292] : memref<1024xf32, #tpu.memory_space<vmem>> -> memref<672xf32, #tpu.memory_space<vmem>>
    %dma_start3A_294 = tpu.memref_slice %arg21[%add3A_17] : memref<3200000xf32, #tpu.memory_space<hbm>> -> memref<672xf32, #tpu.memory_space<hbm>>
    %dma_start3A_295 = tpu.memref_slice %arg21[%add3A_17] : memref<3200000xf32, #tpu.memory_space<hbm>> -> memref<672xf32, #tpu.memory_space<hbm>>
    %dma_start3A_296 = arith.constant 0 : i32
    %dma_start3A_297 = tpu.memref_slice %arg43[%dma_start3A_296] : memref<1024xf32, #tpu.memory_space<vmem>> -> memref<672xf32, #tpu.memory_space<vmem>>
    tpu.enqueue_dma source(%dma_start3A_297 : memref<672xf32, #tpu.memory_space<vmem>>) target(%dma_start3A_295 : memref<672xf32, #tpu.memory_space<hbm>>) target_semaphore(%arg47 : memref<!tpu.dma_semaphore, #tpu.memory_space<semaphore_mem>>)
    %dma_wait3A_298 = arith.constant 0 : i32
    %dma_wait3A_299 = tpu.memref_slice %arg32[%dma_wait3A_298] : memref<1024xf32, #tpu.memory_space<vmem>> -> memref<672xf32, #tpu.memory_space<vmem>>
    %dma_wait3A_300 = tpu.memref_slice %arg10[%add3A_17] : memref<3200000xf32, #tpu.memory_space<hbm>> -> memref<672xf32, #tpu.memory_space<hbm>>
    %dma_wait3A_301 = tpu.memref_slice %arg10[%add3A_17] : memref<3200000xf32, #tpu.memory_space<hbm>> -> memref<672xf32, #tpu.memory_space<hbm>>
    %dma_wait3A_302 = arith.constant 0 : i32
    %dma_wait3A_303 = tpu.memref_slice %arg32[%dma_wait3A_302] : memref<1024xf32, #tpu.memory_space<vmem>> -> memref<672xf32, #tpu.memory_space<vmem>>
    tpu.wait_dma2 semaphore(%arg47 : memref<!tpu.dma_semaphore, #tpu.memory_space<semaphore_mem>>) src(%dma_wait3A_303 : memref<672xf32, #tpu.memory_space<vmem>>) dst(%dma_wait3A_301 : memref<672xf32, #tpu.memory_space<hbm>>)
    %dma_wait3A_304 = arith.constant 0 : i32
    %dma_wait3A_305 = tpu.memref_slice %arg33[%dma_wait3A_304] : memref<1024xf32, #tpu.memory_space<vmem>> -> memref<672xf32, #tpu.memory_space<vmem>>
    %dma_wait3A_306 = tpu.memref_slice %arg11[%add3A_17] : memref<3200000xf32, #tpu.memory_space<hbm>> -> memref<672xf32, #tpu.memory_space<hbm>>
    %dma_wait3A_307 = tpu.memref_slice %arg11[%add3A_17] : memref<3200000xf32, #tpu.memory_space<hbm>> -> memref<672xf32, #tpu.memory_space<hbm>>
    %dma_wait3A_308 = arith.constant 0 : i32
    %dma_wait3A_309 = tpu.memref_slice %arg33[%dma_wait3A_308] : memref<1024xf32, #tpu.memory_space<vmem>> -> memref<672xf32, #tpu.memory_space<vmem>>
    tpu.wait_dma2 semaphore(%arg47 : memref<!tpu.dma_semaphore, #tpu.memory_space<semaphore_mem>>) src(%dma_wait3A_309 : memref<672xf32, #tpu.memory_space<vmem>>) dst(%dma_wait3A_307 : memref<672xf32, #tpu.memory_space<hbm>>)
    %dma_wait3A_310 = arith.constant 0 : i32
    %dma_wait3A_311 = tpu.memref_slice %arg34[%dma_wait3A_310] : memref<1024xf32, #tpu.memory_space<vmem>> -> memref<672xf32, #tpu.memory_space<vmem>>
    %dma_wait3A_312 = tpu.memref_slice %arg12[%add3A_17] : memref<3200000xf32, #tpu.memory_space<hbm>> -> memref<672xf32, #tpu.memory_space<hbm>>
    %dma_wait3A_313 = tpu.memref_slice %arg12[%add3A_17] : memref<3200000xf32, #tpu.memory_space<hbm>> -> memref<672xf32, #tpu.memory_space<hbm>>
    %dma_wait3A_314 = arith.constant 0 : i32
    %dma_wait3A_315 = tpu.memref_slice %arg34[%dma_wait3A_314] : memref<1024xf32, #tpu.memory_space<vmem>> -> memref<672xf32, #tpu.memory_space<vmem>>
    tpu.wait_dma2 semaphore(%arg47 : memref<!tpu.dma_semaphore, #tpu.memory_space<semaphore_mem>>) src(%dma_wait3A_315 : memref<672xf32, #tpu.memory_space<vmem>>) dst(%dma_wait3A_313 : memref<672xf32, #tpu.memory_space<hbm>>)
    %dma_wait3A_316 = arith.constant 0 : i32
    %dma_wait3A_317 = tpu.memref_slice %arg35[%dma_wait3A_316] : memref<1024xf32, #tpu.memory_space<vmem>> -> memref<672xf32, #tpu.memory_space<vmem>>
    %dma_wait3A_318 = tpu.memref_slice %arg13[%add3A_17] : memref<3200000xf32, #tpu.memory_space<hbm>> -> memref<672xf32, #tpu.memory_space<hbm>>
    %dma_wait3A_319 = tpu.memref_slice %arg13[%add3A_17] : memref<3200000xf32, #tpu.memory_space<hbm>> -> memref<672xf32, #tpu.memory_space<hbm>>
    %dma_wait3A_320 = arith.constant 0 : i32
    %dma_wait3A_321 = tpu.memref_slice %arg35[%dma_wait3A_320] : memref<1024xf32, #tpu.memory_space<vmem>> -> memref<672xf32, #tpu.memory_space<vmem>>
    tpu.wait_dma2 semaphore(%arg47 : memref<!tpu.dma_semaphore, #tpu.memory_space<semaphore_mem>>) src(%dma_wait3A_321 : memref<672xf32, #tpu.memory_space<vmem>>) dst(%dma_wait3A_319 : memref<672xf32, #tpu.memory_space<hbm>>)
    %dma_wait3A_322 = arith.constant 0 : i32
    %dma_wait3A_323 = tpu.memref_slice %arg36[%dma_wait3A_322] : memref<1024xf32, #tpu.memory_space<vmem>> -> memref<672xf32, #tpu.memory_space<vmem>>
    %dma_wait3A_324 = tpu.memref_slice %arg14[%add3A_17] : memref<3200000xf32, #tpu.memory_space<hbm>> -> memref<672xf32, #tpu.memory_space<hbm>>
    %dma_wait3A_325 = tpu.memref_slice %arg14[%add3A_17] : memref<3200000xf32, #tpu.memory_space<hbm>> -> memref<672xf32, #tpu.memory_space<hbm>>
    %dma_wait3A_326 = arith.constant 0 : i32
    %dma_wait3A_327 = tpu.memref_slice %arg36[%dma_wait3A_326] : memref<1024xf32, #tpu.memory_space<vmem>> -> memref<672xf32, #tpu.memory_space<vmem>>
    tpu.wait_dma2 semaphore(%arg47 : memref<!tpu.dma_semaphore, #tpu.memory_space<semaphore_mem>>) src(%dma_wait3A_327 : memref<672xf32, #tpu.memory_space<vmem>>) dst(%dma_wait3A_325 : memref<672xf32, #tpu.memory_space<hbm>>)
    %dma_wait3A_328 = arith.constant 0 : i32
    %dma_wait3A_329 = tpu.memref_slice %arg37[%dma_wait3A_328] : memref<1024xf32, #tpu.memory_space<vmem>> -> memref<672xf32, #tpu.memory_space<vmem>>
    %dma_wait3A_330 = tpu.memref_slice %arg15[%add3A_17] : memref<3200000xf32, #tpu.memory_space<hbm>> -> memref<672xf32, #tpu.memory_space<hbm>>
    %dma_wait3A_331 = tpu.memref_slice %arg15[%add3A_17] : memref<3200000xf32, #tpu.memory_space<hbm>> -> memref<672xf32, #tpu.memory_space<hbm>>
    %dma_wait3A_332 = arith.constant 0 : i32
    %dma_wait3A_333 = tpu.memref_slice %arg37[%dma_wait3A_332] : memref<1024xf32, #tpu.memory_space<vmem>> -> memref<672xf32, #tpu.memory_space<vmem>>
    tpu.wait_dma2 semaphore(%arg47 : memref<!tpu.dma_semaphore, #tpu.memory_space<semaphore_mem>>) src(%dma_wait3A_333 : memref<672xf32, #tpu.memory_space<vmem>>) dst(%dma_wait3A_331 : memref<672xf32, #tpu.memory_space<hbm>>)
    %dma_wait3A_334 = arith.constant 0 : i32
    %dma_wait3A_335 = tpu.memref_slice %arg38[%dma_wait3A_334] : memref<1024xf32, #tpu.memory_space<vmem>> -> memref<672xf32, #tpu.memory_space<vmem>>
    %dma_wait3A_336 = tpu.memref_slice %arg16[%add3A_17] : memref<3200000xf32, #tpu.memory_space<hbm>> -> memref<672xf32, #tpu.memory_space<hbm>>
    %dma_wait3A_337 = tpu.memref_slice %arg16[%add3A_17] : memref<3200000xf32, #tpu.memory_space<hbm>> -> memref<672xf32, #tpu.memory_space<hbm>>
    %dma_wait3A_338 = arith.constant 0 : i32
    %dma_wait3A_339 = tpu.memref_slice %arg38[%dma_wait3A_338] : memref<1024xf32, #tpu.memory_space<vmem>> -> memref<672xf32, #tpu.memory_space<vmem>>
    tpu.wait_dma2 semaphore(%arg47 : memref<!tpu.dma_semaphore, #tpu.memory_space<semaphore_mem>>) src(%dma_wait3A_339 : memref<672xf32, #tpu.memory_space<vmem>>) dst(%dma_wait3A_337 : memref<672xf32, #tpu.memory_space<hbm>>)
    %dma_wait3A_340 = arith.constant 0 : i32
    %dma_wait3A_341 = tpu.memref_slice %arg39[%dma_wait3A_340] : memref<1024xf32, #tpu.memory_space<vmem>> -> memref<672xf32, #tpu.memory_space<vmem>>
    %dma_wait3A_342 = tpu.memref_slice %arg17[%add3A_17] : memref<3200000xf32, #tpu.memory_space<hbm>> -> memref<672xf32, #tpu.memory_space<hbm>>
    %dma_wait3A_343 = tpu.memref_slice %arg17[%add3A_17] : memref<3200000xf32, #tpu.memory_space<hbm>> -> memref<672xf32, #tpu.memory_space<hbm>>
    %dma_wait3A_344 = arith.constant 0 : i32
    %dma_wait3A_345 = tpu.memref_slice %arg39[%dma_wait3A_344] : memref<1024xf32, #tpu.memory_space<vmem>> -> memref<672xf32, #tpu.memory_space<vmem>>
    tpu.wait_dma2 semaphore(%arg47 : memref<!tpu.dma_semaphore, #tpu.memory_space<semaphore_mem>>) src(%dma_wait3A_345 : memref<672xf32, #tpu.memory_space<vmem>>) dst(%dma_wait3A_343 : memref<672xf32, #tpu.memory_space<hbm>>)
    %dma_wait3A_346 = arith.constant 0 : i32
    %dma_wait3A_347 = tpu.memref_slice %arg40[%dma_wait3A_346] : memref<1024xf32, #tpu.memory_space<vmem>> -> memref<672xf32, #tpu.memory_space<vmem>>
    %dma_wait3A_348 = tpu.memref_slice %arg18[%add3A_17] : memref<3200000xf32, #tpu.memory_space<hbm>> -> memref<672xf32, #tpu.memory_space<hbm>>
    %dma_wait3A_349 = tpu.memref_slice %arg18[%add3A_17] : memref<3200000xf32, #tpu.memory_space<hbm>> -> memref<672xf32, #tpu.memory_space<hbm>>
    %dma_wait3A_350 = arith.constant 0 : i32
    %dma_wait3A_351 = tpu.memref_slice %arg40[%dma_wait3A_350] : memref<1024xf32, #tpu.memory_space<vmem>> -> memref<672xf32, #tpu.memory_space<vmem>>
    tpu.wait_dma2 semaphore(%arg47 : memref<!tpu.dma_semaphore, #tpu.memory_space<semaphore_mem>>) src(%dma_wait3A_351 : memref<672xf32, #tpu.memory_space<vmem>>) dst(%dma_wait3A_349 : memref<672xf32, #tpu.memory_space<hbm>>)
    %dma_wait3A_352 = arith.constant 0 : i32
    %dma_wait3A_353 = tpu.memref_slice %arg41[%dma_wait3A_352] : memref<1024xf32, #tpu.memory_space<vmem>> -> memref<672xf32, #tpu.memory_space<vmem>>
    %dma_wait3A_354 = tpu.memref_slice %arg19[%add3A_17] : memref<3200000xf32, #tpu.memory_space<hbm>> -> memref<672xf32, #tpu.memory_space<hbm>>
    %dma_wait3A_355 = tpu.memref_slice %arg19[%add3A_17] : memref<3200000xf32, #tpu.memory_space<hbm>> -> memref<672xf32, #tpu.memory_space<hbm>>
    %dma_wait3A_356 = arith.constant 0 : i32
    %dma_wait3A_357 = tpu.memref_slice %arg41[%dma_wait3A_356] : memref<1024xf32, #tpu.memory_space<vmem>> -> memref<672xf32, #tpu.memory_space<vmem>>
    tpu.wait_dma2 semaphore(%arg47 : memref<!tpu.dma_semaphore, #tpu.memory_space<semaphore_mem>>) src(%dma_wait3A_357 : memref<672xf32, #tpu.memory_space<vmem>>) dst(%dma_wait3A_355 : memref<672xf32, #tpu.memory_space<hbm>>)
    %dma_wait3A_358 = arith.constant 0 : i32
    %dma_wait3A_359 = tpu.memref_slice %arg42[%dma_wait3A_358] : memref<1024xf32, #tpu.memory_space<vmem>> -> memref<672xf32, #tpu.memory_space<vmem>>
    %dma_wait3A_360 = tpu.memref_slice %arg20[%add3A_17] : memref<3200000xf32, #tpu.memory_space<hbm>> -> memref<672xf32, #tpu.memory_space<hbm>>
    %dma_wait3A_361 = tpu.memref_slice %arg20[%add3A_17] : memref<3200000xf32, #tpu.memory_space<hbm>> -> memref<672xf32, #tpu.memory_space<hbm>>
    %dma_wait3A_362 = arith.constant 0 : i32
    %dma_wait3A_363 = tpu.memref_slice %arg42[%dma_wait3A_362] : memref<1024xf32, #tpu.memory_space<vmem>> -> memref<672xf32, #tpu.memory_space<vmem>>
    tpu.wait_dma2 semaphore(%arg47 : memref<!tpu.dma_semaphore, #tpu.memory_space<semaphore_mem>>) src(%dma_wait3A_363 : memref<672xf32, #tpu.memory_space<vmem>>) dst(%dma_wait3A_361 : memref<672xf32, #tpu.memory_space<hbm>>)
    %dma_wait3A_364 = arith.constant 0 : i32
    %dma_wait3A_365 = tpu.memref_slice %arg43[%dma_wait3A_364] : memref<1024xf32, #tpu.memory_space<vmem>> -> memref<672xf32, #tpu.memory_space<vmem>>
    %dma_wait3A_366 = tpu.memref_slice %arg21[%add3A_17] : memref<3200000xf32, #tpu.memory_space<hbm>> -> memref<672xf32, #tpu.memory_space<hbm>>
    %dma_wait3A_367 = tpu.memref_slice %arg21[%add3A_17] : memref<3200000xf32, #tpu.memory_space<hbm>> -> memref<672xf32, #tpu.memory_space<hbm>>
    %dma_wait3A_368 = arith.constant 0 : i32
    %dma_wait3A_369 = tpu.memref_slice %arg43[%dma_wait3A_368] : memref<1024xf32, #tpu.memory_space<vmem>> -> memref<672xf32, #tpu.memory_space<vmem>>
    tpu.wait_dma2 semaphore(%arg47 : memref<!tpu.dma_semaphore, #tpu.memory_space<semaphore_mem>>) src(%dma_wait3A_369 : memref<672xf32, #tpu.memory_space<vmem>>) dst(%dma_wait3A_367 : memref<672xf32, #tpu.memory_space<hbm>>)
    return
  }
}

</mosaic_0001>

<sc_bundles>
// kernel: _run.3.cloned.1.call-start
scs
__scs_entry_jumppad:
0x0: {  	(pc) =	sbr.rel $0x88, $3  }
0x1: {  	(tag) =	ssettag $0x0;
	lr =	simm.s32 $0x1  }
0x2: {  	[smem:$0x3F99] =	sst lr;
	_ =	strace $0xD0000000  }
0x3: {  	_ = 	snop  }
0x4: {  	_ = 	snop  }
0x5: {  	_ = 	snop  }
0x6: {  	_ = 	snop  }
0x7: {  	_ = 	snop  }
__scs_overlays_trampoline_lowered:
0x8: {  	[smem:$0x3FA8] =	sst s0  }
0x9: {  	[smem:$0x3FA9] =	sst s1  }
0xa: {  	[smem:$0x3FAA] =	sst s2  }
0xb: {  	[smem:$0x3FAB] =	sst s3  }
0xc: {  	[smem:$0x3FAC] =	sst s4  }
0xd: {  	[smem:$0x3FAD] =	sst s5  }
0xe: {  	[smem:$0x3FAE] =	sst s6  }
0xf: {  	[smem:$0x3FAF] =	sst s7  }
0x10: {  	[smem:$0x3FB0] =	sst s8  }
0x11: {  	[smem:$0x3FB1] =	sst s9;
	s0 =	simm.s32 @!p0 $0x0  }
0x12: {  	s1 =	sld [smem:$0x3F97];
	s0 =	simm.s32 @p0 $0x1  }
0x13: {  	[smem:$0x3FB2] =	sst s0;
	s0 =	simm.s32 @!p1 $0x0  }
0x14: {  	s2 =	sld [smem:$0x3F96];
	s0 =	simm.s32 @p1 $0x1  }
0x15: {  	[smem:$0x3FB3] =	sst s0;
	s0 =	simm.s32 @!p2 $0x0  }
0x16: {  	s3 =	sld [smem:$0x3FDB];
	s0 =	simm.s32 @p2 $0x1  }
0x17: {  	s4 =	simm.s32 $0x1BF5;
	[smem:$0x3FB5] =	sst s0  }
0x18: {  	s0 =	sld [smem:$0x3F98];
	_ =	swait.ge [sflag:s4], $0x0  }
0x19: {  	s7 =	sld [smem:$0x3F99]  }
0x1a: {  	s8 =	sadd.s32 $0xFFFFE003, lr  }
0x1b: {  	s9 =	sadd.s32 $0xFFFFFEF7, lr;
	s5 =	simm.s32 $0xFFFFFFFF;
	p2 =	slt.u32 s8, $0xFFFFF086  }
0x1c: {  	p1 =	slt.u32 s9, $0xF7A;
	s5 =	simm.s32 @!p2 $0x0  }
0x1d: {  	s5 =	simm.s32 @p1 $0x1;
	p0 =	seq.s32 s7, s2  }
0x1e: {  	s7 =	smul.u32 @!p0 $0xF7A, s2;
	p2 =	seq.s32 @!p0 s5, $0x0  }
0x1f: {  	s9 =	smul.u32 $0xF7A, s1;
	s8 =	simm.s32 @!p0 $0x1BF5;
	p2 =	por !p2, p0  }
0x20: {  	[sflag:s8] =	ssyncset.s32 @!p0 $0xFFFFF086;
	s6 =	sadd.s32 @!p0 s3, s7;
	s7 =	simm.s32 @!p0 $0x108  }
0x21: {  	s3 =	sadd.s32 s3, s9;
	s6 =	sadd.s32 @!p0 $0x88, s6;
	s7 =	simm.s32 @p2 $0x1082  }
0x22: {  	[simem:s7], [sflag:s8] =	dma.local @!p0 [hbm:s6], $0xF7A  }
0x23: {  	s9 =	sor.u32 $0xD0000000, s2;
	s6 =	simm.s32 $0x108;
	_ =	swait.ge @!p0 [sflag:s8], $0x0  }
0x24: {  	s3 =	sadd.s32 $0x88, s3;
	s6 =	simm.s32 @!p1 $0x1082;
	[sflag:s4] =	ssyncset.s32 $0xFFFFF086  }
0x25: {  	[simem:s6], [sflag:s4] =	dma.local [hbm:s3], $0xF7A  }
0x26: {  	[smem:$0x3F99] =	sst s1;
	(tag) =	ssettag s2;
	_ =	strace s9  }
0x27: {  	s1 =	sld [smem:$0x3FA9]  }
0x28: {  	s2 =	sld [smem:$0x3FAA]  }
0x29: {  	s4 =	sld [smem:$0x3FAC]  }
0x2a: {  	p0 =	seq.s32 s5, $0x0;
	s5 =	sld [smem:$0x3FAD]  }
0x2b: {  	s6 =	sld [smem:$0x3FAE]  }
0x2c: {  	s7 =	sld [smem:$0x3FAF]  }
0x2d: {  	s3 =	simm.s32 $0x108;
	s8 =	sld [smem:$0x3FB0]  }
0x2e: {  	s3 =	simm.s32 @!p0 $0x1082;
	s9 =	sld [smem:$0x3FB1]  }
0x2f: {  	lr =	sadd.s32 s0, s3;
	s0 =	sld [smem:$0x3FA8]  }
0x30: {  	s3 =	sld [smem:$0x3FAB]  }
0x31: {  	[smem:$0x3FB4] =	sst s10  }
0x32: {  	s10 =	sld [smem:$0x3FB2];
	_ =	sdelay $0x3  }
0x33: {  	p0 =	seq.s32 s10, $0x1;
	s10 =	sld [smem:$0x3FB4];
	_ =	sdelay $0x3  }
0x34: {  	[smem:$0x3FB4] =	sst s10  }
0x35: {  	s10 =	sld [smem:$0x3FB3];
	_ =	sdelay $0x3  }
0x36: {  	p1 =	seq.s32 s10, $0x1;
	s10 =	sld [smem:$0x3FB4];
	_ =	sdelay $0x3  }
0x37: {  	[smem:$0x3FB4] =	sst s10  }
0x38: {  	s10 =	sld [smem:$0x3FB5]  }
0x39: {  	_ = 	snop;
	(pc) =	sbr.ind lr, $3  }
0x3a: {  	_ = 	snop  }
0x3b: {  	_ = 	snop  }
0x3c: {  	p2 =	seq.s32 s10, $0x1;
	s10 =	sld [smem:$0x3FB4]  }
0x3d: {  	_ =	shalt  }
0x3e: {  	_ =	shalt  }
0x3f: {  	_ =	shalt  }
0x40: {  	_ =	shalt  }
0x41: {  	_ =	shalt  }
0x42: {  	_ =	shalt  }
0x43: {  	_ =	shalt  }
0x44: {  	_ =	shalt  }
0x45: {  	_ =	shalt  }
0x46: {  	_ =	shalt  }
0x47: {  	_ =	shalt  }
0x48: {  	_ =	shalt  }
0x49: {  	_ =	shalt  }
0x4a: {  	_ =	shalt  }
0x4b: {  	_ =	shalt  }
0x4c: {  	_ =	shalt  }
0x4d: {  	_ =	shalt  }
0x4e: {  	_ =	shalt  }
0x4f: {  	_ =	shalt  }
0x50: {  	_ =	shalt  }
0x51: {  	_ =	shalt  }
0x52: {  	_ =	shalt  }
0x53: {  	_ =	shalt  }
0x54: {  	_ =	shalt  }
0x55: {  	_ =	shalt  }
0x56: {  	_ =	shalt  }
0x57: {  	_ =	shalt  }
0x58: {  	_ =	shalt  }
0x59: {  	_ =	shalt  }
0x5a: {  	_ =	shalt  }
0x5b: {  	_ =	shalt  }
0x5c: {  	_ =	shalt  }
0x5d: {  	_ =	shalt  }
0x5e: {  	_ =	shalt  }
0x5f: {  	_ =	shalt  }
0x60: {  	_ =	shalt  }
0x61: {  	_ =	shalt  }
0x62: {  	_ =	shalt  }
0x63: {  	_ =	shalt  }
0x64: {  	_ =	shalt  }
0x65: {  	_ =	shalt  }
0x66: {  	_ =	shalt  }
0x67: {  	_ =	shalt  }
0x68: {  	_ =	shalt  }
0x69: {  	_ =	shalt  }
0x6a: {  	_ =	shalt  }
0x6b: {  	_ =	shalt  }
0x6c: {  	_ =	shalt  }
0x6d: {  	_ =	shalt  }
0x6e: {  	_ =	shalt  }
0x6f: {  	_ =	shalt  }
0x70: {  	_ =	shalt  }
0x71: {  	_ =	shalt  }
0x72: {  	_ =	shalt  }
0x73: {  	_ =	shalt  }
0x74: {  	_ =	shalt  }
0x75: {  	_ =	shalt  }
0x76: {  	_ =	shalt  }
0x77: {  	_ =	shalt  }
0x78: {  	_ =	shalt  }
0x79: {  	_ =	shalt  }
0x7a: {  	_ =	shalt  }
0x7b: {  	_ =	shalt  }
0x7c: {  	_ =	shalt  }
0x7d: {  	_ =	shalt  }
0x7e: {  	_ =	shalt  }
0x7f: {  	_ =	shalt  }
0x80: {  	_ =	shalt  }
0x81: {  	_ =	shalt  }
0x82: {  	_ =	shalt  }
0x83: {  	_ =	shalt  }
0x84: {  	_ =	shalt  }
0x85: {  	_ =	shalt  }
0x86: {  	_ =	shalt  }
0x87: {  	_ =	shalt  }
.Lfunc_end0:
.L_simem_size_0:
called_computation_lowered:
.L_overlay_start_0:
0x88: {  	s2 =	sld [smem:$0x3FD9]  }
0x89: {  	s3 =	sld [smem:$0x3FFE];
	_ =	sdelay $0x1  }
0x8a: {  	s1 =	srdreg.scid  }
0x8b: {  	s0 =	sand.u32 $0x1, s1  }
0x8c: {  	s28 =	sshll.u32 s0, $0xA;
	s2 =	sadd.s32 s3, s2  }
0x8d: {  	s2 =	sadd.s32 s2, s28  }
0x8e: {  	[smem:$0x3FC0] =	sst s2  }
0x8f: {  	_ = 	snop  }
0x90: {  	s2 =	sld [smem:$0x3FC9]  }
0x91: {  	s3 =	sld [smem:$0x3FC8]  }
0x92: {  	s4 =	sld [smem:$0x3FC7]  }
0x93: {  	s5 =	sld [smem:$0x3FC6]  }
0x94: {  	s6 =	sld [smem:$0x3FC5]  }
0x95: {  	s16 =	sld [smem:$0x3FD0]  }
0x96: {  	s7 =	sld [smem:$0x3FC4]  }
0x97: {  	s8 =	sld [smem:$0x3FC3]  }
0x98: {  	s21 =	simm.s32 $0xA;
	s19 =	simm.s32 $0x10;
	s9 =	sld [smem:$0x3FC2]  }
0x99: {  	[smem:s19], [sflag:s21] =	dma.local [hbm:s16], $0x1  }
0x9a: {  	_ =	swait.eq [sflag:s21], $0x1  }
0x9b: {  	s10 =	sld [smem:$0x10]  }
0x9c: {  	s11 =	sld [smem:$0x11]  }
0x9d: {  	s12 =	sld [smem:$0x12]  }
0x9e: {  	s13 =	sld [smem:$0x13]  }
0x9f: {  	s14 =	sld [smem:$0x14]  }
0xa0: {  	s15 =	sld [smem:$0x15];
	[sflag:s21] =	ssyncset.done $0x0  }
0xa1: {  	s17 =	sld [smem:$0x16];
	[sflag:s21] =	ssyncadd.s32 $0xFFFFFFFF  }
0xa2: {  	s16 =	sadd.s32 $0x1, s16;
	s18 =	sld [smem:$0x17]  }
0xa3: {  	[smem:s19], [sflag:s21] =	dma.local [hbm:s16], $0x1  }
0xa4: {  	_ =	swait.eq [sflag:s21], $0x1  }
0xa5: {  	s19 =	sld [smem:$0x10]  }
0xa6: {  	s20 =	sld [smem:$0x11];
	[sflag:s21] =	ssyncset.done $0x0  }
0xa7: {  	s22 =	sld [smem:$0x12];
	[sflag:s21] =	ssyncadd.s32 $0xFFFFFFFF  }
0xa8: {  	s21 =	sld [smem:$0x13];
	(tm) =	ssettm $0x1  }
0xa9: {  	s29 =	sld [smem:$0x3FFB];
	_ =	sdelay $0x3  }
0xaa: {  	_ =	strace s29  }
0xab: {  	s16 =	sld [smem:$0x3FFC];
	_ =	sdelay $0x3  }
0xac: {  	_ =	strace s16  }
0xad: {  	s16 =	sld [smem:$0x3FFD];
	_ =	sdelay $0x3  }
0xae: {  	_ =	strace s16  }
0xaf: {  	_ =	strace $0x8FFFFFFF  }
0xb0: {  	s30 =	sld [smem:$0x3FDB];
	_ =	sdelay $0x1  }
0xb1: {  	s23 =	simm.s32 $_scs_section_size  }
0xb2: {  	s24 =	simm.s32 $_size__tile_task_arg_handler_lowered;
	s25 =	simm.s32 $_tile_task_arg_handler_lowered  }
0xb3: {  	s26 =	simm.s32 $0x60;
	s28 =	sshll.u32 s25, $0x1;
	s23 =	sadd.s32 s23, s30  }
0xb4: {  	s31 =	sshll.u32 s24, $0x1;
	s25 =	simm.s32 $0x1BFF;
	s24 =	sadd.s32 s28, s23  }
0xb5: {  	[timem:s26], [sflag:s25] =	dma.local [hbm:s24], s31  }
0xb6: {  	_ =	swait.ge [sflag:s25], s31  }
0xb7: {  	s29 =	simm.s32 $_tile_overlayer_lowered;
	s16 =	ssub.s32 $0x0, s31;
	[sflag:s25] =	ssyncset.done $0x0  }
0xb8: {  	s30 =	simm.s32 $_size__tile_overlayer_lowered;
	s24 =	sshll.u32 s29, $0x1;
	[sflag:s25] =	ssyncadd.s32 s16  }
0xb9: {  	s31 =	sshll.u32 s30, $0x1;
	s24 =	sadd.s32 s24, s23;
	s16 =	simm.s32 $0x0  }
0xba: {  	[timem:s16], [sflag:s25] =	dma.local [hbm:s24], s31  }
0xbb: {  	_ =	swait.ge [sflag:s25], s31  }
0xbc: {  	s28 =	ssub.s32 $0x0, s31;
	[sflag:s25] =	ssyncset.done $0x0  }
0xbd: {  	[sflag:s25] =	ssyncadd.s32 s28;
	_ =	sdelay $0x1  }
0xbe: {  	s29 =	simm.s32 $0x1B8B  }
0xbf: {  	_ =	swait.ge [sflag:s29], $0x1  }
0xc0: {  	[sflag:s29] =	ssyncset.done $0x0  }
0xc1: {  	s30 =	simm.s32 $0x1B8E;
	[sflag:s29] =	ssyncadd.s32 $0xFFFFFFFF  }
0xc2: {  	s31 =	simm.s32 $execute0_lowered;
	[smem:$0x3FD2] =	sst s30  }
0xc3: {  	s24 =	sshll.u32 s31, $0x1;
	_ =	strace $0x80000046;
	[dreg:$0x1] =	wrdreg $0xFFFFFFFF  }
0xc4: {  	s23 =	sadd.s32 s23, s24;
	s25 =	simm.s32 $_size_execute0_lowered;
	[dreg:$0x0] =	wrdreg $0x0  }
0xc5: {  	s26 =	sshll.u32 s25, $0x1;
	[dreg:$0x2] =	wrdreg s23  }
0xc6: {  	[dreg:$0x3] =	wrdreg s26  }
0xc7: {  	[dreg:$0x4] =	wrdreg $0xC0  }
0xc8: {  	_ =	task [dreg:s16], $0x5FFFF  }
0xc9: {  	[dreg:$0x1] =	wrdreg $0xFFFFFFFF  }
0xca: {  	[dreg:$0x0] =	wrdreg $0x30  }
0xcb: {  	[dreg:$0x2] =	wrdreg $0x0  }
0xcc: {  	[dreg:$0x3] =	wrdreg s17  }
0xcd: {  	[dreg:$0x4] =	wrdreg s18  }
0xce: {  	[dreg:$0x5] =	wrdreg s19  }
0xcf: {  	[dreg:$0x6] =	wrdreg s20  }
0xd0: {  	[dreg:$0x7] =	wrdreg s22  }
0xd1: {  	[dreg:$0x8] =	wrdreg s21  }
0xd2: {  	[dreg:$0x9] =	wrdreg $0x187000  }
0xd3: {  	[dreg:$0xa] =	wrdreg $0x9  }
0xd4: {  	_ =	task [dreg:s16], $0xBFFFF  }
0xd5: {  	[dreg:$0x1] =	wrdreg $0xFFFFFFFF  }
0xd6: {  	[dreg:$0x0] =	wrdreg $0x60  }
0xd7: {  	[dreg:$0x2] =	wrdreg s2  }
0xd8: {  	[dreg:$0x3] =	wrdreg s3  }
0xd9: {  	[dreg:$0x4] =	wrdreg s4  }
0xda: {  	[dreg:$0x5] =	wrdreg s5  }
0xdb: {  	[dreg:$0x6] =	wrdreg s6  }
0xdc: {  	[dreg:$0x7] =	wrdreg s7  }
0xdd: {  	[dreg:$0x8] =	wrdreg s8  }
0xde: {  	[dreg:$0x9] =	wrdreg s9  }
0xdf: {  	[dreg:$0xa] =	wrdreg s10  }
0xe0: {  	[dreg:$0xb] =	wrdreg s11  }
0xe1: {  	[dreg:$0xc] =	wrdreg s12  }
0xe2: {  	[dreg:$0xd] =	wrdreg s13  }
0xe3: {  	[dreg:$0xe] =	wrdreg s14  }
0xe4: {  	[dreg:$0xf] =	wrdreg s15  }
0xe5: {  	_ =	task.clear_ibuf [dreg:s16], $0x10FFFF;
	_ =	strace $0x90000046  }
0xe6: {  	s28 =	simm.s32 $0x9;
	_ =	strace $0x80000048  }
0xe7: {  	_ =	swait.ge [sflag:s28], $0x1  }
0xe8: {  	[sflag:s28] =	ssyncadd.s32 $0xFFFFFFFF  }
0xe9: {  	_ =	strace $0x90000048  }
0xea: {  	_ =	sfence  }
0xeb: {  	s29 =	sld [smem:$0x0];
	_ =	sdelay $0x2  }
0xec: {  	s30 =	sshll.u32 s1, $0xD;
	s1 =	sshrl.u32 s1, $0x2  }
0xed: {  	s31 =	sand.u32 $0x4000, s30;
	s1 =	sadd.s32 s1, s29  }
0xee: {  	s0 =	sor.u32 s31, s0;
	s1 =	sshll.u32 s1, $0x11  }
0xef: {  	s0 =	sor.u32 s1, s0  }
0xf0: {  	s0 =	sadd.s32 $0x8F2B, s0  }
0xf1: {  	[sflag:s0] =	ssyncadd.remote.s32 $0x1  }
0xf2: {  	_ =	sfence.sel $0xFFFF  }
0xf3: {  	[dreg:$0x0] =	wrdreg $0xFFFFFFFF;
	(pc) =	sbr.abs _section_cstart, $3  }
0xf4: {  	[dreg:$0x1] =	wrdreg $0xFFFFFFFF  }
0xf5: {  	_ =	task.clear_ibuf [dreg:s16], $0x2FFFF;
	_ =	strace $0x9FFFFFFF  }
0xf6: {  	(tm) =	ssettm $0x7FFFFFFF  }
0xf7: {  	_ =	shalt  }
tec
_tile_task_arg_handler_lowered:
.L_overlay_start_1:
0x0: {  	(tag) =	ssettag $0x1  }
0x1: {  	s0 =	rddreg [dreg:$0x0]  }
0x2: {  	s1 =	rddreg [dreg:$0x1]  }
0x3: {  	s2 =	rddreg [dreg:$0x2]  }
0x4: {  	s3 =	rddreg [dreg:$0x3]  }
0x5: {  	s4 =	rddreg [dreg:$0x4]  }
0x6: {  	s5 =	rddreg [dreg:$0x5]  }
0x7: {  	s6 =	rddreg [dreg:$0x6]  }
0x8: {  	s7 =	rddreg [dreg:$0x7]  }
0x9: {  	s8 =	rddreg [dreg:$0x8]  }
0xa: {  	s9 =	rddreg [dreg:$0x9]  }
0xb: {  	s10 =	rddreg [dreg:$0xa]  }
0xc: {  	s11 =	rddreg [dreg:$0xb]  }
0xd: {  	s12 =	rddreg [dreg:$0xc]  }
0xe: {  	s13 =	rddreg [dreg:$0xd]  }
0xf: {  	[smem:s0] =	sst s1  }
0x10: {  	[smem:s0+$0x1] =	sst s2  }
0x11: {  	[smem:s0+$0x2] =	sst s3  }
0x12: {  	[smem:s0+$0x3] =	sst s4  }
0x13: {  	[smem:s0+$0x4] =	sst s5  }
0x14: {  	[smem:s0+$0x5] =	sst s6  }
0x15: {  	[smem:s0+$0x6] =	sst s7  }
0x16: {  	[smem:s0+$0x7] =	sst s8  }
0x17: {  	[smem:s0+$0x8] =	sst s9  }
0x18: {  	[smem:s0+$0x9] =	sst s10  }
0x19: {  	[smem:s0+$0xA] =	sst s11  }
0x1a: {  	[smem:s0+$0xB] =	sst s12  }
0x1b: {  	[smem:s0+$0xC] =	sst s13;
	_ =	shalt  }
.Lfunc_end2:
execute0_lowered:
.L_overlay_start_2:
0x1c: {  	(tag) =	ssettag $0x2  }
0x1d: {  	s3 =	rddreg [dreg:$0x3]  }
0x1e: {  	s4 =	rddreg [dreg:$0x4]  }
0x1f: {  	s5 =	rddreg [dreg:$0x5]  }
0x20: {  	s6 =	rddreg [dreg:$0x6]  }
0x21: {  	s7 =	rddreg [dreg:$0x7]  }
0x22: {  	s8 =	rddreg [dreg:$0x8]  }
0x23: {  	s9 =	rddreg [dreg:$0x9]  }
0x24: {  	s10 =	rddreg [dreg:$0xa]  }
0x25: {  	s11 =	rddreg [dreg:$0xb]  }
0x26: {  	s12 =	rddreg [dreg:$0xc]  }
0x27: {  	s13 =	rddreg [dreg:$0xd];
	s14 =	simm.s32 $0x0  }
0x28: {  	[smem:$0x7FF] =	sst s14  }
0x29: {  	s15 =	sld [smem:$0x0]  }
0x2a: {  	s0 =	srdreg.scid;
	s16 =	sld [smem:$0x1]  }
0x2b: {  	s1 =	stileid.u32;
	s17 =	sld [smem:$0x2]  }
0x2c: {  	s0 =	sand.u32 $0x1, s0;
	s2 =	sshll.u32 s1, $0x1;
	s18 =	sld [smem:$0x3]  }
0x2d: {  	s2 =	sor.u32 s0, s2;
	s19 =	sld [smem:$0x4]  }
0x2e: {  	s0 =	ssub.s32 $0x2, s0;
	s26 =	sld [smem:$0x7];
	s20 =	smul.u32 $0x186A0, s2  }
0x2f: {  	p0 =	sne.s32 s1, $0x0;
	s21 =	sld [smem:$0x5];
	s24 =	sshrl.u32 s0, $0x1  }
0x30: {  	s23 =	sld [smem:$0x6];
	s0 =	ssub.s32 s0, s24;
	s25 =	sshrl.u32 s20, $0x3  }
0x31: {  	[dreg:$0xe] =	wrdreg s26;
	s0 =	smax.u32 s0, $0x1;
	s1 =	sadd.s32 $0x3080, s25  }
0x32: {  	_ =	strace $0x80000047;
	[smem:$0x7FD] =	sst s0;
	s2 =	sadd.s32 s3, s1  }
0x33: {  	s3 =	sadd.s32 s4, s1;
	[dreg:$0xf] =	wrdreg s2  }
0x34: {  	s4 =	sadd.s32 s5, s1;
	[dreg:$0x10] =	wrdreg s3  }
0x35: {  	s5 =	sadd.s32 s6, s1;
	[dreg:$0x11] =	wrdreg s4  }
0x36: {  	s6 =	sadd.s32 s7, s1;
	[dreg:$0x12] =	wrdreg s5  }
0x37: {  	s7 =	sadd.s32 s8, s1;
	[dreg:$0x13] =	wrdreg s6  }
0x38: {  	s8 =	sadd.s32 s9, s1;
	[dreg:$0x14] =	wrdreg s7  }
0x39: {  	s9 =	sadd.s32 s10, s1;
	[dreg:$0x15] =	wrdreg s8  }
0x3a: {  	s10 =	sadd.s32 s11, s1;
	[dreg:$0x16] =	wrdreg s9  }
0x3b: {  	s11 =	sadd.s32 s12, s1;
	[dreg:$0x17] =	wrdreg s10  }
0x3c: {  	s12 =	sadd.s32 s13, s1;
	[dreg:$0x18] =	wrdreg s11  }
0x3d: {  	s13 =	sadd.s32 s15, s1;
	[dreg:$0x19] =	wrdreg s12  }
0x3e: {  	s22 =	sadd.s32 s16, s1;
	[dreg:$0x1a] =	wrdreg s13  }
0x3f: {  	s24 =	sadd.s32 s17, s1;
	[dreg:$0x1b] =	wrdreg s22  }
0x40: {  	s28 =	simm.s32 $0x2;
	s25 =	sadd.s32 s18, s1;
	[dreg:$0x1c] =	wrdreg s24  }
0x41: {  	s29 =	simm.s32 $0x80;
	s26 =	sadd.s32 s19, s1;
	[dreg:$0x1d] =	wrdreg s25  }
0x42: {  	s30 =	simm.s32 $0x1D738;
	s1 =	sadd.s32 s21, s1;
	[dreg:$0x1e] =	wrdreg s26  }
0x43: {  	s31 =	simm.s32 $0x1DB38;
	s0 =	simm.s32 $0xC380;
	[dreg:$0x1f] =	wrdreg s1  }
0x44: {  	s1 =	simm.s32 $0x19338;
	s2 =	simm.s32 $0x19738;
	s5 =	simm.s32 $0x3  }
0x45: {  	s6 =	simm.s32 $0x1;
	s11 =	simm.s32 $0x1BF38;
	s12 =	simm.s32 $0x1C338  }
0x46: {  	s13 =	simm.s32 $0x1C738;
	s24 =	simm.s32 $0x1CB38;
	s25 =	simm.s32 $0x1CF38  }
0x47: {  	s26 =	simm.s32 $0x1D338;
	s22 =	simm.s32 $0x4;
	s4 =	simm.s32 $0x0  }
.LBB3_1:
0x48: {  	[smem:$0x7FC] =	sst s4  }
0x49: {  	s3 =	sshrl.u32 @!p0 s23, $0x3;
	s4 =	simm.s32 @!p0 $0x1C05;
	s7 =	rddreg [dreg:$0x2]  }
0x4a: {  	[spmem:s3], [sflag:s4] =	dma.local @!p0 [hbm:s7], $0x1870  }
0x4b: {  	s3 =	simm.s32 @!p0 $0x5  }
0x4c: {  	_ =	swait.ge @!p0 [sflag:s3], $0x1870  }
0x4d: {  	[sflag:s3] =	ssyncset.done @!p0 $0x0  }
0x4e: {  	[sflag:s3] =	ssyncadd.s32 @!p0 $0xFFFFE790  }
0x4f: {  	s9 =	simm.s32 $0x5;
	s3 =	rddreg [dreg:$0x0]  }
0x50: {  	[tilespmem:s14], [sflag:$0x5] =	stream.linear.gather [hbm4b:s3+s14], $0xC380, $0x38;
	[tilespmem:$0x1DF38] =	vst v63  }
0x51: {  	_ =	swait.ge [sflag:s9], $0xC380  }
0x52: {  	[sflag:s9] =	ssyncset.done $0x0  }
0x53: {  	[sflag:s9] =	ssyncadd.s32 $0xFFFF3C80  }
0x54: {  	s10 =	rddreg [dreg:$0x1]  }
0x55: {  	[tilespmem:s0], [sflag:$0x5] =	stream.linear.gather [hbm4b:s10+s14], $0xC380, $0x38;
	[tilespmem:$0x1DF38] =	vst v63  }
0x56: {  	_ =	swait.ge [sflag:s9], $0xC380  }
0x57: {  	[sflag:s9] =	ssyncset.done $0x0  }
0x58: {  	[sflag:s9] =	ssyncadd.s32 $0xFFFF3C80  }
0x59: {  	s3 =	simm.s32 $0x0;
	[bflag:$0x0] =	sbarrier.arrive $0xFFFF  }
.LBB3_2:
0x5a: {  	s4 =	sshll.u32 s3, $0xA  }
0x5b: {  	s4 =	sadd.s32 s20, s4  }
0x5c: {  	s7 =	rddreg [dreg:$0x3];
	s4 =	sshrl.u32 s4, $0x3  }
0x5d: {  	s8 =	simm.s32 $0x0;
	s9 =	rddreg [dreg:$0x4];
	s7 =	sadd.s32 s7, s4  }
0x5e: {  	[tilespmem:s1], [sflag:$0x2] =	stream.linear.gather [hbm4b:s7+s8], $0x400, $0x38;
	[tilespmem:$0x1DF38] =	vst v63  }
0x5f: {  	s10 =	rddreg [dreg:$0x5];
	s7 =	sadd.s32 s9, s4  }
0x60: {  	[tilespmem:s2], [sflag:$0x2] =	stream.linear.gather [hbm4b:s7+s8], $0x400, $0x38;
	[tilespmem:$0x1DF38] =	vst v63  }
0x61: {  	s9 =	simm.s32 $0x1A338;
	s7 =	sadd.s32 s10, s4  }
0x62: {  	[tilespmem:s9], [sflag:$0x3] =	stream.linear.gather [hbm4b:s7+s8], $0x400, $0x38;
	[tilespmem:$0x1DF38] =	vst v63  }
0x63: {  	s9 =	rddreg [dreg:$0x6]  }
0x64: {  	s10 =	simm.s32 $0x1A738;
	s7 =	sadd.s32 s9, s4;
	s9 =	rddreg [dreg:$0x7]  }
0x65: {  	[tilespmem:s10], [sflag:$0x3] =	stream.linear.gather [hbm4b:s7+s8], $0x400, $0x38;
	[tilespmem:$0x1DF38] =	vst v63  }
0x66: {  	s7 =	sadd.s32 s9, s4;
	s10 =	simm.s32 $0x1AB38  }
0x67: {  	[tilespmem:s10], [sflag:$0x3] =	stream.linear.gather [hbm4b:s7+s8], $0x400, $0x38;
	[tilespmem:$0x1DF38] =	vst v63  }
0x68: {  	_ =	swait.ge [sflag:s28], $0x400  }
0x69: {  	[sflag:s28] =	ssyncset.done $0x0  }
0x6a: {  	[sflag:s28] =	ssyncadd.s32 $0xFFFFFC00  }
0x6b: {  	_ =	swait.ge [sflag:s28], $0x400  }
0x6c: {  	[sflag:s28] =	ssyncset.done $0x0  }
0x6d: {  	s10 =	simm.s32 $0x19B38;
	[sflag:s28] =	ssyncadd.s32 $0xFFFFFC00  }
0x6e: {  	[tilespmem:s10], [sflag:$0x1] =	stream.indirect.gather [spmem:s23], $0x1, s1, s29, $0xb8;
	[tilespmem:$0x1DF38] =	vst v63  }
0x6f: {  	s8 =	simm.s32 $0x19F38  }
0x70: {  	[tilespmem:s8], [sflag:$0x1] =	stream.indirect.gather [spmem:s23], $0x1, s2, s29, $0xb8;
	[tilespmem:$0x1DF38] =	vst v63  }
0x71: {  	s9 =	simm.s32 $0x193B8;
	s10 =	simm.s32 $0x19BB8  }
0x72: {  	[tilespmem:s10], [sflag:$0x1] =	stream.indirect.gather [spmem:s23], $0x1, s9, s29, $0xb8;
	[tilespmem:$0x1DF38] =	vst v63  }
0x73: {  	s9 =	simm.s32 $0x197B8;
	s10 =	simm.s32 $0x19FB8  }
0x74: {  	[tilespmem:s10], [sflag:$0x1] =	stream.indirect.gather [spmem:s23], $0x1, s9, s29, $0xb8;
	[tilespmem:$0x1DF38] =	vst v63  }
0x75: {  	s9 =	simm.s32 $0x19438;
	s10 =	simm.s32 $0x19C38  }
0x76: {  	[tilespmem:s10], [sflag:$0x1] =	stream.indirect.gather [spmem:s23], $0x1, s9, s29, $0xb8;
	[tilespmem:$0x1DF38] =	vst v63  }
0x77: {  	s9 =	simm.s32 $0x19838;
	s10 =	simm.s32 $0x1A038  }
0x78: {  	[tilespmem:s10], [sflag:$0x1] =	stream.indirect.gather [spmem:s23], $0x1, s9, s29, $0xb8;
	[tilespmem:$0x1DF38] =	vst v63  }
0x79: {  	s9 =	simm.s32 $0x194B8;
	s10 =	simm.s32 $0x19CB8  }
0x7a: {  	[tilespmem:s10], [sflag:$0x1] =	stream.indirect.gather [spmem:s23], $0x1, s9, s29, $0xb8;
	[tilespmem:$0x1DF38] =	vst v63  }
0x7b: {  	s9 =	simm.s32 $0x198B8;
	s10 =	simm.s32 $0x1A0B8  }
0x7c: {  	[tilespmem:s10], [sflag:$0x1] =	stream.indirect.gather [spmem:s23], $0x1, s9, s29, $0xb8;
	[tilespmem:$0x1DF38] =	vst v63  }
0x7d: {  	s9 =	simm.s32 $0x19538;
	s10 =	simm.s32 $0x19D38  }
0x7e: {  	[tilespmem:s10], [sflag:$0x1] =	stream.indirect.gather [spmem:s23], $0x1, s9, s29, $0xb8;
	[tilespmem:$0x1DF38] =	vst v63  }
0x7f: {  	s9 =	simm.s32 $0x19938;
	s10 =	simm.s32 $0x1A138  }
0x80: {  	[tilespmem:s10], [sflag:$0x1] =	stream.indirect.gather [spmem:s23], $0x1, s9, s29, $0xb8;
	[tilespmem:$0x1DF38] =	vst v63  }
0x81: {  	s9 =	simm.s32 $0x195B8;
	s10 =	simm.s32 $0x19DB8  }
0x82: {  	[tilespmem:s10], [sflag:$0x1] =	stream.indirect.gather [spmem:s23], $0x1, s9, s29, $0xb8;
	[tilespmem:$0x1DF38] =	vst v63  }
0x83: {  	s9 =	simm.s32 $0x199B8;
	s10 =	simm.s32 $0x1A1B8  }
0x84: {  	[tilespmem:s10], [sflag:$0x1] =	stream.indirect.gather [spmem:s23], $0x1, s9, s29, $0xb8;
	[tilespmem:$0x1DF38] =	vst v63  }
0x85: {  	s9 =	simm.s32 $0x19638;
	s10 =	simm.s32 $0x19E38  }
0x86: {  	[tilespmem:s10], [sflag:$0x1] =	stream.indirect.gather [spmem:s23], $0x1, s9, s29, $0xb8;
	[tilespmem:$0x1DF38] =	vst v63  }
0x87: {  	s9 =	simm.s32 $0x19A38;
	s10 =	simm.s32 $0x1A238  }
0x88: {  	[tilespmem:s10], [sflag:$0x1] =	stream.indirect.gather [spmem:s23], $0x1, s9, s29, $0xb8;
	[tilespmem:$0x1DF38] =	vst v63  }
0x89: {  	s9 =	simm.s32 $0x196B8;
	s10 =	simm.s32 $0x19EB8  }
0x8a: {  	[tilespmem:s10], [sflag:$0x1] =	stream.indirect.gather [spmem:s23], $0x1, s9, s29, $0xb8;
	[tilespmem:$0x1DF38] =	vst v63  }
0x8b: {  	s9 =	simm.s32 $0x19AB8;
	s10 =	simm.s32 $0x1A2B8  }
0x8c: {  	[tilespmem:s10], [sflag:$0x1] =	stream.indirect.gather [spmem:s23], $0x1, s9, s29, $0xb8;
	[tilespmem:$0x1DF38] =	vst v63  }
0x8d: {  	_ =	swait.ge [sflag:s5], $0x400  }
0x8e: {  	[sflag:s5] =	ssyncset.done $0x0  }
0x8f: {  	[sflag:s5] =	ssyncadd.s32 $0xFFFFFC00  }
0x90: {  	_ =	swait.ge [sflag:s5], $0x400  }
0x91: {  	[sflag:s5] =	ssyncset.done $0x0  }
0x92: {  	[sflag:s5] =	ssyncadd.s32 $0xFFFFFC00  }
0x93: {  	_ =	swait.ge [sflag:s5], $0x400  }
0x94: {  	[sflag:s5] =	ssyncset.done $0x0  }
0x95: {  	[sflag:s5] =	ssyncadd.s32 $0xFFFFFC00  }
0x96: {  	_ =	swait.ge [sflag:s6], $0x80  }
0x97: {  	[sflag:s6] =	ssyncset.done $0x0  }
0x98: {  	[sflag:s6] =	ssyncadd.s32 $0xFFFFFF80  }
0x99: {  	_ =	swait.ge [sflag:s6], $0x80  }
0x9a: {  	[sflag:s6] =	ssyncset.done $0x0  }
0x9b: {  	[sflag:s6] =	ssyncadd.s32 $0xFFFFFF80  }
0x9c: {  	_ =	swait.ge [sflag:s6], $0x80  }
0x9d: {  	[sflag:s6] =	ssyncset.done $0x0  }
0x9e: {  	[sflag:s6] =	ssyncadd.s32 $0xFFFFFF80  }
0x9f: {  	_ =	swait.ge [sflag:s6], $0x80  }
0xa0: {  	[sflag:s6] =	ssyncset.done $0x0  }
0xa1: {  	[sflag:s6] =	ssyncadd.s32 $0xFFFFFF80  }
0xa2: {  	_ =	swait.ge [sflag:s6], $0x80  }
0xa3: {  	[sflag:s6] =	ssyncset.done $0x0  }
0xa4: {  	[sflag:s6] =	ssyncadd.s32 $0xFFFFFF80  }
0xa5: {  	_ =	swait.ge [sflag:s6], $0x80  }
0xa6: {  	[sflag:s6] =	ssyncset.done $0x0  }
0xa7: {  	[sflag:s6] =	ssyncadd.s32 $0xFFFFFF80  }
0xa8: {  	_ =	swait.ge [sflag:s6], $0x80  }
0xa9: {  	[sflag:s6] =	ssyncset.done $0x0  }
0xaa: {  	[sflag:s6] =	ssyncadd.s32 $0xFFFFFF80  }
0xab: {  	_ =	swait.ge [sflag:s6], $0x80  }
0xac: {  	[sflag:s6] =	ssyncset.done $0x0  }
0xad: {  	[sflag:s6] =	ssyncadd.s32 $0xFFFFFF80  }
0xae: {  	_ =	swait.ge [sflag:s6], $0x80  }
0xaf: {  	[sflag:s6] =	ssyncset.done $0x0  }
0xb0: {  	[sflag:s6] =	ssyncadd.s32 $0xFFFFFF80  }
0xb1: {  	_ =	swait.ge [sflag:s6], $0x80  }
0xb2: {  	[sflag:s6] =	ssyncset.done $0x0  }
0xb3: {  	[sflag:s6] =	ssyncadd.s32 $0xFFFFFF80  }
0xb4: {  	_ =	swait.ge [sflag:s6], $0x80  }
0xb5: {  	[sflag:s6] =	ssyncset.done $0x0  }
0xb6: {  	[sflag:s6] =	ssyncadd.s32 $0xFFFFFF80  }
0xb7: {  	_ =	swait.ge [sflag:s6], $0x80  }
0xb8: {  	[sflag:s6] =	ssyncset.done $0x0  }
0xb9: {  	[sflag:s6] =	ssyncadd.s32 $0xFFFFFF80  }
0xba: {  	_ =	swait.ge [sflag:s6], $0x80  }
0xbb: {  	[sflag:s6] =	ssyncset.done $0x0  }
0xbc: {  	[sflag:s6] =	ssyncadd.s32 $0xFFFFFF80  }
0xbd: {  	_ =	swait.ge [sflag:s6], $0x80  }
0xbe: {  	[sflag:s6] =	ssyncset.done $0x0  }
0xbf: {  	[sflag:s6] =	ssyncadd.s32 $0xFFFFFF80  }
0xc0: {  	_ =	swait.ge [sflag:s6], $0x80  }
0xc1: {  	[sflag:s6] =	ssyncset.done $0x0  }
0xc2: {  	[sflag:s6] =	ssyncadd.s32 $0xFFFFFF80  }
0xc3: {  	_ =	swait.ge [sflag:s6], $0x80  }
0xc4: {  	[sflag:s6] =	ssyncset.done $0x0  }
0xc5: {  	s7 =	simm.s32 $0x0;
	[sflag:s6] =	ssyncadd.s32 $0xFFFFFF80  }
0xc6: {  	v0 =	vld [tilespmem:s7+$0x19338];
	_ =	sdelay $0x1  }
0xc7: {  	v1 =	vld [tilespmem:s7+$0x19738];
	_ =	sdelay $0x3  }
0xc8: {  	v2 =	vld [tilespmem:s7+$0x19B38]  }
0xc9: {  	v3 =	vld [tilespmem:s7+$0x19F38]  }
0xca: {  	v4 =	vld.idx.msk [tilespmem:v0+s14+$0x0], $0xffff  }
0xcb: {  	v0 =	vld.idx.msk [tilespmem:v0+s0+$0x0], $0xffff  }
0xcc: {  	v5 =	vld.idx.msk [tilespmem:v1+s14+$0x0], $0xffff  }
0xcd: {  	v1 =	vld.idx.msk [tilespmem:v1+s0+$0x0], $0xffff  }
0xce: {  	v6 =	vld [tilespmem:s7+$0x1A738]  }
0xcf: {  	v7 =	vld [tilespmem:s7+$0x1A338];
	_ =	sdelay $0x1  }
0xd0: {  	v8 =	vld [tilespmem:s7+$0x1AB38]  }
0xd1: {  	v4 =	vsub.f32 v5, v4;
	v0 =	vsub.f32 v1, v0  }
0xd2: {  	v1 =	vsub.f32 v3, v2  }
0xd3: {  	v2 =	vadd.f32 v7, v4;
	v0 =	vadd.f32 v6, v0;
	_ =	sdelay $0x1  }
0xd4: {  	v1 =	vadd.f32 v8, v1;
	v3 =	vmul.f32 v2, v2;
	v4 =	vmul.f32 v0, v0;
	_ =	sdelay $0x1  }
0xd5: {  	v5 =	vmul.f32 v1, v1;
	v3 =	vadd.f32 v4, v3;
	_ =	sdelay $0x1  }
0xd6: {  	v3 =	vadd.f32 v5, v3;
	_ =	sdelay $0x1  }
0xd7: {  	v4 =	vshra.s32 v3, $0x1;
	v5 =	vmul.f32 $5.000000000e-01, v3  }
0xd8: {  	v4 =	vsub.s32 $0x5F3759DF, v4  }
0xd9: {  	v6 =	vmul.f32 v4, v5;
	_ =	sdelay $0x1  }
0xda: {  	v6 =	vmul.f32 v4, v6;
	_ =	sdelay $0x1  }
0xdb: {  	v6 =	vsub.f32 $1.500000000e+00, v6;
	_ =	sdelay $0x1  }
0xdc: {  	v4 =	vmul.f32 v4, v6;
	_ =	sdelay $0x1  }
0xdd: {  	v5 =	vmul.f32 v4, v5;
	_ =	sdelay $0x1  }
0xde: {  	v5 =	vmul.f32 v5, v4;
	_ =	sdelay $0x1  }
0xdf: {  	v5 =	vsub.f32 $1.500000000e+00, v5;
	_ =	sdelay $0x1  }
0xe0: {  	v4 =	vmul.f32 v5, v4  }
0xe1: {  	vm0 =	vgt.f32 v3, $0.0e+00  }
0xe2: {  	v4 =	vnsel vm0, $0x0, v4  }
0xe3: {  	[tilespmem:s7+$0x1B338] =	vst v0;
	v7 =	vmul.f32 v4, v0;
	v0 =	vmul.f32 v4, v3  }
0xe4: {  	[tilespmem:s7+$0x1AF38] =	vst v2;
	v2 =	vmul.f32 v4, v2;
	v4 =	vmul.f32 v4, v1  }
0xe5: {  	[tilespmem:s7+$0x1B738] =	vst v1;
	v1 =	vmul.f32 $3.872983220e+00, v7  }
0xe6: {  	v6 =	vmul.f32 v2, v2;
	v8 =	vmul.f32 v4, v4  }
0xe7: {  	v3 =	vmul.f32 $1.732050780e+00, v7;
	v10 =	vmul.f32 $3.872983220e+00, v2  }
0xe8: {  	s9 =	simm.s32 $0x10;
	[tilespmem:s7+$0x1BB38] =	vst v0;
	v11 =	vmul.f32 $1.732050780e+00, v4;
	v9 =	vmul.f32 v1, v4;
	v12 =	vadd.f32 v8, v6  }
0xe9: {  	v5 =	vmul.f32 $1.732050780e+00, v2;
	v0 =	vld [tilespmem:s9+$0x19338];
	[tilespmem:s7+$0x1C338] =	vst v3;
	v3 =	vmul.f32 v7, v7;
	v13 =	vsub.f32 v8, v6  }
0xea: {  	v4 =	vmul.f32 v10, v4;
	v1 =	vld [tilespmem:s9+$0x19738];
	[tilespmem:s7+$0x1D738] =	vst v9;
	v6 =	vmul.f32 $5.000000000e-01, v12  }
0xeb: {  	s8 =	simm.s32 $0x80;
	v8 =	vmul.f32 v10, v7;
	v7 =	vmul.f32 $1.936491610e+00, v13;
	v2 =	vld [tilespmem:s9+$0x19B38];
	[tilespmem:s7+$0x1C738] =	vst v11  }
.LBB3_3:
0xec: {  	p1 =	sne.s32 s8, $0xFC0;
	v9 =	vld [tilespmem:s9+$0x19F38];
	[tilespmem:s7+$0x1BF38] =	vst v5;
	v3 =	vsub.f32 v3, v6;
	s10 =	smov.u32 s8;
	s8 =	sadd.s32 $0x40, s8  }
0xed: {  	[tilespmem:s7+$0x1CF38] =	vst v8  }
0xee: {  	v3 =	vmul.f32 $2.236068010e+00, v3;
	[tilespmem:s7+$0x1DB38] =	vst v7  }
0xef: {  	[tilespmem:s7+$0x1CB38] =	vst v4  }
0xf0: {  	[tilespmem:s7+$0x1D338] =	vst v3;
	s7 =	smov.u32 s9  }
0xf1: {  	v3 =	vld.idx.msk [tilespmem:v0+s14+$0x0], $0xffff;
	v2 =	vsub.f32 v9, v2  }
0xf2: {  	v0 =	vld.idx.msk [tilespmem:v0+s0+$0x0], $0xffff  }
0xf3: {  	v4 =	vld.idx.msk [tilespmem:v1+s14+$0x0], $0xffff  }
0xf4: {  	v1 =	vld.idx.msk [tilespmem:v1+s0+$0x0], $0xffff  }
0xf5: {  	v5 =	vld [tilespmem:s7+$0x1A738]  }
0xf6: {  	v6 =	vld [tilespmem:s7+$0x1A338];
	_ =	sdelay $0x1  }
0xf7: {  	v7 =	vld [tilespmem:s7+$0x1AB38]  }
0xf8: {  	v3 =	vsub.f32 v4, v3  }
0xf9: {  	v0 =	vsub.f32 v1, v0  }
0xfa: {  	v1 =	vadd.f32 v6, v3  }
0xfb: {  	v0 =	vadd.f32 v5, v0  }
0xfc: {  	v2 =	vadd.f32 v7, v2;
	v3 =	vmul.f32 v1, v1;
	[tilespmem:s7+$0x1AF38] =	vst v1  }
0xfd: {  	v4 =	vmul.f32 v0, v0;
	[tilespmem:s7+$0x1B338] =	vst v0  }
0xfe: {  	v5 =	vmul.f32 v2, v2;
	[tilespmem:s7+$0x1B738] =	vst v2  }
0xff: {  	v3 =	vadd.f32 v4, v3;
	_ =	sdelay $0x1  }
0x100: {  	v3 =	vadd.f32 v5, v3;
	_ =	sdelay $0x1  }
0x101: {  	v4 =	vshra.s32 v3, $0x1;
	v5 =	vmul.f32 $5.000000000e-01, v3  }
0x102: {  	v4 =	vsub.s32 $0x5F3759DF, v4  }
0x103: {  	v6 =	vmul.f32 v4, v5;
	_ =	sdelay $0x1  }
0x104: {  	v6 =	vmul.f32 v4, v6;
	_ =	sdelay $0x1  }
0x105: {  	v6 =	vsub.f32 $1.500000000e+00, v6;
	_ =	sdelay $0x1  }
0x106: {  	v4 =	vmul.f32 v4, v6;
	_ =	sdelay $0x1  }
0x107: {  	v5 =	vmul.f32 v4, v5;
	_ =	sdelay $0x1  }
0x108: {  	v5 =	vmul.f32 v5, v4;
	_ =	sdelay $0x1  }
0x109: {  	v5 =	vsub.f32 $1.500000000e+00, v5;
	_ =	sdelay $0x1  }
0x10a: {  	vm0 =	vgt.f32 v3, $0.0e+00;
	v4 =	vmul.f32 v5, v4;
	_ =	sdelay $0x1  }
0x10b: {  	v4 =	vnsel vm0, $0x0, v4  }
0x10c: {  	v1 =	vmul.f32 v4, v1;
	v2 =	vmul.f32 v4, v2  }
0x10d: {  	v7 =	vmul.f32 v4, v0;
	v0 =	vmul.f32 v4, v3  }
0x10e: {  	v8 =	vmul.f32 $3.872983220e+00, v1;
	v4 =	vmul.f32 v1, v1  }
0x10f: {  	v6 =	vmul.f32 v2, v2;
	[tilespmem:s7+$0x1BB38] =	vst v0;
	v0 =	vmul.f32 $3.872983220e+00, v7  }
.Ltmp0:
0x110: {  	v9 =	vmul.f32 $1.732050780e+00, v7;
	v10 =	vmul.f32 $1.732050780e+00, v2;
	(pc) =	sbr.rel @p1 .LBB3_3-.Ltmp0, $4  }
0x111: {  	s9 =	sshra.s32 s10, $0x2;
	v3 =	vmul.f32 v7, v7;
	v11 =	vadd.f32 v6, v4;
	v12 =	vmul.f32 v0, v2  }
0x112: {  	v5 =	vmul.f32 $1.732050780e+00, v1;
	v0 =	vld [tilespmem:s9+$0x19338];
	[tilespmem:s7+$0x1C338] =	vst v9;
	v9 =	vsub.f32 v6, v4  }
0x113: {  	v4 =	vmul.f32 v8, v2;
	v6 =	vmul.f32 $5.000000000e-01, v11;
	v1 =	vld [tilespmem:s9+$0x19738];
	[tilespmem:s7+$0x1D738] =	vst v12  }
0x114: {  	v8 =	vmul.f32 v8, v7;
	v2 =	vld [tilespmem:s9+$0x19B38];
	[tilespmem:s7+$0x1C738] =	vst v10;
	v7 =	vmul.f32 $1.936491610e+00, v9  }
0x115: {  	_ = 	snop  }
0x116: {  	v9 =	vld [tilespmem:s9+$0x19F38];
	[tilespmem:s7+$0x1BF38] =	vst v5;
	v3 =	vsub.f32 v3, v6  }
0x117: {  	[tilespmem:s7+$0x1CB38] =	vst v4  }
0x118: {  	[tilespmem:s7+$0x1CF38] =	vst v8;
	v3 =	vmul.f32 $2.236068010e+00, v3  }
0x119: {  	[tilespmem:s7+$0x1DB38] =	vst v7  }
0x11a: {  	[tilespmem:s7+$0x1D338] =	vst v3  }
0x11b: {  	v3 =	vld.idx.msk [tilespmem:v0+s14+$0x0], $0xffff  }
0x11c: {  	v40 =	vld.idx.msk [tilespmem:v0+s0+$0x0], $0xffff  }
0x11d: {  	v4 =	vld.idx.msk [tilespmem:v1+s14+$0x0], $0xffff  }
0x11e: {  	v41 =	vld.idx.msk [tilespmem:v1+s0+$0x0], $0xffff  }
0x11f: {  	v5 =	vld [tilespmem:s9+$0x1A738]  }
0x120: {  	v42 =	vld [tilespmem:s9+$0x1A338];
	_ =	sdelay $0x1  }
0x121: {  	v7 =	vld [tilespmem:s9+$0x1AB38]  }
0x122: {  	v3 =	vsub.f32 v4, v3;
	v0 =	vsub.f32 v41, v40  }
0x123: {  	v43 =	vsub.f32 v9, v2  }
0x124: {  	v44 =	vadd.f32 v42, v3;
	v0 =	vadd.f32 v5, v0;
	_ =	sdelay $0x1  }
0x125: {  	v1 =	vadd.f32 v7, v43;
	v3 =	vmul.f32 v44, v44;
	v45 =	vmul.f32 v0, v0;
	_ =	sdelay $0x1  }
0x126: {  	v46 =	vmul.f32 v1, v1;
	v3 =	vadd.f32 v45, v3;
	_ =	sdelay $0x1  }
0x127: {  	v3 =	vadd.f32 v46, v3;
	_ =	sdelay $0x1  }
0x128: {  	v47 =	vshra.s32 v3, $0x1;
	v5 =	vmul.f32 $5.000000000e-01, v3  }
0x129: {  	v4 =	vsub.s32 $0x5F3759DF, v47  }
0x12a: {  	v48 =	vmul.f32 v4, v5;
	_ =	sdelay $0x1  }
0x12b: {  	v6 =	vmul.f32 v4, v48;
	_ =	sdelay $0x1  }
0x12c: {  	v6 =	vsub.f32 $1.500000000e+00, v6;
	_ =	sdelay $0x1  }
0x12d: {  	v4 =	vmul.f32 v4, v6;
	_ =	sdelay $0x1  }
0x12e: {  	v5 =	vmul.f32 v4, v5;
	_ =	sdelay $0x1  }
0x12f: {  	v5 =	vmul.f32 v5, v4;
	_ =	sdelay $0x1  }
0x130: {  	v5 =	vsub.f32 $1.500000000e+00, v5;
	_ =	sdelay $0x1  }
0x131: {  	v4 =	vmul.f32 v5, v4  }
0x132: {  	vm0 =	vgt.f32 v3, $0.0e+00  }
0x133: {  	v4 =	vnsel vm0, $0x0, v4  }
0x134: {  	v49 =	vmul.f32 v4, v44;
	v50 =	vmul.f32 v4, v1  }
0x135: {  	[tilespmem:s9+$0x1B738] =	vst v1;
	v51 =	vmul.f32 v4, v0;
	v52 =	vmul.f32 v4, v3  }
0x136: {  	[tilespmem:s9+$0x1AF38] =	vst v44;
	v53 =	vmul.f32 v49, v49;
	v54 =	vmul.f32 v50, v50  }
0x137: {  	[tilespmem:s9+$0x1B338] =	vst v0;
	v55 =	vmul.f32 $3.872983220e+00, v51;
	v56 =	vmul.f32 $1.732050780e+00, v51  }
0x138: {  	v57 =	vmul.f32 $3.872983220e+00, v49;
	[tilespmem:s9+$0x1BB38] =	vst v52;
	v59 =	vmul.f32 $1.732050780e+00, v50;
	v58 =	vadd.f32 v54, v53  }
0x139: {  	v10 =	vmul.f32 v51, v51;
	v60 =	vmul.f32 $1.732050780e+00, v49;
	[tilespmem:s9+$0x1C338] =	vst v56  }
0x13a: {  	v4 =	vmul.f32 v55, v50;
	[tilespmem:s9+$0x1C738] =	vst v59;
	v2 =	vmul.f32 $5.000000000e-01, v58  }
0x13b: {  	v0 =	vsub.f32 v54, v53;
	v61 =	vmul.f32 v57, v51;
	[tilespmem:s9+$0x1BF38] =	vst v60  }
0x13c: {  	v63 =	vmul.f32 v57, v50;
	[tilespmem:s9+$0x1D738] =	vst v4;
	v62 =	vsub.f32 v10, v2  }
0x13d: {  	v0 =	vmul.f32 $1.936491610e+00, v0;
	[tilespmem:s9+$0x1CF38] =	vst v61  }
0x13e: {  	[tilespmem:s9+$0x1CB38] =	vst v63;
	v1 =	vmul.f32 $2.236068010e+00, v62  }
0x13f: {  	s8 =	rddreg [dreg:$0x8];
	[tilespmem:s9+$0x1DB38] =	vst v0  }
0x140: {  	s7 =	sadd.s32 s8, s4;
	s8 =	simm.s32 $0x1AF38;
	[tilespmem:s9+$0x1D338] =	vst v1;
	s9 =	rddreg [dreg:$0x9]  }
0x141: {  	[hbm4b:s7+s14] =	stream.linear.scatter [tilespmem:s8], [sflag:$0x4], $0x400, $0x38;
	[tilespmem:$0x1DF38] =	vst v63  }
0x142: {  	s10 =	simm.s32 $0x1B338;
	s7 =	sadd.s32 s9, s4;
	s9 =	rddreg [dreg:$0xa]  }
0x143: {  	[hbm4b:s7+s14] =	stream.linear.scatter [tilespmem:s10], [sflag:$0x4], $0x400, $0x38;
	[tilespmem:$0x1DF38] =	vst v63  }
0x144: {  	s7 =	sadd.s32 s9, s4;
	s10 =	simm.s32 $0x1B738;
	s9 =	rddreg [dreg:$0xb]  }
0x145: {  	[hbm4b:s7+s14] =	stream.linear.scatter [tilespmem:s10], [sflag:$0x4], $0x400, $0x38;
	[tilespmem:$0x1DF38] =	vst v63  }
0x146: {  	s7 =	sadd.s32 s9, s4;
	s10 =	simm.s32 $0x1BB38;
	s9 =	rddreg [dreg:$0xc]  }
0x147: {  	[hbm4b:s7+s14] =	stream.linear.scatter [tilespmem:s10], [sflag:$0x4], $0x400, $0x38;
	[tilespmem:$0x1DF38] =	vst v63  }
0x148: {  	s7 =	sadd.s32 s9, s4;
	s10 =	rddreg [dreg:$0xd]  }
0x149: {  	[hbm4b:s7+s14] =	stream.linear.scatter [tilespmem:s11], [sflag:$0x4], $0x400, $0x38;
	[tilespmem:$0x1DF38] =	vst v63  }
0x14a: {  	s7 =	sadd.s32 s10, s4  }
0x14b: {  	[hbm4b:s7+s14] =	stream.linear.scatter [tilespmem:s12], [sflag:$0x4], $0x400, $0x38;
	[tilespmem:$0x1DF38] =	vst v63  }
0x14c: {  	s8 =	sadd.s32 s15, s4  }
0x14d: {  	[hbm4b:s8+s14] =	stream.linear.scatter [tilespmem:s13], [sflag:$0x4], $0x400, $0x38;
	[tilespmem:$0x1DF38] =	vst v63  }
0x14e: {  	s9 =	sadd.s32 s16, s4  }
0x14f: {  	[hbm4b:s9+s14] =	stream.linear.scatter [tilespmem:s24], [sflag:$0x4], $0x400, $0x38;
	[tilespmem:$0x1DF38] =	vst v63  }
0x150: {  	s10 =	sadd.s32 s17, s4  }
0x151: {  	[hbm4b:s10+s14] =	stream.linear.scatter [tilespmem:s25], [sflag:$0x4], $0x400, $0x38;
	[tilespmem:$0x1DF38] =	vst v63  }
0x152: {  	s8 =	sadd.s32 s18, s4  }
0x153: {  	[hbm4b:s8+s14] =	stream.linear.scatter [tilespmem:s26], [sflag:$0x4], $0x400, $0x38;
	[tilespmem:$0x1DF38] =	vst v63  }
0x154: {  	s9 =	sadd.s32 s19, s4  }
0x155: {  	[hbm4b:s9+s14] =	stream.linear.scatter [tilespmem:s30], [sflag:$0x4], $0x400, $0x38;
	[tilespmem:$0x1DF38] =	vst v63  }
0x156: {  	s10 =	sadd.s32 s21, s4  }
0x157: {  	[hbm4b:s10+s14] =	stream.linear.scatter [tilespmem:s31], [sflag:$0x4], $0x400, $0x38;
	[tilespmem:$0x1DF38] =	vst v63  }
0x158: {  	_ =	swait.ge [sflag:s22], $0x400  }
0x159: {  	[sflag:s22] =	ssyncset.done $0x0  }
0x15a: {  	[sflag:s22] =	ssyncadd.s32 $0xFFFFFC00  }
0x15b: {  	_ =	swait.ge [sflag:s22], $0x400  }
0x15c: {  	[sflag:s22] =	ssyncset.done $0x0  }
0x15d: {  	[sflag:s22] =	ssyncadd.s32 $0xFFFFFC00  }
0x15e: {  	_ =	swait.ge [sflag:s22], $0x400  }
0x15f: {  	[sflag:s22] =	ssyncset.done $0x0  }
0x160: {  	[sflag:s22] =	ssyncadd.s32 $0xFFFFFC00  }
0x161: {  	_ =	swait.ge [sflag:s22], $0x400  }
0x162: {  	[sflag:s22] =	ssyncset.done $0x0  }
0x163: {  	[sflag:s22] =	ssyncadd.s32 $0xFFFFFC00  }
0x164: {  	_ =	swait.ge [sflag:s22], $0x400  }
0x165: {  	[sflag:s22] =	ssyncset.done $0x0  }
0x166: {  	[sflag:s22] =	ssyncadd.s32 $0xFFFFFC00  }
0x167: {  	_ =	swait.ge [sflag:s22], $0x400  }
0x168: {  	[sflag:s22] =	ssyncset.done $0x0  }
0x169: {  	[sflag:s22] =	ssyncadd.s32 $0xFFFFFC00  }
0x16a: {  	_ =	swait.ge [sflag:s22], $0x400  }
0x16b: {  	[sflag:s22] =	ssyncset.done $0x0  }
0x16c: {  	[sflag:s22] =	ssyncadd.s32 $0xFFFFFC00  }
0x16d: {  	_ =	swait.ge [sflag:s22], $0x400  }
0x16e: {  	[sflag:s22] =	ssyncset.done $0x0  }
0x16f: {  	[sflag:s22] =	ssyncadd.s32 $0xFFFFFC00  }
0x170: {  	_ =	swait.ge [sflag:s22], $0x400  }
0x171: {  	[sflag:s22] =	ssyncset.done $0x0  }
0x172: {  	[sflag:s22] =	ssyncadd.s32 $0xFFFFFC00  }
0x173: {  	_ =	swait.ge [sflag:s22], $0x400  }
0x174: {  	[sflag:s22] =	ssyncset.done $0x0  }
0x175: {  	s3 =	sadd.s32 $0x1, s3;
	[sflag:s22] =	ssyncadd.s32 $0xFFFFFC00  }
0x176: {  	p1 =	sne.s32 s3, $0x61;
	_ =	swait.ge [sflag:s22], $0x400  }
.Ltmp1:
0x177: {  	[sflag:s22] =	ssyncset.done $0x0;
	(pc) =	sbr.rel @p1 .LBB3_2-.Ltmp1, $4  }
0x178: {  	[sflag:s22] =	ssyncadd.s32 $0xFFFFFC00  }
0x179: {  	_ =	swait.ge [sflag:s22], $0x400  }
0x17a: {  	[sflag:s22] =	ssyncset.done $0x0  }
0x17b: {  	[sflag:s22] =	ssyncadd.s32 $0xFFFFFC00  }
0x17c: {  	s3 =	simm.s32 $0x0;
	s4 =	rddreg [dreg:$0xf]  }
0x17d: {  	[tilespmem:s1], [sflag:$0x2] =	stream.linear.gather [hbm4b:s4+s3], $0x2A0, $0x38;
	[tilespmem:$0x1DF38] =	vst v63  }
0x17e: {  	s7 =	rddreg [dreg:$0x10]  }
0x17f: {  	[tilespmem:s2], [sflag:$0x2] =	stream.linear.gather [hbm4b:s7+s3], $0x2A0, $0x38;
	[tilespmem:$0x1DF38] =	vst v63  }
0x180: {  	s8 =	rddreg [dreg:$0x11];
	s7 =	simm.s32 $0x1A338  }
0x181: {  	[tilespmem:s7], [sflag:$0x3] =	stream.linear.gather [hbm4b:s8+s3], $0x2A0, $0x38;
	[tilespmem:$0x1DF38] =	vst v63  }
0x182: {  	s9 =	rddreg [dreg:$0x12];
	s10 =	simm.s32 $0x1A738  }
0x183: {  	[tilespmem:s10], [sflag:$0x3] =	stream.linear.gather [hbm4b:s9+s3], $0x2A0, $0x38;
	[tilespmem:$0x1DF38] =	vst v63  }
0x184: {  	s8 =	rddreg [dreg:$0x13];
	s9 =	simm.s32 $0x1AB38  }
0x185: {  	[tilespmem:s9], [sflag:$0x3] =	stream.linear.gather [hbm4b:s8+s3], $0x2A0, $0x38;
	[tilespmem:$0x1DF38] =	vst v63  }
0x186: {  	_ =	swait.ge [sflag:s28], $0x2A0  }
0x187: {  	[sflag:s28] =	ssyncset.done $0x0  }
0x188: {  	[sflag:s28] =	ssyncadd.s32 $0xFFFFFD60  }
0x189: {  	_ =	swait.ge [sflag:s28], $0x2A0  }
0x18a: {  	[sflag:s28] =	ssyncset.done $0x0  }
0x18b: {  	s10 =	simm.s32 $0x19B38;
	[sflag:s28] =	ssyncadd.s32 $0xFFFFFD60  }
0x18c: {  	[tilespmem:s10], [sflag:$0x1] =	stream.indirect.gather [spmem:s23], $0x1, s1, s29, $0xb8;
	[tilespmem:$0x1DF38] =	vst v63  }
0x18d: {  	s4 =	simm.s32 $0x19F38  }
0x18e: {  	[tilespmem:s4], [sflag:$0x1] =	stream.indirect.gather [spmem:s23], $0x1, s2, s29, $0xb8;
	[tilespmem:$0x1DF38] =	vst v63  }
0x18f: {  	s7 =	simm.s32 $0x193B8;
	s8 =	simm.s32 $0x19BB8  }
0x190: {  	[tilespmem:s8], [sflag:$0x1] =	stream.indirect.gather [spmem:s23], $0x1, s7, s29, $0xb8;
	[tilespmem:$0x1DF38] =	vst v63  }
0x191: {  	s9 =	simm.s32 $0x197B8;
	s10 =	simm.s32 $0x19FB8  }
0x192: {  	[tilespmem:s10], [sflag:$0x1] =	stream.indirect.gather [spmem:s23], $0x1, s9, s29, $0xb8;
	[tilespmem:$0x1DF38] =	vst v63  }
0x193: {  	s7 =	simm.s32 $0x19438;
	s8 =	simm.s32 $0x19C38  }
0x194: {  	[tilespmem:s8], [sflag:$0x1] =	stream.indirect.gather [spmem:s23], $0x1, s7, s29, $0xb8;
	[tilespmem:$0x1DF38] =	vst v63  }
0x195: {  	s9 =	simm.s32 $0x19838;
	s10 =	simm.s32 $0x1A038  }
0x196: {  	[tilespmem:s10], [sflag:$0x1] =	stream.indirect.gather [spmem:s23], $0x1, s9, s29, $0xb8;
	[tilespmem:$0x1DF38] =	vst v63  }
0x197: {  	s7 =	simm.s32 $0x194B8;
	s8 =	simm.s32 $0x19CB8  }
0x198: {  	[tilespmem:s8], [sflag:$0x1] =	stream.indirect.gather [spmem:s23], $0x1, s7, s29, $0xb8;
	[tilespmem:$0x1DF38] =	vst v63  }
0x199: {  	s9 =	simm.s32 $0x198B8;
	s10 =	simm.s32 $0x1A0B8  }
0x19a: {  	[tilespmem:s10], [sflag:$0x1] =	stream.indirect.gather [spmem:s23], $0x1, s9, s29, $0xb8;
	[tilespmem:$0x1DF38] =	vst v63  }
0x19b: {  	s7 =	simm.s32 $0x19538;
	s8 =	simm.s32 $0x19D38  }
0x19c: {  	[tilespmem:s8], [sflag:$0x1] =	stream.indirect.gather [spmem:s23], $0x1, s7, s29, $0xb8;
	[tilespmem:$0x1DF38] =	vst v63  }
0x19d: {  	s9 =	simm.s32 $0x19938;
	s10 =	simm.s32 $0x1A138  }
0x19e: {  	[tilespmem:s10], [sflag:$0x1] =	stream.indirect.gather [spmem:s23], $0x1, s9, s29, $0xb8;
	[tilespmem:$0x1DF38] =	vst v63  }
0x19f: {  	s4 =	simm.s32 $0x195B8;
	s7 =	simm.s32 $0x19DB8;
	s8 =	simm.s32 $0x20  }
0x1a0: {  	[tilespmem:s7], [sflag:$0x1] =	stream.indirect.gather [spmem:s23], $0x1, s4, s8, $0xb8;
	[tilespmem:$0x1DF38] =	vst v63  }
0x1a1: {  	s9 =	simm.s32 $0x199B8;
	s10 =	simm.s32 $0x1A1B8  }
0x1a2: {  	[tilespmem:s10], [sflag:$0x1] =	stream.indirect.gather [spmem:s23], $0x1, s9, s8, $0xb8;
	[tilespmem:$0x1DF38] =	vst v63  }
0x1a3: {  	_ =	swait.ge [sflag:s5], $0x2A0  }
0x1a4: {  	[sflag:s5] =	ssyncset.done $0x0  }
0x1a5: {  	[sflag:s5] =	ssyncadd.s32 $0xFFFFFD60  }
0x1a6: {  	_ =	swait.ge [sflag:s5], $0x2A0  }
0x1a7: {  	[sflag:s5] =	ssyncset.done $0x0  }
0x1a8: {  	[sflag:s5] =	ssyncadd.s32 $0xFFFFFD60  }
0x1a9: {  	_ =	swait.ge [sflag:s5], $0x2A0  }
0x1aa: {  	[sflag:s5] =	ssyncset.done $0x0  }
0x1ab: {  	[sflag:s5] =	ssyncadd.s32 $0xFFFFFD60  }
0x1ac: {  	_ =	swait.ge [sflag:s6], $0x80  }
0x1ad: {  	[sflag:s6] =	ssyncset.done $0x0  }
0x1ae: {  	[sflag:s6] =	ssyncadd.s32 $0xFFFFFF80  }
0x1af: {  	_ =	swait.ge [sflag:s6], $0x80  }
0x1b0: {  	[sflag:s6] =	ssyncset.done $0x0  }
0x1b1: {  	[sflag:s6] =	ssyncadd.s32 $0xFFFFFF80  }
0x1b2: {  	_ =	swait.ge [sflag:s6], $0x80  }
0x1b3: {  	[sflag:s6] =	ssyncset.done $0x0  }
0x1b4: {  	[sflag:s6] =	ssyncadd.s32 $0xFFFFFF80  }
0x1b5: {  	_ =	swait.ge [sflag:s6], $0x80  }
0x1b6: {  	[sflag:s6] =	ssyncset.done $0x0  }
0x1b7: {  	[sflag:s6] =	ssyncadd.s32 $0xFFFFFF80  }
0x1b8: {  	_ =	swait.ge [sflag:s6], $0x80  }
0x1b9: {  	[sflag:s6] =	ssyncset.done $0x0  }
0x1ba: {  	[sflag:s6] =	ssyncadd.s32 $0xFFFFFF80  }
0x1bb: {  	_ =	swait.ge [sflag:s6], $0x80  }
0x1bc: {  	[sflag:s6] =	ssyncset.done $0x0  }
0x1bd: {  	[sflag:s6] =	ssyncadd.s32 $0xFFFFFF80  }
0x1be: {  	_ =	swait.ge [sflag:s6], $0x80  }
0x1bf: {  	[sflag:s6] =	ssyncset.done $0x0  }
0x1c0: {  	[sflag:s6] =	ssyncadd.s32 $0xFFFFFF80  }
0x1c1: {  	_ =	swait.ge [sflag:s6], $0x80  }
0x1c2: {  	[sflag:s6] =	ssyncset.done $0x0  }
0x1c3: {  	[sflag:s6] =	ssyncadd.s32 $0xFFFFFF80  }
0x1c4: {  	_ =	swait.ge [sflag:s6], $0x80  }
0x1c5: {  	[sflag:s6] =	ssyncset.done $0x0  }
0x1c6: {  	[sflag:s6] =	ssyncadd.s32 $0xFFFFFF80  }
0x1c7: {  	_ =	swait.ge [sflag:s6], $0x80  }
0x1c8: {  	[sflag:s6] =	ssyncset.done $0x0  }
0x1c9: {  	[sflag:s6] =	ssyncadd.s32 $0xFFFFFF80  }
0x1ca: {  	_ =	swait.ge [sflag:s6], $0x20  }
0x1cb: {  	[sflag:s6] =	ssyncset.done $0x0  }
0x1cc: {  	[sflag:s6] =	ssyncadd.s32 $0xFFFFFFE0  }
0x1cd: {  	_ =	swait.ge [sflag:s6], $0x20  }
0x1ce: {  	[sflag:s6] =	ssyncset.done $0x0  }
0x1cf: {  	s3 =	simm.s32 $0x0;
	[sflag:s6] =	ssyncadd.s32 $0xFFFFFFE0  }
0x1d0: {  	v0 =	vld [tilespmem:s3+$0x19338];
	_ =	sdelay $0x1  }
0x1d1: {  	v1 =	vld [tilespmem:s3+$0x19738];
	_ =	sdelay $0x3  }
0x1d2: {  	v2 =	vld [tilespmem:s3+$0x19B38]  }
0x1d3: {  	v3 =	vld [tilespmem:s3+$0x19F38]  }
0x1d4: {  	v4 =	vld.idx.msk [tilespmem:v0+s14+$0x0], $0xffff  }
0x1d5: {  	v0 =	vld.idx.msk [tilespmem:v0+s0+$0x0], $0xffff  }
0x1d6: {  	v5 =	vld.idx.msk [tilespmem:v1+s14+$0x0], $0xffff  }
0x1d7: {  	v1 =	vld.idx.msk [tilespmem:v1+s0+$0x0], $0xffff  }
0x1d8: {  	v6 =	vld [tilespmem:s3+$0x1A738]  }
0x1d9: {  	v7 =	vld [tilespmem:s3+$0x1A338];
	_ =	sdelay $0x1  }
0x1da: {  	v8 =	vld [tilespmem:s3+$0x1AB38]  }
0x1db: {  	v4 =	vsub.f32 v5, v4;
	v0 =	vsub.f32 v1, v0  }
0x1dc: {  	v1 =	vsub.f32 v3, v2  }
0x1dd: {  	v2 =	vadd.f32 v7, v4;
	v0 =	vadd.f32 v6, v0;
	_ =	sdelay $0x1  }
0x1de: {  	v1 =	vadd.f32 v8, v1;
	v3 =	vmul.f32 v2, v2;
	v4 =	vmul.f32 v0, v0;
	_ =	sdelay $0x1  }
0x1df: {  	v5 =	vmul.f32 v1, v1;
	v3 =	vadd.f32 v4, v3;
	_ =	sdelay $0x1  }
0x1e0: {  	v3 =	vadd.f32 v5, v3;
	_ =	sdelay $0x1  }
0x1e1: {  	v4 =	vshra.s32 v3, $0x1;
	v5 =	vmul.f32 $5.000000000e-01, v3  }
0x1e2: {  	v4 =	vsub.s32 $0x5F3759DF, v4  }
0x1e3: {  	v6 =	vmul.f32 v4, v5;
	_ =	sdelay $0x1  }
0x1e4: {  	v6 =	vmul.f32 v4, v6;
	_ =	sdelay $0x1  }
0x1e5: {  	v6 =	vsub.f32 $1.500000000e+00, v6;
	_ =	sdelay $0x1  }
0x1e6: {  	v4 =	vmul.f32 v4, v6;
	_ =	sdelay $0x1  }
0x1e7: {  	v5 =	vmul.f32 v4, v5;
	_ =	sdelay $0x1  }
0x1e8: {  	v5 =	vmul.f32 v5, v4;
	_ =	sdelay $0x1  }
0x1e9: {  	v5 =	vsub.f32 $1.500000000e+00, v5;
	_ =	sdelay $0x1  }
0x1ea: {  	v4 =	vmul.f32 v5, v4  }
0x1eb: {  	vm0 =	vgt.f32 v3, $0.0e+00  }
0x1ec: {  	v4 =	vnsel vm0, $0x0, v4  }
0x1ed: {  	[tilespmem:s3+$0x1B338] =	vst v0;
	v7 =	vmul.f32 v4, v0;
	v0 =	vmul.f32 v4, v3  }
0x1ee: {  	[tilespmem:s3+$0x1AF38] =	vst v2;
	v2 =	vmul.f32 v4, v2;
	v4 =	vmul.f32 v4, v1  }
0x1ef: {  	[tilespmem:s3+$0x1B738] =	vst v1;
	v1 =	vmul.f32 $3.872983220e+00, v7  }
0x1f0: {  	v6 =	vmul.f32 v2, v2;
	v8 =	vmul.f32 v4, v4  }
0x1f1: {  	v3 =	vmul.f32 $1.732050780e+00, v7;
	v10 =	vmul.f32 $3.872983220e+00, v2  }
0x1f2: {  	s7 =	simm.s32 $0x10;
	[tilespmem:s3+$0x1BB38] =	vst v0;
	v11 =	vmul.f32 $1.732050780e+00, v4;
	v9 =	vmul.f32 v1, v4;
	v12 =	vadd.f32 v8, v6  }
0x1f3: {  	v5 =	vmul.f32 $1.732050780e+00, v2;
	v0 =	vld [tilespmem:s7+$0x19338];
	[tilespmem:s3+$0x1C338] =	vst v3;
	v3 =	vmul.f32 v7, v7;
	v13 =	vsub.f32 v8, v6  }
0x1f4: {  	v4 =	vmul.f32 v10, v4;
	v1 =	vld [tilespmem:s7+$0x19738];
	[tilespmem:s3+$0x1D738] =	vst v9;
	v6 =	vmul.f32 $5.000000000e-01, v12  }
0x1f5: {  	s4 =	simm.s32 $0x80;
	v8 =	vmul.f32 v10, v7;
	v7 =	vmul.f32 $1.936491610e+00, v13;
	v2 =	vld [tilespmem:s7+$0x19B38];
	[tilespmem:s3+$0x1C738] =	vst v11  }
.LBB3_6:
0x1f6: {  	p1 =	sne.s32 s4, $0xA40;
	v9 =	vld [tilespmem:s7+$0x19F38];
	[tilespmem:s3+$0x1BF38] =	vst v5;
	v3 =	vsub.f32 v3, v6;
	s8 =	smov.u32 s4;
	s4 =	sadd.s32 $0x40, s4  }
0x1f7: {  	[tilespmem:s3+$0x1CF38] =	vst v8  }
0x1f8: {  	v3 =	vmul.f32 $2.236068010e+00, v3;
	[tilespmem:s3+$0x1DB38] =	vst v7  }
0x1f9: {  	[tilespmem:s3+$0x1CB38] =	vst v4  }
0x1fa: {  	[tilespmem:s3+$0x1D338] =	vst v3;
	s3 =	smov.u32 s7  }
0x1fb: {  	v3 =	vld.idx.msk [tilespmem:v0+s14+$0x0], $0xffff;
	v2 =	vsub.f32 v9, v2  }
0x1fc: {  	v0 =	vld.idx.msk [tilespmem:v0+s0+$0x0], $0xffff  }
0x1fd: {  	v4 =	vld.idx.msk [tilespmem:v1+s14+$0x0], $0xffff  }
0x1fe: {  	v1 =	vld.idx.msk [tilespmem:v1+s0+$0x0], $0xffff  }
0x1ff: {  	v5 =	vld [tilespmem:s3+$0x1A738]  }
0x200: {  	v6 =	vld [tilespmem:s3+$0x1A338];
	_ =	sdelay $0x1  }
0x201: {  	v7 =	vld [tilespmem:s3+$0x1AB38]  }
0x202: {  	v3 =	vsub.f32 v4, v3  }
0x203: {  	v0 =	vsub.f32 v1, v0  }
0x204: {  	v1 =	vadd.f32 v6, v3  }
0x205: {  	v0 =	vadd.f32 v5, v0  }
0x206: {  	v2 =	vadd.f32 v7, v2;
	v3 =	vmul.f32 v1, v1;
	[tilespmem:s3+$0x1AF38] =	vst v1  }
0x207: {  	v4 =	vmul.f32 v0, v0;
	[tilespmem:s3+$0x1B338] =	vst v0  }
0x208: {  	v5 =	vmul.f32 v2, v2;
	[tilespmem:s3+$0x1B738] =	vst v2  }
0x209: {  	v3 =	vadd.f32 v4, v3;
	_ =	sdelay $0x1  }
0x20a: {  	v3 =	vadd.f32 v5, v3;
	_ =	sdelay $0x1  }
0x20b: {  	v4 =	vshra.s32 v3, $0x1;
	v5 =	vmul.f32 $5.000000000e-01, v3  }
0x20c: {  	v4 =	vsub.s32 $0x5F3759DF, v4  }
0x20d: {  	v6 =	vmul.f32 v4, v5;
	_ =	sdelay $0x1  }
0x20e: {  	v6 =	vmul.f32 v4, v6;
	_ =	sdelay $0x1  }
0x20f: {  	v6 =	vsub.f32 $1.500000000e+00, v6;
	_ =	sdelay $0x1  }
0x210: {  	v4 =	vmul.f32 v4, v6;
	_ =	sdelay $0x1  }
0x211: {  	v5 =	vmul.f32 v4, v5;
	_ =	sdelay $0x1  }
0x212: {  	v5 =	vmul.f32 v5, v4;
	_ =	sdelay $0x1  }
0x213: {  	v5 =	vsub.f32 $1.500000000e+00, v5;
	_ =	sdelay $0x1  }
0x214: {  	vm0 =	vgt.f32 v3, $0.0e+00;
	v4 =	vmul.f32 v5, v4;
	_ =	sdelay $0x1  }
0x215: {  	v4 =	vnsel vm0, $0x0, v4  }
0x216: {  	v1 =	vmul.f32 v4, v1;
	v2 =	vmul.f32 v4, v2  }
0x217: {  	v7 =	vmul.f32 v4, v0;
	v0 =	vmul.f32 v4, v3  }
0x218: {  	v8 =	vmul.f32 $3.872983220e+00, v1;
	v4 =	vmul.f32 v1, v1  }
0x219: {  	v6 =	vmul.f32 v2, v2;
	[tilespmem:s3+$0x1BB38] =	vst v0;
	v0 =	vmul.f32 $3.872983220e+00, v7  }
.Ltmp2:
0x21a: {  	v9 =	vmul.f32 $1.732050780e+00, v7;
	v10 =	vmul.f32 $1.732050780e+00, v2;
	(pc) =	sbr.rel @p1 .LBB3_6-.Ltmp2, $4  }
0x21b: {  	s7 =	sshra.s32 s8, $0x2;
	v3 =	vmul.f32 v7, v7;
	v11 =	vadd.f32 v6, v4;
	v12 =	vmul.f32 v0, v2  }
0x21c: {  	v5 =	vmul.f32 $1.732050780e+00, v1;
	v0 =	vld [tilespmem:s7+$0x19338];
	[tilespmem:s3+$0x1C338] =	vst v9;
	v9 =	vsub.f32 v6, v4  }
0x21d: {  	v4 =	vmul.f32 v8, v2;
	v6 =	vmul.f32 $5.000000000e-01, v11;
	v1 =	vld [tilespmem:s7+$0x19738];
	[tilespmem:s3+$0x1D738] =	vst v12  }
0x21e: {  	v8 =	vmul.f32 v8, v7;
	v2 =	vld [tilespmem:s7+$0x19B38];
	[tilespmem:s3+$0x1C738] =	vst v10;
	v7 =	vmul.f32 $1.936491610e+00, v9  }
0x21f: {  	_ = 	snop  }
0x220: {  	v9 =	vld [tilespmem:s7+$0x19F38];
	[tilespmem:s3+$0x1BF38] =	vst v5;
	v3 =	vsub.f32 v3, v6  }
0x221: {  	[tilespmem:s3+$0x1CB38] =	vst v4  }
0x222: {  	[tilespmem:s3+$0x1CF38] =	vst v8;
	v3 =	vmul.f32 $2.236068010e+00, v3  }
0x223: {  	[tilespmem:s3+$0x1DB38] =	vst v7  }
0x224: {  	[tilespmem:s3+$0x1D338] =	vst v3  }
0x225: {  	v3 =	vld.idx.msk [tilespmem:v0+s14+$0x0], $0xffff  }
0x226: {  	v40 =	vld.idx.msk [tilespmem:v0+s0+$0x0], $0xffff  }
0x227: {  	v4 =	vld.idx.msk [tilespmem:v1+s14+$0x0], $0xffff  }
0x228: {  	v41 =	vld.idx.msk [tilespmem:v1+s0+$0x0], $0xffff  }
0x229: {  	v5 =	vld [tilespmem:s7+$0x1A738]  }
0x22a: {  	v42 =	vld [tilespmem:s7+$0x1A338];
	_ =	sdelay $0x1  }
0x22b: {  	v7 =	vld [tilespmem:s7+$0x1AB38]  }
0x22c: {  	v3 =	vsub.f32 v4, v3;
	v0 =	vsub.f32 v41, v40  }
0x22d: {  	v43 =	vsub.f32 v9, v2  }
0x22e: {  	v44 =	vadd.f32 v42, v3;
	v0 =	vadd.f32 v5, v0;
	_ =	sdelay $0x1  }
0x22f: {  	v1 =	vadd.f32 v7, v43;
	v3 =	vmul.f32 v44, v44;
	v45 =	vmul.f32 v0, v0;
	_ =	sdelay $0x1  }
0x230: {  	v46 =	vmul.f32 v1, v1;
	v3 =	vadd.f32 v45, v3;
	_ =	sdelay $0x1  }
0x231: {  	v3 =	vadd.f32 v46, v3;
	_ =	sdelay $0x1  }
0x232: {  	v47 =	vshra.s32 v3, $0x1;
	v5 =	vmul.f32 $5.000000000e-01, v3  }
0x233: {  	v4 =	vsub.s32 $0x5F3759DF, v47  }
0x234: {  	v48 =	vmul.f32 v4, v5;
	_ =	sdelay $0x1  }
0x235: {  	v6 =	vmul.f32 v4, v48;
	_ =	sdelay $0x1  }
0x236: {  	v6 =	vsub.f32 $1.500000000e+00, v6;
	_ =	sdelay $0x1  }
0x237: {  	v4 =	vmul.f32 v4, v6;
	_ =	sdelay $0x1  }
0x238: {  	v5 =	vmul.f32 v4, v5;
	_ =	sdelay $0x1  }
0x239: {  	v5 =	vmul.f32 v5, v4;
	_ =	sdelay $0x1  }
0x23a: {  	v5 =	vsub.f32 $1.500000000e+00, v5;
	_ =	sdelay $0x1  }
0x23b: {  	v4 =	vmul.f32 v5, v4  }
0x23c: {  	vm0 =	vgt.f32 v3, $0.0e+00  }
0x23d: {  	v4 =	vnsel vm0, $0x0, v4  }
0x23e: {  	v49 =	vmul.f32 v4, v44;
	v50 =	vmul.f32 v4, v1  }
0x23f: {  	[tilespmem:s7+$0x1B738] =	vst v1;
	v51 =	vmul.f32 v4, v0;
	v52 =	vmul.f32 v4, v3  }
0x240: {  	[tilespmem:s7+$0x1AF38] =	vst v44;
	v53 =	vmul.f32 v49, v49;
	v54 =	vmul.f32 v50, v50  }
0x241: {  	[tilespmem:s7+$0x1B338] =	vst v0;
	v55 =	vmul.f32 $3.872983220e+00, v51;
	v56 =	vmul.f32 $1.732050780e+00, v51  }
0x242: {  	v57 =	vmul.f32 $3.872983220e+00, v49;
	[tilespmem:s7+$0x1BB38] =	vst v52;
	v59 =	vmul.f32 $1.732050780e+00, v50;
	v58 =	vadd.f32 v54, v53  }
0x243: {  	v10 =	vmul.f32 v51, v51;
	v60 =	vmul.f32 $1.732050780e+00, v49;
	[tilespmem:s7+$0x1C338] =	vst v56  }
0x244: {  	v4 =	vmul.f32 v55, v50;
	[tilespmem:s7+$0x1C738] =	vst v59;
	v2 =	vmul.f32 $5.000000000e-01, v58  }
0x245: {  	v0 =	vsub.f32 v54, v53;
	v61 =	vmul.f32 v57, v51;
	[tilespmem:s7+$0x1BF38] =	vst v60  }
0x246: {  	v63 =	vmul.f32 v57, v50;
	[tilespmem:s7+$0x1D738] =	vst v4;
	v62 =	vsub.f32 v10, v2  }
0x247: {  	v0 =	vmul.f32 $1.936491610e+00, v0;
	[tilespmem:s7+$0x1CF38] =	vst v61  }
0x248: {  	[tilespmem:s7+$0x1CB38] =	vst v63;
	v1 =	vmul.f32 $2.236068010e+00, v62  }
0x249: {  	[tilespmem:s7+$0x1DB38] =	vst v0  }
0x24a: {  	s8 =	rddreg [dreg:$0x14];
	s4 =	simm.s32 $0x1AF38;
	[tilespmem:s7+$0x1D338] =	vst v1  }
0x24b: {  	[hbm4b:s8+s14] =	stream.linear.scatter [tilespmem:s4], [sflag:$0x4], $0x2A0, $0x38;
	[tilespmem:$0x1DF38] =	vst v63  }
0x24c: {  	s9 =	rddreg [dreg:$0x15];
	s10 =	simm.s32 $0x1B338  }
0x24d: {  	[hbm4b:s9+s14] =	stream.linear.scatter [tilespmem:s10], [sflag:$0x4], $0x2A0, $0x38;
	[tilespmem:$0x1DF38] =	vst v63  }
0x24e: {  	s7 =	rddreg [dreg:$0x16];
	s8 =	simm.s32 $0x1B738  }
0x24f: {  	[hbm4b:s7+s14] =	stream.linear.scatter [tilespmem:s8], [sflag:$0x4], $0x2A0, $0x38;
	[tilespmem:$0x1DF38] =	vst v63  }
0x250: {  	s9 =	rddreg [dreg:$0x17];
	s10 =	simm.s32 $0x1BB38  }
0x251: {  	[hbm4b:s9+s14] =	stream.linear.scatter [tilespmem:s10], [sflag:$0x4], $0x2A0, $0x38;
	[tilespmem:$0x1DF38] =	vst v63  }
0x252: {  	s4 =	rddreg [dreg:$0x18]  }
0x253: {  	[hbm4b:s4+s14] =	stream.linear.scatter [tilespmem:s11], [sflag:$0x4], $0x2A0, $0x38;
	[tilespmem:$0x1DF38] =	vst v63  }
0x254: {  	s7 =	rddreg [dreg:$0x19]  }
0x255: {  	[hbm4b:s7+s14] =	stream.linear.scatter [tilespmem:s12], [sflag:$0x4], $0x2A0, $0x38;
	[tilespmem:$0x1DF38] =	vst v63  }
0x256: {  	s8 =	rddreg [dreg:$0x1a]  }
0x257: {  	[hbm4b:s8+s14] =	stream.linear.scatter [tilespmem:s13], [sflag:$0x4], $0x2A0, $0x38;
	[tilespmem:$0x1DF38] =	vst v63  }
0x258: {  	s9 =	rddreg [dreg:$0x1b]  }
0x259: {  	[hbm4b:s9+s14] =	stream.linear.scatter [tilespmem:s24], [sflag:$0x4], $0x2A0, $0x38;
	[tilespmem:$0x1DF38] =	vst v63  }
0x25a: {  	s10 =	rddreg [dreg:$0x1c]  }
0x25b: {  	[hbm4b:s10+s14] =	stream.linear.scatter [tilespmem:s25], [sflag:$0x4], $0x2A0, $0x38;
	[tilespmem:$0x1DF38] =	vst v63  }
0x25c: {  	s4 =	rddreg [dreg:$0x1d]  }
0x25d: {  	[hbm4b:s4+s14] =	stream.linear.scatter [tilespmem:s26], [sflag:$0x4], $0x2A0, $0x38;
	[tilespmem:$0x1DF38] =	vst v63  }
0x25e: {  	s7 =	rddreg [dreg:$0x1e]  }
0x25f: {  	[hbm4b:s7+s14] =	stream.linear.scatter [tilespmem:s30], [sflag:$0x4], $0x2A0, $0x38;
	[tilespmem:$0x1DF38] =	vst v63  }
0x260: {  	s8 =	rddreg [dreg:$0x1f]  }
0x261: {  	[hbm4b:s8+s14] =	stream.linear.scatter [tilespmem:s31], [sflag:$0x4], $0x2A0, $0x38;
	[tilespmem:$0x1DF38] =	vst v63  }
0x262: {  	_ =	swait.ge [sflag:s22], $0x2A0  }
0x263: {  	[sflag:s22] =	ssyncset.done $0x0  }
0x264: {  	[sflag:s22] =	ssyncadd.s32 $0xFFFFFD60  }
0x265: {  	_ =	swait.ge [sflag:s22], $0x2A0  }
0x266: {  	[sflag:s22] =	ssyncset.done $0x0  }
0x267: {  	[sflag:s22] =	ssyncadd.s32 $0xFFFFFD60  }
0x268: {  	_ =	swait.ge [sflag:s22], $0x2A0  }
0x269: {  	[sflag:s22] =	ssyncset.done $0x0  }
0x26a: {  	[sflag:s22] =	ssyncadd.s32 $0xFFFFFD60  }
0x26b: {  	_ =	swait.ge [sflag:s22], $0x2A0  }
0x26c: {  	[sflag:s22] =	ssyncset.done $0x0  }
0x26d: {  	[sflag:s22] =	ssyncadd.s32 $0xFFFFFD60  }
0x26e: {  	_ =	swait.ge [sflag:s22], $0x2A0  }
0x26f: {  	[sflag:s22] =	ssyncset.done $0x0  }
0x270: {  	[sflag:s22] =	ssyncadd.s32 $0xFFFFFD60  }
0x271: {  	_ =	swait.ge [sflag:s22], $0x2A0  }
0x272: {  	[sflag:s22] =	ssyncset.done $0x0  }
0x273: {  	[sflag:s22] =	ssyncadd.s32 $0xFFFFFD60  }
0x274: {  	_ =	swait.ge [sflag:s22], $0x2A0  }
0x275: {  	[sflag:s22] =	ssyncset.done $0x0  }
0x276: {  	[sflag:s22] =	ssyncadd.s32 $0xFFFFFD60  }
0x277: {  	_ =	swait.ge [sflag:s22], $0x2A0  }
0x278: {  	[sflag:s22] =	ssyncset.done $0x0  }
0x279: {  	[sflag:s22] =	ssyncadd.s32 $0xFFFFFD60  }
0x27a: {  	_ =	swait.ge [sflag:s22], $0x2A0  }
0x27b: {  	[sflag:s22] =	ssyncset.done $0x0  }
0x27c: {  	[sflag:s22] =	ssyncadd.s32 $0xFFFFFD60  }
0x27d: {  	_ =	swait.ge [sflag:s22], $0x2A0  }
0x27e: {  	[sflag:s22] =	ssyncset.done $0x0  }
0x27f: {  	[sflag:s22] =	ssyncadd.s32 $0xFFFFFD60  }
0x280: {  	_ =	swait.ge [sflag:s22], $0x2A0  }
0x281: {  	[sflag:s22] =	ssyncset.done $0x0  }
0x282: {  	[sflag:s22] =	ssyncadd.s32 $0xFFFFFD60  }
0x283: {  	_ =	swait.ge [sflag:s22], $0x2A0  }
0x284: {  	s9 =	sld [smem:$0x7FC]  }
0x285: {  	s10 =	sld [smem:$0x7FD];
	_ =	sdelay $0x1  }
0x286: {  	s4 =	sadd.s32 $0x1, s9  }
0x287: {  	p1 =	sne.s32 s4, s10  }
.Ltmp3:
0x288: {  	_ = 	snop;
	(pc) =	sbr.rel @p1 .LBB3_1-.Ltmp3, $3  }
0x289: {  	_ =	sdelay $0x1  }
0x28a: {  	[sflag:s22] =	ssyncset.done $0x0  }
0x28b: {  	[sflag:s22] =	ssyncadd.s32 $0xFFFFFD60  }
0x28c: {  	_ =	sfence.sel $0x180000  }
0x28d: {  	[bflag:$0x0] =	sbarrier.arrive $0xFFFF  }
0x28e: {  	_ =	strace $0x90000047  }
0x28f: {  	[bflag:$0x2] =	sbarrier.arrive $0xFFFF  }
0x290: {  	s0 =	rddreg [dreg:$0xe]  }
0x291: {  	s0 =	sadd.s32 @!p0 $0x100000, s0  }
0x292: {  	[sflag:s0] =	ssyncadd.tile.s32 @!p0 $0x1;
	_ =	shalt  }
.Lfunc_end3:
_tile_overlayer_lowered:
.L_overlay_start_3:
0x293: {  	(tag) =	ssettag $0x3  }
0x294: {  	s0 =	rddreg [dreg:$0x0];
	s2 =	stileid.u32  }
0x295: {  	s1 =	rddreg [dreg:$0x1];
	p0 =	sne.s32 s2, $0x0  }
0x296: {  	s3 =	rddreg [dreg:$0x2];
	[bflag:$0x3] =	sbarrier.arrive $0xFFFF;
	s2 =	simm.s32 @!p0 $0x1C05  }
0x297: {  	[timem:s3], [sflag:s2] =	dma.local @!p0 [hbm:s0], s1  }
0x298: {  	s0 =	simm.s32 @!p0 $0x5  }
0x299: {  	_ =	swait.ge @!p0 [sflag:s0], s1  }
0x29a: {  	s1 =	ssub.s32 @!p0 $0x0, s1;
	[sflag:s0] =	ssyncset.done @!p0 $0x0  }
0x29b: {  	[sflag:s0] =	ssyncadd.s32 @!p0 s1  }
0x29c: {  	[bflag:$0x3] =	sbarrier.arrive $0xFFFF  }
0x29d: {  	_ =	shalt  }

</sc_bundles>
